<compile_context>
chip_gen: v7x
topology: tpu7x:2x2x1
jax: 0.10.2.dev20260603
libtpu: 0.0.44.dev20260713+nightly
codegen_flags: <defaults>
</compile_context>

<pallas_src>
import dataclasses

import jax
import jax.numpy as jnp
from jax import lax
from jax.experimental import pallas as pl
from jax.experimental.pallas import tpu as pltpu
from jax.experimental.pallas import tpu_sc as plsc

_N_MATCHES = 16384
_NW = 32
_TPW = _N_MATCHES // _NW
_IDX_CHUNK = 128
_LN2 = 0.6931471805599453
_SQRT2 = 1.4142135623730951
_LOG_TOT = 0.10536051565782628
_LOG_DRAW_OUT = -2.302585092994046
_N_PLAYERS = 1000000
_PAD_TO = 1000448


def _log1p16(w):
    bits = plsc.bitcast(w, jnp.int32)
    e = (bits >> 23) - 127
    m = plsc.bitcast((bits & 0x007FFFFF) | 0x3F800000, jnp.float32)
    big = m > _SQRT2
    m = jnp.where(big, m * 0.5, m)
    e = jnp.where(big, e + 1, e)
    u = m - 1.0
    p = u * (1.0 - u * (1.0 / 2.0 - u * (1.0 / 3.0 - u * (1.0 / 4.0 - u * (1.0 / 5.0 - u * (1.0 / 6.0))))))
    return e.astype(jnp.float32) * _LN2 + p


def _body(skill_hbm, pairs_hbm, res_hbm, out_hbm,
          pidx, gath, res, outv, sem, rsem):
    c = lax.axis_index("c")
    s = lax.axis_index("s")
    wid = s * 2 + c
    base = wid * _TPW
    res_cp = pltpu.async_copy(res_hbm.at[pl.ds(base, _TPW)], res, rsem)
    pltpu.sync_copy(pairs_hbm.at[pl.ds(base * 2, 2 * _TPW)], pidx)
    n_chunks = 2 * _TPW // _IDX_CHUNK
    copies = [
        pltpu.async_copy(
            skill_hbm.at[pidx.at[pl.ds(j * _IDX_CHUNK, _IDX_CHUNK)]],
            gath.at[pl.ds(j * _IDX_CHUNK, _IDX_CHUNK)],
            sem,
        )
        for j in range(n_chunks)
    ]
    res_cp.wait()
    for j in range(0, n_chunks, 2):
        copies[j].wait()
        copies[j + 1].wait()
        a = j // 2
        for gg in range(8):
            g = a * 8 + gg
            off = 256 * a + 16 * gg
            si = gath[pl.ds(off, 16)]
            sj = gath[pl.ds(off + 128, 16)]
            d = si - sj
            ell = _log1p16(1.0 + jnp.exp(-d))
            r = res[pl.ds(g * 16, 16)]
            fzero = jnp.zeros((16,), jnp.float32)
            core = jnp.where(r == 1, fzero, -d) - ell - _LOG_TOT
            draw = jnp.full((16,), _LOG_DRAW_OUT, jnp.float32)
            outv[pl.ds(g * 16, 16)] = jnp.where(r == 0, draw, core)
    pltpu.sync_copy(outv, out_hbm.at[pl.ds(base, _TPW)])


def kernel(pairs, results, mu_q):
    skill = jnp.pad(mu_q, ((0, _PAD_TO - _N_PLAYERS), (0, 0))).reshape(-1)
    pairs_flat = pairs.reshape(128, 128, 2).swapaxes(1, 2).reshape(-1)
    mesh = plsc.VectorSubcoreMesh(core_axis_name="c", subcore_axis_name="s")
    cp = pltpu.CompilerParams()
    if "needs_layout_passes" in pltpu.CompilerParams.__dataclass_fields__:
        cp = dataclasses.replace(cp, needs_layout_passes=False)
    run = pl.kernel(
        _body,
        out_type=jax.ShapeDtypeStruct((_N_MATCHES,), jnp.float32),
        mesh=mesh,
        scratch_types=[
            pltpu.VMEM((2 * _TPW,), jnp.int32),
            pltpu.VMEM((2 * _TPW,), jnp.float32),
            pltpu.VMEM((_TPW,), jnp.int32),
            pltpu.VMEM((_TPW,), jnp.float32),
            pltpu.SemaphoreType.DMA,
            pltpu.SemaphoreType.DMA,
        ],
        compiler_params=cp,
    )
    return run(skill, pairs_flat, results)

# --- scband reference (transcript-rebuilt; emitter-appended) ---
"""Pipeline reference for scband-bayesian-ranking-21938692948366 (READ-ONLY COPY).

The authoritative reference and input builder live on the scoring server;
editing this copy changes nothing except your own understanding.
"""

import jax, jax.numpy as jnp
import numpy as np

MU_0 = 25.0
SIGMA_0 = 25.0 / 3
BETA = SIGMA_0 / 2
DRAW_PROB = 0.1
NUM_PLAYERS = 1000000
NUM_MATCHES = 16384


def setup_inputs(seed: int = 0) -> dict:
    key = jax.random.key(seed)
    k1, k2, k3 = jax.random.split(key, 3)
    # match pairs: player i vs player j
    pairs = jax.random.randint(k1, (NUM_MATCHES, 2), 0, NUM_PLAYERS)
    # observed outcome: 0 = draw, 1 = i wins, 2 = j wins
    results = jax.random.randint(k2, (NUM_MATCHES,), 0, 3)
    # learned variational mean skill per player (guide param mu_q), shape [num_players, 1]
    mu_q = MU_0 + jax.random.normal(k3, (NUM_PLAYERS, 1), dtype=jnp.float32) * (SIGMA_0 * 0.1)
    return {"pairs": pairs, "results": results, "mu_q": mu_q}


def reference(pairs, results, mu_q):
    # Deterministic forward pass of the BayesianRanking model evaluated at the
    # guide's mean skills: gather the two players' skills for every match,
    # form the performance-difference mean, map through sigmoid, and compute
    # the categorical log-likelihood of the observed result.
    skill = mu_q[:, 0]                                  # [num_players]
    skill_i = jnp.take(skill, pairs[:, 0], axis=0)      # gather [T]
    skill_j = jnp.take(skill, pairs[:, 1], axis=0)      # gather [T]
    perf_diff = skill_i - skill_j                       # mean of Normal(skill_i - skill_j, 2*beta)
    pos = jax.nn.sigmoid(perf_diff)                     # [T]
    draw_odds = DRAW_PROB / (1.0 - DRAW_PROB)
    # unnormalized categorical probs [draw, i-wins, j-wins]
    probs = jnp.stack([jnp.full_like(pos, draw_odds), pos, 1.0 - pos], axis=-1)  # [T, 3]
    picked = jnp.take_along_axis(probs, results[:, None], axis=-1)[:, 0]          # [T]
    log_prob = jnp.log(picked) - jnp.log(jnp.sum(probs, axis=-1))                 # Categorical log-prob
    return log_prob


if False:  # reference __main__ guard neutralized (emitter)
    inp = setup_inputs()
    out = reference(**inp)
    print(out.shape, out.dtype)

if __name__ == "__main__":
    import jax
    _d = setup_inputs()
    print(jax.jit(kernel)(*tuple(_d.values())))

</pallas_src>

<mosaic_0001>
#map = affine_map<(d0, d1) -> (0)>
module attributes {stable_mosaic.version = 14 : i64} {
  func.func @_body(%arg0: i32, %arg1: i32, %arg2: memref<1000448xf32, #tpu.memory_space<hbm>>, %arg3: memref<32768xi32, #tpu.memory_space<hbm>>, %arg4: memref<16384xi32, #tpu.memory_space<hbm>>, %arg5: memref<16384xf32, #tpu.memory_space<hbm>>, %arg6: memref<1024xi32, #tpu.memory_space<vmem>>, %arg7: memref<1024xf32, #tpu.memory_space<vmem>>, %arg8: memref<512xi32, #tpu.memory_space<vmem>>, %arg9: memref<512xf32, #tpu.memory_space<vmem>>, %arg10: memref<!tpu.dma_semaphore, #tpu.memory_space<semaphore_mem>>, %arg11: memref<!tpu.dma_semaphore, #tpu.memory_space<semaphore_mem>>) attributes {dimension_semantics = [#tpu.dimension_semantics<core_parallel>, #tpu.dimension_semantics<subcore_parallel>], iteration_bounds = array<i64: 2, 16>, scalar_prefetch = 0 : i64, scratch_operands = 6 : i64, tpu.core_type = #tpu.core_type<sc_vector_subcore>, window_params = [{transform_indices = #map}, {transform_indices = #map}, {transform_indices = #map}, {transform_indices = #map}]} {
    %mul3A = arith.constant 2 : i32
    %mul3A_0 = arith.muli %arg1, %mul3A : i32
    %add3A = arith.addi %mul3A_0, %arg0 : i32
    %mul3A_1 = arith.constant 512 : i32
    %mul3A_2 = arith.muli %add3A, %mul3A_1 : i32
    %dma_start3A = tpu.memref_slice %arg4[%mul3A_2] : memref<16384xi32, #tpu.memory_space<hbm>> -> memref<512xi32, #tpu.memory_space<hbm>>
    %dma_start3A_3 = tpu.memref_slice %arg4[%mul3A_2] : memref<16384xi32, #tpu.memory_space<hbm>> -> memref<512xi32, #tpu.memory_space<hbm>>
    tpu.enqueue_dma source(%dma_start3A_3 : memref<512xi32, #tpu.memory_space<hbm>>) target(%arg8 : memref<512xi32, #tpu.memory_space<vmem>>) target_semaphore(%arg11 : memref<!tpu.dma_semaphore, #tpu.memory_space<semaphore_mem>>)
    %mul3A_4 = arith.constant 2 : i32
    %mul3A_5 = arith.muli %mul3A_2, %mul3A_4 : i32
    "tpu.region"() ({
      %run_scoped3A = tpu.sem_alloc : memref<!tpu.dma_semaphore, #tpu.memory_space<semaphore_mem>>
      %dma_start3A_3001 = tpu.memref_slice %arg3[%mul3A_5] : memref<32768xi32, #tpu.memory_space<hbm>> -> memref<1024xi32, #tpu.memory_space<hbm>>
      %dma_start3A_3002 = tpu.memref_slice %arg3[%mul3A_5] : memref<32768xi32, #tpu.memory_space<hbm>> -> memref<1024xi32, #tpu.memory_space<hbm>>
      tpu.enqueue_dma source(%dma_start3A_3002 : memref<1024xi32, #tpu.memory_space<hbm>>) target(%arg6 : memref<1024xi32, #tpu.memory_space<vmem>>) target_semaphore(%run_scoped3A : memref<!tpu.dma_semaphore, #tpu.memory_space<semaphore_mem>>)
      %dma_wait3A_3003 = tpu.memref_slice %arg3[%mul3A_5] : memref<32768xi32, #tpu.memory_space<hbm>> -> memref<1024xi32, #tpu.memory_space<hbm>>
      %dma_wait3A_3004 = tpu.memref_slice %arg3[%mul3A_5] : memref<32768xi32, #tpu.memory_space<hbm>> -> memref<1024xi32, #tpu.memory_space<hbm>>
      tpu.wait_dma2 semaphore(%run_scoped3A : memref<!tpu.dma_semaphore, #tpu.memory_space<semaphore_mem>>) src(%dma_wait3A_3004 : memref<1024xi32, #tpu.memory_space<hbm>>) dst(%arg6 : memref<1024xi32, #tpu.memory_space<vmem>>)
      tpu.yield
    }) : () -> ()
    %dma_start3A_6 = arith.constant 0 : i32
    %dma_start3A_7 = tpu.memref_slice %arg7[%dma_start3A_6] : memref<1024xf32, #tpu.memory_space<vmem>> -> memref<128xf32, #tpu.memory_space<vmem>>
    %dma_start3A_8 = arith.constant 0 : i32
    %dma_start3A_9 = tpu.memref_slice %arg6[%dma_start3A_8] : memref<1024xi32, #tpu.memory_space<vmem>> -> memref<128xi32, #tpu.memory_space<vmem>>
    %dma_start3A_10 = arith.constant 0 : i32
    %dma_start3A_11 = tpu.memref_slice %arg2[%dma_start3A_10] : memref<1000448xf32, #tpu.memory_space<hbm>> -> memref<1000448xf32, #tpu.memory_space<hbm>>
    tpu.enqueue_indirect_dma source(%dma_start3A_11 : memref<1000448xf32, #tpu.memory_space<hbm>>) target(%dma_start3A_7 : memref<128xf32, #tpu.memory_space<vmem>>) offsets(%dma_start3A_9 : memref<128xi32, #tpu.memory_space<vmem>>) semaphore(%arg10 : memref<!tpu.dma_semaphore, #tpu.memory_space<semaphore_mem>>)
    %dma_start3A_12 = arith.constant 128 : i32
    %dma_start3A_13 = tpu.memref_slice %arg7[%dma_start3A_12] : memref<1024xf32, #tpu.memory_space<vmem>> -> memref<128xf32, #tpu.memory_space<vmem>>
    %dma_start3A_14 = arith.constant 128 : i32
    %dma_start3A_15 = tpu.memref_slice %arg6[%dma_start3A_14] : memref<1024xi32, #tpu.memory_space<vmem>> -> memref<128xi32, #tpu.memory_space<vmem>>
    %dma_start3A_16 = arith.constant 0 : i32
    %dma_start3A_17 = tpu.memref_slice %arg2[%dma_start3A_16] : memref<1000448xf32, #tpu.memory_space<hbm>> -> memref<1000448xf32, #tpu.memory_space<hbm>>
    tpu.enqueue_indirect_dma source(%dma_start3A_17 : memref<1000448xf32, #tpu.memory_space<hbm>>) target(%dma_start3A_13 : memref<128xf32, #tpu.memory_space<vmem>>) offsets(%dma_start3A_15 : memref<128xi32, #tpu.memory_space<vmem>>) semaphore(%arg10 : memref<!tpu.dma_semaphore, #tpu.memory_space<semaphore_mem>>)
    %dma_start3A_18 = arith.constant 256 : i32
    %dma_start3A_19 = tpu.memref_slice %arg7[%dma_start3A_18] : memref<1024xf32, #tpu.memory_space<vmem>> -> memref<128xf32, #tpu.memory_space<vmem>>
    %dma_start3A_20 = arith.constant 256 : i32
    %dma_start3A_21 = tpu.memref_slice %arg6[%dma_start3A_20] : memref<1024xi32, #tpu.memory_space<vmem>> -> memref<128xi32, #tpu.memory_space<vmem>>
    %dma_start3A_22 = arith.constant 0 : i32
    %dma_start3A_23 = tpu.memref_slice %arg2[%dma_start3A_22] : memref<1000448xf32, #tpu.memory_space<hbm>> -> memref<1000448xf32, #tpu.memory_space<hbm>>
    tpu.enqueue_indirect_dma source(%dma_start3A_23 : memref<1000448xf32, #tpu.memory_space<hbm>>) target(%dma_start3A_19 : memref<128xf32, #tpu.memory_space<vmem>>) offsets(%dma_start3A_21 : memref<128xi32, #tpu.memory_space<vmem>>) semaphore(%arg10 : memref<!tpu.dma_semaphore, #tpu.memory_space<semaphore_mem>>)
    %dma_start3A_24 = arith.constant 384 : i32
    %dma_start3A_25 = tpu.memref_slice %arg7[%dma_start3A_24] : memref<1024xf32, #tpu.memory_space<vmem>> -> memref<128xf32, #tpu.memory_space<vmem>>
    %dma_start3A_26 = arith.constant 384 : i32
    %dma_start3A_27 = tpu.memref_slice %arg6[%dma_start3A_26] : memref<1024xi32, #tpu.memory_space<vmem>> -> memref<128xi32, #tpu.memory_space<vmem>>
    %dma_start3A_28 = arith.constant 0 : i32
    %dma_start3A_29 = tpu.memref_slice %arg2[%dma_start3A_28] : memref<1000448xf32, #tpu.memory_space<hbm>> -> memref<1000448xf32, #tpu.memory_space<hbm>>
    tpu.enqueue_indirect_dma source(%dma_start3A_29 : memref<1000448xf32, #tpu.memory_space<hbm>>) target(%dma_start3A_25 : memref<128xf32, #tpu.memory_space<vmem>>) offsets(%dma_start3A_27 : memref<128xi32, #tpu.memory_space<vmem>>) semaphore(%arg10 : memref<!tpu.dma_semaphore, #tpu.memory_space<semaphore_mem>>)
    %dma_start3A_30 = arith.constant 512 : i32
    %dma_start3A_31 = tpu.memref_slice %arg7[%dma_start3A_30] : memref<1024xf32, #tpu.memory_space<vmem>> -> memref<128xf32, #tpu.memory_space<vmem>>
    %dma_start3A_32 = arith.constant 512 : i32
    %dma_start3A_33 = tpu.memref_slice %arg6[%dma_start3A_32] : memref<1024xi32, #tpu.memory_space<vmem>> -> memref<128xi32, #tpu.memory_space<vmem>>
    %dma_start3A_34 = arith.constant 0 : i32
    %dma_start3A_35 = tpu.memref_slice %arg2[%dma_start3A_34] : memref<1000448xf32, #tpu.memory_space<hbm>> -> memref<1000448xf32, #tpu.memory_space<hbm>>
    tpu.enqueue_indirect_dma source(%dma_start3A_35 : memref<1000448xf32, #tpu.memory_space<hbm>>) target(%dma_start3A_31 : memref<128xf32, #tpu.memory_space<vmem>>) offsets(%dma_start3A_33 : memref<128xi32, #tpu.memory_space<vmem>>) semaphore(%arg10 : memref<!tpu.dma_semaphore, #tpu.memory_space<semaphore_mem>>)
    %dma_start3A_36 = arith.constant 640 : i32
    %dma_start3A_37 = tpu.memref_slice %arg7[%dma_start3A_36] : memref<1024xf32, #tpu.memory_space<vmem>> -> memref<128xf32, #tpu.memory_space<vmem>>
    %dma_start3A_38 = arith.constant 640 : i32
    %dma_start3A_39 = tpu.memref_slice %arg6[%dma_start3A_38] : memref<1024xi32, #tpu.memory_space<vmem>> -> memref<128xi32, #tpu.memory_space<vmem>>
    %dma_start3A_40 = arith.constant 0 : i32
    %dma_start3A_41 = tpu.memref_slice %arg2[%dma_start3A_40] : memref<1000448xf32, #tpu.memory_space<hbm>> -> memref<1000448xf32, #tpu.memory_space<hbm>>
    tpu.enqueue_indirect_dma source(%dma_start3A_41 : memref<1000448xf32, #tpu.memory_space<hbm>>) target(%dma_start3A_37 : memref<128xf32, #tpu.memory_space<vmem>>) offsets(%dma_start3A_39 : memref<128xi32, #tpu.memory_space<vmem>>) semaphore(%arg10 : memref<!tpu.dma_semaphore, #tpu.memory_space<semaphore_mem>>)
    %dma_start3A_42 = arith.constant 768 : i32
    %dma_start3A_43 = tpu.memref_slice %arg7[%dma_start3A_42] : memref<1024xf32, #tpu.memory_space<vmem>> -> memref<128xf32, #tpu.memory_space<vmem>>
    %dma_start3A_44 = arith.constant 768 : i32
    %dma_start3A_45 = tpu.memref_slice %arg6[%dma_start3A_44] : memref<1024xi32, #tpu.memory_space<vmem>> -> memref<128xi32, #tpu.memory_space<vmem>>
    %dma_start3A_46 = arith.constant 0 : i32
    %dma_start3A_47 = tpu.memref_slice %arg2[%dma_start3A_46] : memref<1000448xf32, #tpu.memory_space<hbm>> -> memref<1000448xf32, #tpu.memory_space<hbm>>
    tpu.enqueue_indirect_dma source(%dma_start3A_47 : memref<1000448xf32, #tpu.memory_space<hbm>>) target(%dma_start3A_43 : memref<128xf32, #tpu.memory_space<vmem>>) offsets(%dma_start3A_45 : memref<128xi32, #tpu.memory_space<vmem>>) semaphore(%arg10 : memref<!tpu.dma_semaphore, #tpu.memory_space<semaphore_mem>>)
    %dma_start3A_48 = arith.constant 896 : i32
    %dma_start3A_49 = tpu.memref_slice %arg7[%dma_start3A_48] : memref<1024xf32, #tpu.memory_space<vmem>> -> memref<128xf32, #tpu.memory_space<vmem>>
    %dma_start3A_50 = arith.constant 896 : i32
    %dma_start3A_51 = tpu.memref_slice %arg6[%dma_start3A_50] : memref<1024xi32, #tpu.memory_space<vmem>> -> memref<128xi32, #tpu.memory_space<vmem>>
    %dma_start3A_52 = arith.constant 0 : i32
    %dma_start3A_53 = tpu.memref_slice %arg2[%dma_start3A_52] : memref<1000448xf32, #tpu.memory_space<hbm>> -> memref<1000448xf32, #tpu.memory_space<hbm>>
    tpu.enqueue_indirect_dma source(%dma_start3A_53 : memref<1000448xf32, #tpu.memory_space<hbm>>) target(%dma_start3A_49 : memref<128xf32, #tpu.memory_space<vmem>>) offsets(%dma_start3A_51 : memref<128xi32, #tpu.memory_space<vmem>>) semaphore(%arg10 : memref<!tpu.dma_semaphore, #tpu.memory_space<semaphore_mem>>)
    %dma_wait3A = tpu.memref_slice %arg4[%mul3A_2] : memref<16384xi32, #tpu.memory_space<hbm>> -> memref<512xi32, #tpu.memory_space<hbm>>
    %dma_wait3A_54 = tpu.memref_slice %arg4[%mul3A_2] : memref<16384xi32, #tpu.memory_space<hbm>> -> memref<512xi32, #tpu.memory_space<hbm>>
    tpu.wait_dma2 semaphore(%arg11 : memref<!tpu.dma_semaphore, #tpu.memory_space<semaphore_mem>>) src(%dma_wait3A_54 : memref<512xi32, #tpu.memory_space<hbm>>) dst(%arg8 : memref<512xi32, #tpu.memory_space<vmem>>)
    %dma_wait3A_55 = arith.constant 0 : i32
    %dma_wait3A_56 = tpu.memref_slice %arg7[%dma_wait3A_55] : memref<1024xf32, #tpu.memory_space<vmem>> -> memref<128xf32, #tpu.memory_space<vmem>>
    %dma_wait3A_57 = arith.constant 0 : i32
    %dma_wait3A_58 = tpu.memref_slice %arg6[%dma_wait3A_57] : memref<1024xi32, #tpu.memory_space<vmem>> -> memref<128xi32, #tpu.memory_space<vmem>>
    %dma_wait3A_59 = arith.constant 0 : i32
    %dma_wait3A_60 = tpu.memref_slice %arg2[%dma_wait3A_59] : memref<1000448xf32, #tpu.memory_space<hbm>> -> memref<1000448xf32, #tpu.memory_space<hbm>>
    tpu.wait_indirect_dma semaphore(%arg10 : memref<!tpu.dma_semaphore, #tpu.memory_space<semaphore_mem>>) src(%dma_wait3A_60 : memref<1000448xf32, #tpu.memory_space<hbm>>) dst(%dma_wait3A_56 : memref<128xf32, #tpu.memory_space<vmem>>)
    %dma_wait3A_61 = arith.constant 128 : i32
    %dma_wait3A_62 = tpu.memref_slice %arg7[%dma_wait3A_61] : memref<1024xf32, #tpu.memory_space<vmem>> -> memref<128xf32, #tpu.memory_space<vmem>>
    %dma_wait3A_63 = arith.constant 128 : i32
    %dma_wait3A_64 = tpu.memref_slice %arg6[%dma_wait3A_63] : memref<1024xi32, #tpu.memory_space<vmem>> -> memref<128xi32, #tpu.memory_space<vmem>>
    %dma_wait3A_65 = arith.constant 0 : i32
    %dma_wait3A_66 = tpu.memref_slice %arg2[%dma_wait3A_65] : memref<1000448xf32, #tpu.memory_space<hbm>> -> memref<1000448xf32, #tpu.memory_space<hbm>>
    tpu.wait_indirect_dma semaphore(%arg10 : memref<!tpu.dma_semaphore, #tpu.memory_space<semaphore_mem>>) src(%dma_wait3A_66 : memref<1000448xf32, #tpu.memory_space<hbm>>) dst(%dma_wait3A_62 : memref<128xf32, #tpu.memory_space<vmem>>)
    %get3A = arith.constant 0 : index
    %get3A_67 = tpu.vector_load %arg7[%get3A] {strides = array<i32>} : memref<1024xf32, #tpu.memory_space<vmem>>, vector<16xf32>,
    %get3A_68 = arith.constant 128 : index
    %get3A_69 = tpu.vector_load %arg7[%get3A_68] {strides = array<i32>} : memref<1024xf32, #tpu.memory_space<vmem>>, vector<16xf32>,
    %sub3A = arith.subf %get3A_67, %get3A_69 : vector<16xf32>
    %neg3A = arith.constant 0.000000e+00 : f32
    %neg3A_70 = vector.broadcast %neg3A : f32 to vector<16xf32>
    %neg3A_71 = arith.subf %neg3A_70, %sub3A : vector<16xf32>
    %exp3A = math.exp %neg3A_71 : vector<16xf32>
    %add3A_72 = arith.constant 1.000000e+00 : f32
    %add3A_73 = vector.broadcast %add3A_72 : f32 to vector<16xf32>
    %add3A_74 = arith.addf %add3A_73, %exp3A : vector<16xf32>
    %bitcast3A = vector.bitcast %add3A_74 : vector<16xf32> to vector<16xi32>
    %shift_right_arithmetic3A = arith.constant 23 : i32
    %shift_right_arithmetic3A_75 = vector.broadcast %shift_right_arithmetic3A : i32 to vector<16xi32>
    %shift_right_arithmetic3A_76 = arith.shrsi %bitcast3A, %shift_right_arithmetic3A_75 : vector<16xi32>
    %sub3A_77 = arith.constant 127 : i32
    %sub3A_78 = vector.broadcast %sub3A_77 : i32 to vector<16xi32>
    %sub3A_79 = arith.subi %shift_right_arithmetic3A_76, %sub3A_78 : vector<16xi32>
    %and3A = arith.constant 8388607 : i32
    %and3A_80 = vector.broadcast %and3A : i32 to vector<16xi32>
    %and3A_81 = arith.andi %bitcast3A, %and3A_80 : vector<16xi32>
    %or3A = arith.constant 1065353216 : i32
    %or3A_82 = vector.broadcast %or3A : i32 to vector<16xi32>
    %or3A_83 = arith.ori %and3A_81, %or3A_82 : vector<16xi32>
    %bitcast3A_84 = vector.bitcast %or3A_83 : vector<16xi32> to vector<16xf32>
    %gt3A = arith.constant 1.41421354 : f32
    %gt3A_85 = vector.broadcast %gt3A : f32 to vector<16xf32>
    %gt3A_86 = arith.cmpf ogt, %bitcast3A_84, %gt3A_85 : vector<16xf32>
    %mul3A_87 = arith.constant 5.000000e-01 : f32
    %mul3A_88 = vector.broadcast %mul3A_87 : f32 to vector<16xf32>
    %mul3A_89 = arith.mulf %bitcast3A_84, %mul3A_88 : vector<16xf32>
    %select_n3A = arith.select %gt3A_86, %mul3A_89, %bitcast3A_84 : vector<16xi1>, vector<16xf32>
    %add3A_90 = arith.constant 1 : i32
    %add3A_91 = vector.broadcast %add3A_90 : i32 to vector<16xi32>
    %add3A_92 = arith.addi %sub3A_79, %add3A_91 : vector<16xi32>
    %select_n3A_93 = arith.select %gt3A_86, %add3A_92, %sub3A_79 : vector<16xi1>, vector<16xi32>
    %sub3A_94 = arith.constant 1.000000e+00 : f32
    %sub3A_95 = vector.broadcast %sub3A_94 : f32 to vector<16xf32>
    %sub3A_96 = arith.subf %select_n3A, %sub3A_95 : vector<16xf32>
    %mul3A_97 = arith.constant 0.166666672 : f32
    %mul3A_98 = vector.broadcast %mul3A_97 : f32 to vector<16xf32>
    %mul3A_99 = arith.mulf %sub3A_96, %mul3A_98 : vector<16xf32>
    %sub3A_100 = arith.constant 2.000000e-01 : f32
    %sub3A_101 = vector.broadcast %sub3A_100 : f32 to vector<16xf32>
    %sub3A_102 = arith.subf %sub3A_101, %mul3A_99 : vector<16xf32>
    %mul3A_103 = arith.mulf %sub3A_96, %sub3A_102 : vector<16xf32>
    %sub3A_104 = arith.constant 2.500000e-01 : f32
    %sub3A_105 = vector.broadcast %sub3A_104 : f32 to vector<16xf32>
    %sub3A_106 = arith.subf %sub3A_105, %mul3A_103 : vector<16xf32>
    %mul3A_107 = arith.mulf %sub3A_96, %sub3A_106 : vector<16xf32>
    %sub3A_108 = arith.constant 0.333333343 : f32
    %sub3A_109 = vector.broadcast %sub3A_108 : f32 to vector<16xf32>
    %sub3A_110 = arith.subf %sub3A_109, %mul3A_107 : vector<16xf32>
    %mul3A_111 = arith.mulf %sub3A_96, %sub3A_110 : vector<16xf32>
    %sub3A_112 = arith.constant 5.000000e-01 : f32
    %sub3A_113 = vector.broadcast %sub3A_112 : f32 to vector<16xf32>
    %sub3A_114 = arith.subf %sub3A_113, %mul3A_111 : vector<16xf32>
    %mul3A_115 = arith.mulf %sub3A_96, %sub3A_114 : vector<16xf32>
    %sub3A_116 = arith.constant 1.000000e+00 : f32
    %sub3A_117 = vector.broadcast %sub3A_116 : f32 to vector<16xf32>
    %sub3A_118 = arith.subf %sub3A_117, %mul3A_115 : vector<16xf32>
    %mul3A_119 = arith.mulf %sub3A_96, %sub3A_118 : vector<16xf32>
    %convert_element_type3A = arith.sitofp %select_n3A_93 : vector<16xi32> to vector<16xf32>
    %mul3A_120 = arith.constant 0.693147182 : f32
    %mul3A_121 = vector.broadcast %mul3A_120 : f32 to vector<16xf32>
    %mul3A_122 = arith.mulf %convert_element_type3A, %mul3A_121 : vector<16xf32>
    %add3A_123 = arith.addf %mul3A_122, %mul3A_119 : vector<16xf32>
    %get3A_124 = arith.constant 0 : index
    %get3A_125 = tpu.vector_load %arg8[%get3A_124] {strides = array<i32>} : memref<512xi32, #tpu.memory_space<vmem>>, vector<16xi32>,
    %broadcast_in_dim3A = arith.constant 0.000000e+00 : f32
    %broadcast_in_dim3A_126 = vector.broadcast %broadcast_in_dim3A : f32 to vector<16xf32>
    %eq3A = arith.constant 1 : i32
    %eq3A_127 = vector.broadcast %eq3A : i32 to vector<16xi32>
    %eq3A_128 = arith.cmpi eq, %get3A_125, %eq3A_127 : vector<16xi32>
    %neg3A_129 = arith.constant 0.000000e+00 : f32
    %neg3A_130 = vector.broadcast %neg3A_129 : f32 to vector<16xf32>
    %neg3A_131 = arith.subf %neg3A_130, %sub3A : vector<16xf32>
    %select_n3A_132 = arith.select %eq3A_128, %broadcast_in_dim3A_126, %neg3A_131 : vector<16xi1>, vector<16xf32>
    %sub3A_133 = arith.subf %select_n3A_132, %add3A_123 : vector<16xf32>
    %sub3A_134 = arith.constant 0.105360515 : f32
    %sub3A_135 = vector.broadcast %sub3A_134 : f32 to vector<16xf32>
    %sub3A_136 = arith.subf %sub3A_133, %sub3A_135 : vector<16xf32>
    %broadcast_in_dim3A_137 = arith.constant -2.30258512 : f32
    %broadcast_in_dim3A_138 = vector.broadcast %broadcast_in_dim3A_137 : f32 to vector<16xf32>
    %eq3A_139 = arith.constant 0 : i32
    %eq3A_140 = vector.broadcast %eq3A_139 : i32 to vector<16xi32>
    %eq3A_141 = arith.cmpi eq, %get3A_125, %eq3A_140 : vector<16xi32>
    %select_n3A_142 = arith.select %eq3A_141, %broadcast_in_dim3A_138, %sub3A_136 : vector<16xi1>, vector<16xf32>
    %swap3A = arith.constant 0 : index
    %swap3A_143 = tpu.vector_load %arg9[%swap3A] {strides = array<i32>} : memref<512xf32, #tpu.memory_space<vmem>>, vector<16xf32>,
    tpu.vector_store %arg9[%swap3A], %select_n3A_142 {strides = array<i32>} : memref<512xf32, #tpu.memory_space<vmem>>, vector<16xf32>,
    %get3A_144 = arith.constant 16 : index
    %get3A_145 = tpu.vector_load %arg7[%get3A_144] {strides = array<i32>} : memref<1024xf32, #tpu.memory_space<vmem>>, vector<16xf32>,
    %get3A_146 = arith.constant 144 : index
    %get3A_147 = tpu.vector_load %arg7[%get3A_146] {strides = array<i32>} : memref<1024xf32, #tpu.memory_space<vmem>>, vector<16xf32>,
    %sub3A_148 = arith.subf %get3A_145, %get3A_147 : vector<16xf32>
    %neg3A_149 = arith.constant 0.000000e+00 : f32
    %neg3A_150 = vector.broadcast %neg3A_149 : f32 to vector<16xf32>
    %neg3A_151 = arith.subf %neg3A_150, %sub3A_148 : vector<16xf32>
    %exp3A_152 = math.exp %neg3A_151 : vector<16xf32>
    %add3A_153 = arith.constant 1.000000e+00 : f32
    %add3A_154 = vector.broadcast %add3A_153 : f32 to vector<16xf32>
    %add3A_155 = arith.addf %add3A_154, %exp3A_152 : vector<16xf32>
    %bitcast3A_156 = vector.bitcast %add3A_155 : vector<16xf32> to vector<16xi32>
    %shift_right_arithmetic3A_157 = arith.constant 23 : i32
    %shift_right_arithmetic3A_158 = vector.broadcast %shift_right_arithmetic3A_157 : i32 to vector<16xi32>
    %shift_right_arithmetic3A_159 = arith.shrsi %bitcast3A_156, %shift_right_arithmetic3A_158 : vector<16xi32>
    %sub3A_160 = arith.constant 127 : i32
    %sub3A_161 = vector.broadcast %sub3A_160 : i32 to vector<16xi32>
    %sub3A_162 = arith.subi %shift_right_arithmetic3A_159, %sub3A_161 : vector<16xi32>
    %and3A_163 = arith.constant 8388607 : i32
    %and3A_164 = vector.broadcast %and3A_163 : i32 to vector<16xi32>
    %and3A_165 = arith.andi %bitcast3A_156, %and3A_164 : vector<16xi32>
    %or3A_166 = arith.constant 1065353216 : i32
    %or3A_167 = vector.broadcast %or3A_166 : i32 to vector<16xi32>
    %or3A_168 = arith.ori %and3A_165, %or3A_167 : vector<16xi32>
    %bitcast3A_169 = vector.bitcast %or3A_168 : vector<16xi32> to vector<16xf32>
    %gt3A_170 = arith.constant 1.41421354 : f32
    %gt3A_171 = vector.broadcast %gt3A_170 : f32 to vector<16xf32>
    %gt3A_172 = arith.cmpf ogt, %bitcast3A_169, %gt3A_171 : vector<16xf32>
    %mul3A_173 = arith.constant 5.000000e-01 : f32
    %mul3A_174 = vector.broadcast %mul3A_173 : f32 to vector<16xf32>
    %mul3A_175 = arith.mulf %bitcast3A_169, %mul3A_174 : vector<16xf32>
    %select_n3A_176 = arith.select %gt3A_172, %mul3A_175, %bitcast3A_169 : vector<16xi1>, vector<16xf32>
    %add3A_177 = arith.constant 1 : i32
    %add3A_178 = vector.broadcast %add3A_177 : i32 to vector<16xi32>
    %add3A_179 = arith.addi %sub3A_162, %add3A_178 : vector<16xi32>
    %select_n3A_180 = arith.select %gt3A_172, %add3A_179, %sub3A_162 : vector<16xi1>, vector<16xi32>
    %sub3A_181 = arith.constant 1.000000e+00 : f32
    %sub3A_182 = vector.broadcast %sub3A_181 : f32 to vector<16xf32>
    %sub3A_183 = arith.subf %select_n3A_176, %sub3A_182 : vector<16xf32>
    %mul3A_184 = arith.constant 0.166666672 : f32
    %mul3A_185 = vector.broadcast %mul3A_184 : f32 to vector<16xf32>
    %mul3A_186 = arith.mulf %sub3A_183, %mul3A_185 : vector<16xf32>
    %sub3A_187 = arith.constant 2.000000e-01 : f32
    %sub3A_188 = vector.broadcast %sub3A_187 : f32 to vector<16xf32>
    %sub3A_189 = arith.subf %sub3A_188, %mul3A_186 : vector<16xf32>
    %mul3A_190 = arith.mulf %sub3A_183, %sub3A_189 : vector<16xf32>
    %sub3A_191 = arith.constant 2.500000e-01 : f32
    %sub3A_192 = vector.broadcast %sub3A_191 : f32 to vector<16xf32>
    %sub3A_193 = arith.subf %sub3A_192, %mul3A_190 : vector<16xf32>
    %mul3A_194 = arith.mulf %sub3A_183, %sub3A_193 : vector<16xf32>
    %sub3A_195 = arith.constant 0.333333343 : f32
    %sub3A_196 = vector.broadcast %sub3A_195 : f32 to vector<16xf32>
    %sub3A_197 = arith.subf %sub3A_196, %mul3A_194 : vector<16xf32>
    %mul3A_198 = arith.mulf %sub3A_183, %sub3A_197 : vector<16xf32>
    %sub3A_199 = arith.constant 5.000000e-01 : f32
    %sub3A_200 = vector.broadcast %sub3A_199 : f32 to vector<16xf32>
    %sub3A_201 = arith.subf %sub3A_200, %mul3A_198 : vector<16xf32>
    %mul3A_202 = arith.mulf %sub3A_183, %sub3A_201 : vector<16xf32>
    %sub3A_203 = arith.constant 1.000000e+00 : f32
    %sub3A_204 = vector.broadcast %sub3A_203 : f32 to vector<16xf32>
    %sub3A_205 = arith.subf %sub3A_204, %mul3A_202 : vector<16xf32>
    %mul3A_206 = arith.mulf %sub3A_183, %sub3A_205 : vector<16xf32>
    %convert_element_type3A_207 = arith.sitofp %select_n3A_180 : vector<16xi32> to vector<16xf32>
    %mul3A_208 = arith.constant 0.693147182 : f32
    %mul3A_209 = vector.broadcast %mul3A_208 : f32 to vector<16xf32>
    %mul3A_210 = arith.mulf %convert_element_type3A_207, %mul3A_209 : vector<16xf32>
    %add3A_211 = arith.addf %mul3A_210, %mul3A_206 : vector<16xf32>
    %get3A_212 = arith.constant 16 : index
    %get3A_213 = tpu.vector_load %arg8[%get3A_212] {strides = array<i32>} : memref<512xi32, #tpu.memory_space<vmem>>, vector<16xi32>,
    %broadcast_in_dim3A_214 = arith.constant 0.000000e+00 : f32
    %broadcast_in_dim3A_215 = vector.broadcast %broadcast_in_dim3A_214 : f32 to vector<16xf32>
    %eq3A_216 = arith.constant 1 : i32
    %eq3A_217 = vector.broadcast %eq3A_216 : i32 to vector<16xi32>
    %eq3A_218 = arith.cmpi eq, %get3A_213, %eq3A_217 : vector<16xi32>
    %neg3A_219 = arith.constant 0.000000e+00 : f32
    %neg3A_220 = vector.broadcast %neg3A_219 : f32 to vector<16xf32>
    %neg3A_221 = arith.subf %neg3A_220, %sub3A_148 : vector<16xf32>
    %select_n3A_222 = arith.select %eq3A_218, %broadcast_in_dim3A_215, %neg3A_221 : vector<16xi1>, vector<16xf32>
    %sub3A_223 = arith.subf %select_n3A_222, %add3A_211 : vector<16xf32>
    %sub3A_224 = arith.constant 0.105360515 : f32
    %sub3A_225 = vector.broadcast %sub3A_224 : f32 to vector<16xf32>
    %sub3A_226 = arith.subf %sub3A_223, %sub3A_225 : vector<16xf32>
    %broadcast_in_dim3A_227 = arith.constant -2.30258512 : f32
    %broadcast_in_dim3A_228 = vector.broadcast %broadcast_in_dim3A_227 : f32 to vector<16xf32>
    %eq3A_229 = arith.constant 0 : i32
    %eq3A_230 = vector.broadcast %eq3A_229 : i32 to vector<16xi32>
    %eq3A_231 = arith.cmpi eq, %get3A_213, %eq3A_230 : vector<16xi32>
    %select_n3A_232 = arith.select %eq3A_231, %broadcast_in_dim3A_228, %sub3A_226 : vector<16xi1>, vector<16xf32>
    %swap3A_233 = arith.constant 16 : index
    %swap3A_234 = tpu.vector_load %arg9[%swap3A_233] {strides = array<i32>} : memref<512xf32, #tpu.memory_space<vmem>>, vector<16xf32>,
    tpu.vector_store %arg9[%swap3A_233], %select_n3A_232 {strides = array<i32>} : memref<512xf32, #tpu.memory_space<vmem>>, vector<16xf32>,
    %get3A_235 = arith.constant 32 : index
    %get3A_236 = tpu.vector_load %arg7[%get3A_235] {strides = array<i32>} : memref<1024xf32, #tpu.memory_space<vmem>>, vector<16xf32>,
    %get3A_237 = arith.constant 160 : index
    %get3A_238 = tpu.vector_load %arg7[%get3A_237] {strides = array<i32>} : memref<1024xf32, #tpu.memory_space<vmem>>, vector<16xf32>,
    %sub3A_239 = arith.subf %get3A_236, %get3A_238 : vector<16xf32>
    %neg3A_240 = arith.constant 0.000000e+00 : f32
    %neg3A_241 = vector.broadcast %neg3A_240 : f32 to vector<16xf32>
    %neg3A_242 = arith.subf %neg3A_241, %sub3A_239 : vector<16xf32>
    %exp3A_243 = math.exp %neg3A_242 : vector<16xf32>
    %add3A_244 = arith.constant 1.000000e+00 : f32
    %add3A_245 = vector.broadcast %add3A_244 : f32 to vector<16xf32>
    %add3A_246 = arith.addf %add3A_245, %exp3A_243 : vector<16xf32>
    %bitcast3A_247 = vector.bitcast %add3A_246 : vector<16xf32> to vector<16xi32>
    %shift_right_arithmetic3A_248 = arith.constant 23 : i32
    %shift_right_arithmetic3A_249 = vector.broadcast %shift_right_arithmetic3A_248 : i32 to vector<16xi32>
    %shift_right_arithmetic3A_250 = arith.shrsi %bitcast3A_247, %shift_right_arithmetic3A_249 : vector<16xi32>
    %sub3A_251 = arith.constant 127 : i32
    %sub3A_252 = vector.broadcast %sub3A_251 : i32 to vector<16xi32>
    %sub3A_253 = arith.subi %shift_right_arithmetic3A_250, %sub3A_252 : vector<16xi32>
    %and3A_254 = arith.constant 8388607 : i32
    %and3A_255 = vector.broadcast %and3A_254 : i32 to vector<16xi32>
    %and3A_256 = arith.andi %bitcast3A_247, %and3A_255 : vector<16xi32>
    %or3A_257 = arith.constant 1065353216 : i32
    %or3A_258 = vector.broadcast %or3A_257 : i32 to vector<16xi32>
    %or3A_259 = arith.ori %and3A_256, %or3A_258 : vector<16xi32>
    %bitcast3A_260 = vector.bitcast %or3A_259 : vector<16xi32> to vector<16xf32>
    %gt3A_261 = arith.constant 1.41421354 : f32
    %gt3A_262 = vector.broadcast %gt3A_261 : f32 to vector<16xf32>
    %gt3A_263 = arith.cmpf ogt, %bitcast3A_260, %gt3A_262 : vector<16xf32>
    %mul3A_264 = arith.constant 5.000000e-01 : f32
    %mul3A_265 = vector.broadcast %mul3A_264 : f32 to vector<16xf32>
    %mul3A_266 = arith.mulf %bitcast3A_260, %mul3A_265 : vector<16xf32>
    %select_n3A_267 = arith.select %gt3A_263, %mul3A_266, %bitcast3A_260 : vector<16xi1>, vector<16xf32>
    %add3A_268 = arith.constant 1 : i32
    %add3A_269 = vector.broadcast %add3A_268 : i32 to vector<16xi32>
    %add3A_270 = arith.addi %sub3A_253, %add3A_269 : vector<16xi32>
    %select_n3A_271 = arith.select %gt3A_263, %add3A_270, %sub3A_253 : vector<16xi1>, vector<16xi32>
    %sub3A_272 = arith.constant 1.000000e+00 : f32
    %sub3A_273 = vector.broadcast %sub3A_272 : f32 to vector<16xf32>
    %sub3A_274 = arith.subf %select_n3A_267, %sub3A_273 : vector<16xf32>
    %mul3A_275 = arith.constant 0.166666672 : f32
    %mul3A_276 = vector.broadcast %mul3A_275 : f32 to vector<16xf32>
    %mul3A_277 = arith.mulf %sub3A_274, %mul3A_276 : vector<16xf32>
    %sub3A_278 = arith.constant 2.000000e-01 : f32
    %sub3A_279 = vector.broadcast %sub3A_278 : f32 to vector<16xf32>
    %sub3A_280 = arith.subf %sub3A_279, %mul3A_277 : vector<16xf32>
    %mul3A_281 = arith.mulf %sub3A_274, %sub3A_280 : vector<16xf32>
    %sub3A_282 = arith.constant 2.500000e-01 : f32
    %sub3A_283 = vector.broadcast %sub3A_282 : f32 to vector<16xf32>
    %sub3A_284 = arith.subf %sub3A_283, %mul3A_281 : vector<16xf32>
    %mul3A_285 = arith.mulf %sub3A_274, %sub3A_284 : vector<16xf32>
    %sub3A_286 = arith.constant 0.333333343 : f32
    %sub3A_287 = vector.broadcast %sub3A_286 : f32 to vector<16xf32>
    %sub3A_288 = arith.subf %sub3A_287, %mul3A_285 : vector<16xf32>
    %mul3A_289 = arith.mulf %sub3A_274, %sub3A_288 : vector<16xf32>
    %sub3A_290 = arith.constant 5.000000e-01 : f32
    %sub3A_291 = vector.broadcast %sub3A_290 : f32 to vector<16xf32>
    %sub3A_292 = arith.subf %sub3A_291, %mul3A_289 : vector<16xf32>
    %mul3A_293 = arith.mulf %sub3A_274, %sub3A_292 : vector<16xf32>
    %sub3A_294 = arith.constant 1.000000e+00 : f32
    %sub3A_295 = vector.broadcast %sub3A_294 : f32 to vector<16xf32>
    %sub3A_296 = arith.subf %sub3A_295, %mul3A_293 : vector<16xf32>
    %mul3A_297 = arith.mulf %sub3A_274, %sub3A_296 : vector<16xf32>
    %convert_element_type3A_298 = arith.sitofp %select_n3A_271 : vector<16xi32> to vector<16xf32>
    %mul3A_299 = arith.constant 0.693147182 : f32
    %mul3A_300 = vector.broadcast %mul3A_299 : f32 to vector<16xf32>
    %mul3A_301 = arith.mulf %convert_element_type3A_298, %mul3A_300 : vector<16xf32>
    %add3A_302 = arith.addf %mul3A_301, %mul3A_297 : vector<16xf32>
    %get3A_303 = arith.constant 32 : index
    %get3A_304 = tpu.vector_load %arg8[%get3A_303] {strides = array<i32>} : memref<512xi32, #tpu.memory_space<vmem>>, vector<16xi32>,
    %broadcast_in_dim3A_305 = arith.constant 0.000000e+00 : f32
    %broadcast_in_dim3A_306 = vector.broadcast %broadcast_in_dim3A_305 : f32 to vector<16xf32>
    %eq3A_307 = arith.constant 1 : i32
    %eq3A_308 = vector.broadcast %eq3A_307 : i32 to vector<16xi32>
    %eq3A_309 = arith.cmpi eq, %get3A_304, %eq3A_308 : vector<16xi32>
    %neg3A_310 = arith.constant 0.000000e+00 : f32
    %neg3A_311 = vector.broadcast %neg3A_310 : f32 to vector<16xf32>
    %neg3A_312 = arith.subf %neg3A_311, %sub3A_239 : vector<16xf32>
    %select_n3A_313 = arith.select %eq3A_309, %broadcast_in_dim3A_306, %neg3A_312 : vector<16xi1>, vector<16xf32>
    %sub3A_314 = arith.subf %select_n3A_313, %add3A_302 : vector<16xf32>
    %sub3A_315 = arith.constant 0.105360515 : f32
    %sub3A_316 = vector.broadcast %sub3A_315 : f32 to vector<16xf32>
    %sub3A_317 = arith.subf %sub3A_314, %sub3A_316 : vector<16xf32>
    %broadcast_in_dim3A_318 = arith.constant -2.30258512 : f32
    %broadcast_in_dim3A_319 = vector.broadcast %broadcast_in_dim3A_318 : f32 to vector<16xf32>
    %eq3A_320 = arith.constant 0 : i32
    %eq3A_321 = vector.broadcast %eq3A_320 : i32 to vector<16xi32>
    %eq3A_322 = arith.cmpi eq, %get3A_304, %eq3A_321 : vector<16xi32>
    %select_n3A_323 = arith.select %eq3A_322, %broadcast_in_dim3A_319, %sub3A_317 : vector<16xi1>, vector<16xf32>
    %swap3A_324 = arith.constant 32 : index
    %swap3A_325 = tpu.vector_load %arg9[%swap3A_324] {strides = array<i32>} : memref<512xf32, #tpu.memory_space<vmem>>, vector<16xf32>,
    tpu.vector_store %arg9[%swap3A_324], %select_n3A_323 {strides = array<i32>} : memref<512xf32, #tpu.memory_space<vmem>>, vector<16xf32>,
    %get3A_326 = arith.constant 48 : index
    %get3A_327 = tpu.vector_load %arg7[%get3A_326] {strides = array<i32>} : memref<1024xf32, #tpu.memory_space<vmem>>, vector<16xf32>,
    %get3A_328 = arith.constant 176 : index
    %get3A_329 = tpu.vector_load %arg7[%get3A_328] {strides = array<i32>} : memref<1024xf32, #tpu.memory_space<vmem>>, vector<16xf32>,
    %sub3A_330 = arith.subf %get3A_327, %get3A_329 : vector<16xf32>
    %neg3A_331 = arith.constant 0.000000e+00 : f32
    %neg3A_332 = vector.broadcast %neg3A_331 : f32 to vector<16xf32>
    %neg3A_333 = arith.subf %neg3A_332, %sub3A_330 : vector<16xf32>
    %exp3A_334 = math.exp %neg3A_333 : vector<16xf32>
    %add3A_335 = arith.constant 1.000000e+00 : f32
    %add3A_336 = vector.broadcast %add3A_335 : f32 to vector<16xf32>
    %add3A_337 = arith.addf %add3A_336, %exp3A_334 : vector<16xf32>
    %bitcast3A_338 = vector.bitcast %add3A_337 : vector<16xf32> to vector<16xi32>
    %shift_right_arithmetic3A_339 = arith.constant 23 : i32
    %shift_right_arithmetic3A_340 = vector.broadcast %shift_right_arithmetic3A_339 : i32 to vector<16xi32>
    %shift_right_arithmetic3A_341 = arith.shrsi %bitcast3A_338, %shift_right_arithmetic3A_340 : vector<16xi32>
    %sub3A_342 = arith.constant 127 : i32
    %sub3A_343 = vector.broadcast %sub3A_342 : i32 to vector<16xi32>
    %sub3A_344 = arith.subi %shift_right_arithmetic3A_341, %sub3A_343 : vector<16xi32>
    %and3A_345 = arith.constant 8388607 : i32
    %and3A_346 = vector.broadcast %and3A_345 : i32 to vector<16xi32>
    %and3A_347 = arith.andi %bitcast3A_338, %and3A_346 : vector<16xi32>
    %or3A_348 = arith.constant 1065353216 : i32
    %or3A_349 = vector.broadcast %or3A_348 : i32 to vector<16xi32>
    %or3A_350 = arith.ori %and3A_347, %or3A_349 : vector<16xi32>
    %bitcast3A_351 = vector.bitcast %or3A_350 : vector<16xi32> to vector<16xf32>
    %gt3A_352 = arith.constant 1.41421354 : f32
    %gt3A_353 = vector.broadcast %gt3A_352 : f32 to vector<16xf32>
    %gt3A_354 = arith.cmpf ogt, %bitcast3A_351, %gt3A_353 : vector<16xf32>
    %mul3A_355 = arith.constant 5.000000e-01 : f32
    %mul3A_356 = vector.broadcast %mul3A_355 : f32 to vector<16xf32>
    %mul3A_357 = arith.mulf %bitcast3A_351, %mul3A_356 : vector<16xf32>
    %select_n3A_358 = arith.select %gt3A_354, %mul3A_357, %bitcast3A_351 : vector<16xi1>, vector<16xf32>
    %add3A_359 = arith.constant 1 : i32
    %add3A_360 = vector.broadcast %add3A_359 : i32 to vector<16xi32>
    %add3A_361 = arith.addi %sub3A_344, %add3A_360 : vector<16xi32>
    %select_n3A_362 = arith.select %gt3A_354, %add3A_361, %sub3A_344 : vector<16xi1>, vector<16xi32>
    %sub3A_363 = arith.constant 1.000000e+00 : f32
    %sub3A_364 = vector.broadcast %sub3A_363 : f32 to vector<16xf32>
    %sub3A_365 = arith.subf %select_n3A_358, %sub3A_364 : vector<16xf32>
    %mul3A_366 = arith.constant 0.166666672 : f32
    %mul3A_367 = vector.broadcast %mul3A_366 : f32 to vector<16xf32>
    %mul3A_368 = arith.mulf %sub3A_365, %mul3A_367 : vector<16xf32>
    %sub3A_369 = arith.constant 2.000000e-01 : f32
    %sub3A_370 = vector.broadcast %sub3A_369 : f32 to vector<16xf32>
    %sub3A_371 = arith.subf %sub3A_370, %mul3A_368 : vector<16xf32>
    %mul3A_372 = arith.mulf %sub3A_365, %sub3A_371 : vector<16xf32>
    %sub3A_373 = arith.constant 2.500000e-01 : f32
    %sub3A_374 = vector.broadcast %sub3A_373 : f32 to vector<16xf32>
    %sub3A_375 = arith.subf %sub3A_374, %mul3A_372 : vector<16xf32>
    %mul3A_376 = arith.mulf %sub3A_365, %sub3A_375 : vector<16xf32>
    %sub3A_377 = arith.constant 0.333333343 : f32
    %sub3A_378 = vector.broadcast %sub3A_377 : f32 to vector<16xf32>
    %sub3A_379 = arith.subf %sub3A_378, %mul3A_376 : vector<16xf32>
    %mul3A_380 = arith.mulf %sub3A_365, %sub3A_379 : vector<16xf32>
    %sub3A_381 = arith.constant 5.000000e-01 : f32
    %sub3A_382 = vector.broadcast %sub3A_381 : f32 to vector<16xf32>
    %sub3A_383 = arith.subf %sub3A_382, %mul3A_380 : vector<16xf32>
    %mul3A_384 = arith.mulf %sub3A_365, %sub3A_383 : vector<16xf32>
    %sub3A_385 = arith.constant 1.000000e+00 : f32
    %sub3A_386 = vector.broadcast %sub3A_385 : f32 to vector<16xf32>
    %sub3A_387 = arith.subf %sub3A_386, %mul3A_384 : vector<16xf32>
    %mul3A_388 = arith.mulf %sub3A_365, %sub3A_387 : vector<16xf32>
    %convert_element_type3A_389 = arith.sitofp %select_n3A_362 : vector<16xi32> to vector<16xf32>
    %mul3A_390 = arith.constant 0.693147182 : f32
    %mul3A_391 = vector.broadcast %mul3A_390 : f32 to vector<16xf32>
    %mul3A_392 = arith.mulf %convert_element_type3A_389, %mul3A_391 : vector<16xf32>
    %add3A_393 = arith.addf %mul3A_392, %mul3A_388 : vector<16xf32>
    %get3A_394 = arith.constant 48 : index
    %get3A_395 = tpu.vector_load %arg8[%get3A_394] {strides = array<i32>} : memref<512xi32, #tpu.memory_space<vmem>>, vector<16xi32>,
    %broadcast_in_dim3A_396 = arith.constant 0.000000e+00 : f32
    %broadcast_in_dim3A_397 = vector.broadcast %broadcast_in_dim3A_396 : f32 to vector<16xf32>
    %eq3A_398 = arith.constant 1 : i32
    %eq3A_399 = vector.broadcast %eq3A_398 : i32 to vector<16xi32>
    %eq3A_400 = arith.cmpi eq, %get3A_395, %eq3A_399 : vector<16xi32>
    %neg3A_401 = arith.constant 0.000000e+00 : f32
    %neg3A_402 = vector.broadcast %neg3A_401 : f32 to vector<16xf32>
    %neg3A_403 = arith.subf %neg3A_402, %sub3A_330 : vector<16xf32>
    %select_n3A_404 = arith.select %eq3A_400, %broadcast_in_dim3A_397, %neg3A_403 : vector<16xi1>, vector<16xf32>
    %sub3A_405 = arith.subf %select_n3A_404, %add3A_393 : vector<16xf32>
    %sub3A_406 = arith.constant 0.105360515 : f32
    %sub3A_407 = vector.broadcast %sub3A_406 : f32 to vector<16xf32>
    %sub3A_408 = arith.subf %sub3A_405, %sub3A_407 : vector<16xf32>
    %broadcast_in_dim3A_409 = arith.constant -2.30258512 : f32
    %broadcast_in_dim3A_410 = vector.broadcast %broadcast_in_dim3A_409 : f32 to vector<16xf32>
    %eq3A_411 = arith.constant 0 : i32
    %eq3A_412 = vector.broadcast %eq3A_411 : i32 to vector<16xi32>
    %eq3A_413 = arith.cmpi eq, %get3A_395, %eq3A_412 : vector<16xi32>
    %select_n3A_414 = arith.select %eq3A_413, %broadcast_in_dim3A_410, %sub3A_408 : vector<16xi1>, vector<16xf32>
    %swap3A_415 = arith.constant 48 : index
    %swap3A_416 = tpu.vector_load %arg9[%swap3A_415] {strides = array<i32>} : memref<512xf32, #tpu.memory_space<vmem>>, vector<16xf32>,
    tpu.vector_store %arg9[%swap3A_415], %select_n3A_414 {strides = array<i32>} : memref<512xf32, #tpu.memory_space<vmem>>, vector<16xf32>,
    %get3A_417 = arith.constant 64 : index
    %get3A_418 = tpu.vector_load %arg7[%get3A_417] {strides = array<i32>} : memref<1024xf32, #tpu.memory_space<vmem>>, vector<16xf32>,
    %get3A_419 = arith.constant 192 : index
    %get3A_420 = tpu.vector_load %arg7[%get3A_419] {strides = array<i32>} : memref<1024xf32, #tpu.memory_space<vmem>>, vector<16xf32>,
    %sub3A_421 = arith.subf %get3A_418, %get3A_420 : vector<16xf32>
    %neg3A_422 = arith.constant 0.000000e+00 : f32
    %neg3A_423 = vector.broadcast %neg3A_422 : f32 to vector<16xf32>
    %neg3A_424 = arith.subf %neg3A_423, %sub3A_421 : vector<16xf32>
    %exp3A_425 = math.exp %neg3A_424 : vector<16xf32>
    %add3A_426 = arith.constant 1.000000e+00 : f32
    %add3A_427 = vector.broadcast %add3A_426 : f32 to vector<16xf32>
    %add3A_428 = arith.addf %add3A_427, %exp3A_425 : vector<16xf32>
    %bitcast3A_429 = vector.bitcast %add3A_428 : vector<16xf32> to vector<16xi32>
    %shift_right_arithmetic3A_430 = arith.constant 23 : i32
    %shift_right_arithmetic3A_431 = vector.broadcast %shift_right_arithmetic3A_430 : i32 to vector<16xi32>
    %shift_right_arithmetic3A_432 = arith.shrsi %bitcast3A_429, %shift_right_arithmetic3A_431 : vector<16xi32>
    %sub3A_433 = arith.constant 127 : i32
    %sub3A_434 = vector.broadcast %sub3A_433 : i32 to vector<16xi32>
    %sub3A_435 = arith.subi %shift_right_arithmetic3A_432, %sub3A_434 : vector<16xi32>
    %and3A_436 = arith.constant 8388607 : i32
    %and3A_437 = vector.broadcast %and3A_436 : i32 to vector<16xi32>
    %and3A_438 = arith.andi %bitcast3A_429, %and3A_437 : vector<16xi32>
    %or3A_439 = arith.constant 1065353216 : i32
    %or3A_440 = vector.broadcast %or3A_439 : i32 to vector<16xi32>
    %or3A_441 = arith.ori %and3A_438, %or3A_440 : vector<16xi32>
    %bitcast3A_442 = vector.bitcast %or3A_441 : vector<16xi32> to vector<16xf32>
    %gt3A_443 = arith.constant 1.41421354 : f32
    %gt3A_444 = vector.broadcast %gt3A_443 : f32 to vector<16xf32>
    %gt3A_445 = arith.cmpf ogt, %bitcast3A_442, %gt3A_444 : vector<16xf32>
    %mul3A_446 = arith.constant 5.000000e-01 : f32
    %mul3A_447 = vector.broadcast %mul3A_446 : f32 to vector<16xf32>
    %mul3A_448 = arith.mulf %bitcast3A_442, %mul3A_447 : vector<16xf32>
    %select_n3A_449 = arith.select %gt3A_445, %mul3A_448, %bitcast3A_442 : vector<16xi1>, vector<16xf32>
    %add3A_450 = arith.constant 1 : i32
    %add3A_451 = vector.broadcast %add3A_450 : i32 to vector<16xi32>
    %add3A_452 = arith.addi %sub3A_435, %add3A_451 : vector<16xi32>
    %select_n3A_453 = arith.select %gt3A_445, %add3A_452, %sub3A_435 : vector<16xi1>, vector<16xi32>
    %sub3A_454 = arith.constant 1.000000e+00 : f32
    %sub3A_455 = vector.broadcast %sub3A_454 : f32 to vector<16xf32>
    %sub3A_456 = arith.subf %select_n3A_449, %sub3A_455 : vector<16xf32>
    %mul3A_457 = arith.constant 0.166666672 : f32
    %mul3A_458 = vector.broadcast %mul3A_457 : f32 to vector<16xf32>
    %mul3A_459 = arith.mulf %sub3A_456, %mul3A_458 : vector<16xf32>
    %sub3A_460 = arith.constant 2.000000e-01 : f32
    %sub3A_461 = vector.broadcast %sub3A_460 : f32 to vector<16xf32>
    %sub3A_462 = arith.subf %sub3A_461, %mul3A_459 : vector<16xf32>
    %mul3A_463 = arith.mulf %sub3A_456, %sub3A_462 : vector<16xf32>
    %sub3A_464 = arith.constant 2.500000e-01 : f32
    %sub3A_465 = vector.broadcast %sub3A_464 : f32 to vector<16xf32>
    %sub3A_466 = arith.subf %sub3A_465, %mul3A_463 : vector<16xf32>
    %mul3A_467 = arith.mulf %sub3A_456, %sub3A_466 : vector<16xf32>
    %sub3A_468 = arith.constant 0.333333343 : f32
    %sub3A_469 = vector.broadcast %sub3A_468 : f32 to vector<16xf32>
    %sub3A_470 = arith.subf %sub3A_469, %mul3A_467 : vector<16xf32>
    %mul3A_471 = arith.mulf %sub3A_456, %sub3A_470 : vector<16xf32>
    %sub3A_472 = arith.constant 5.000000e-01 : f32
    %sub3A_473 = vector.broadcast %sub3A_472 : f32 to vector<16xf32>
    %sub3A_474 = arith.subf %sub3A_473, %mul3A_471 : vector<16xf32>
    %mul3A_475 = arith.mulf %sub3A_456, %sub3A_474 : vector<16xf32>
    %sub3A_476 = arith.constant 1.000000e+00 : f32
    %sub3A_477 = vector.broadcast %sub3A_476 : f32 to vector<16xf32>
    %sub3A_478 = arith.subf %sub3A_477, %mul3A_475 : vector<16xf32>
    %mul3A_479 = arith.mulf %sub3A_456, %sub3A_478 : vector<16xf32>
    %convert_element_type3A_480 = arith.sitofp %select_n3A_453 : vector<16xi32> to vector<16xf32>
    %mul3A_481 = arith.constant 0.693147182 : f32
    %mul3A_482 = vector.broadcast %mul3A_481 : f32 to vector<16xf32>
    %mul3A_483 = arith.mulf %convert_element_type3A_480, %mul3A_482 : vector<16xf32>
    %add3A_484 = arith.addf %mul3A_483, %mul3A_479 : vector<16xf32>
    %get3A_485 = arith.constant 64 : index
    %get3A_486 = tpu.vector_load %arg8[%get3A_485] {strides = array<i32>} : memref<512xi32, #tpu.memory_space<vmem>>, vector<16xi32>,
    %broadcast_in_dim3A_487 = arith.constant 0.000000e+00 : f32
    %broadcast_in_dim3A_488 = vector.broadcast %broadcast_in_dim3A_487 : f32 to vector<16xf32>
    %eq3A_489 = arith.constant 1 : i32
    %eq3A_490 = vector.broadcast %eq3A_489 : i32 to vector<16xi32>
    %eq3A_491 = arith.cmpi eq, %get3A_486, %eq3A_490 : vector<16xi32>
    %neg3A_492 = arith.constant 0.000000e+00 : f32
    %neg3A_493 = vector.broadcast %neg3A_492 : f32 to vector<16xf32>
    %neg3A_494 = arith.subf %neg3A_493, %sub3A_421 : vector<16xf32>
    %select_n3A_495 = arith.select %eq3A_491, %broadcast_in_dim3A_488, %neg3A_494 : vector<16xi1>, vector<16xf32>
    %sub3A_496 = arith.subf %select_n3A_495, %add3A_484 : vector<16xf32>
    %sub3A_497 = arith.constant 0.105360515 : f32
    %sub3A_498 = vector.broadcast %sub3A_497 : f32 to vector<16xf32>
    %sub3A_499 = arith.subf %sub3A_496, %sub3A_498 : vector<16xf32>
    %broadcast_in_dim3A_500 = arith.constant -2.30258512 : f32
    %broadcast_in_dim3A_501 = vector.broadcast %broadcast_in_dim3A_500 : f32 to vector<16xf32>
    %eq3A_502 = arith.constant 0 : i32
    %eq3A_503 = vector.broadcast %eq3A_502 : i32 to vector<16xi32>
    %eq3A_504 = arith.cmpi eq, %get3A_486, %eq3A_503 : vector<16xi32>
    %select_n3A_505 = arith.select %eq3A_504, %broadcast_in_dim3A_501, %sub3A_499 : vector<16xi1>, vector<16xf32>
    %swap3A_506 = arith.constant 64 : index
    %swap3A_507 = tpu.vector_load %arg9[%swap3A_506] {strides = array<i32>} : memref<512xf32, #tpu.memory_space<vmem>>, vector<16xf32>,
    tpu.vector_store %arg9[%swap3A_506], %select_n3A_505 {strides = array<i32>} : memref<512xf32, #tpu.memory_space<vmem>>, vector<16xf32>,
    %get3A_508 = arith.constant 80 : index
    %get3A_509 = tpu.vector_load %arg7[%get3A_508] {strides = array<i32>} : memref<1024xf32, #tpu.memory_space<vmem>>, vector<16xf32>,
    %get3A_510 = arith.constant 208 : index
    %get3A_511 = tpu.vector_load %arg7[%get3A_510] {strides = array<i32>} : memref<1024xf32, #tpu.memory_space<vmem>>, vector<16xf32>,
    %sub3A_512 = arith.subf %get3A_509, %get3A_511 : vector<16xf32>
    %neg3A_513 = arith.constant 0.000000e+00 : f32
    %neg3A_514 = vector.broadcast %neg3A_513 : f32 to vector<16xf32>
    %neg3A_515 = arith.subf %neg3A_514, %sub3A_512 : vector<16xf32>
    %exp3A_516 = math.exp %neg3A_515 : vector<16xf32>
    %add3A_517 = arith.constant 1.000000e+00 : f32
    %add3A_518 = vector.broadcast %add3A_517 : f32 to vector<16xf32>
    %add3A_519 = arith.addf %add3A_518, %exp3A_516 : vector<16xf32>
    %bitcast3A_520 = vector.bitcast %add3A_519 : vector<16xf32> to vector<16xi32>
    %shift_right_arithmetic3A_521 = arith.constant 23 : i32
    %shift_right_arithmetic3A_522 = vector.broadcast %shift_right_arithmetic3A_521 : i32 to vector<16xi32>
    %shift_right_arithmetic3A_523 = arith.shrsi %bitcast3A_520, %shift_right_arithmetic3A_522 : vector<16xi32>
    %sub3A_524 = arith.constant 127 : i32
    %sub3A_525 = vector.broadcast %sub3A_524 : i32 to vector<16xi32>
    %sub3A_526 = arith.subi %shift_right_arithmetic3A_523, %sub3A_525 : vector<16xi32>
    %and3A_527 = arith.constant 8388607 : i32
    %and3A_528 = vector.broadcast %and3A_527 : i32 to vector<16xi32>
    %and3A_529 = arith.andi %bitcast3A_520, %and3A_528 : vector<16xi32>
    %or3A_530 = arith.constant 1065353216 : i32
    %or3A_531 = vector.broadcast %or3A_530 : i32 to vector<16xi32>
    %or3A_532 = arith.ori %and3A_529, %or3A_531 : vector<16xi32>
    %bitcast3A_533 = vector.bitcast %or3A_532 : vector<16xi32> to vector<16xf32>
    %gt3A_534 = arith.constant 1.41421354 : f32
    %gt3A_535 = vector.broadcast %gt3A_534 : f32 to vector<16xf32>
    %gt3A_536 = arith.cmpf ogt, %bitcast3A_533, %gt3A_535 : vector<16xf32>
    %mul3A_537 = arith.constant 5.000000e-01 : f32
    %mul3A_538 = vector.broadcast %mul3A_537 : f32 to vector<16xf32>
    %mul3A_539 = arith.mulf %bitcast3A_533, %mul3A_538 : vector<16xf32>
    %select_n3A_540 = arith.select %gt3A_536, %mul3A_539, %bitcast3A_533 : vector<16xi1>, vector<16xf32>
    %add3A_541 = arith.constant 1 : i32
    %add3A_542 = vector.broadcast %add3A_541 : i32 to vector<16xi32>
    %add3A_543 = arith.addi %sub3A_526, %add3A_542 : vector<16xi32>
    %select_n3A_544 = arith.select %gt3A_536, %add3A_543, %sub3A_526 : vector<16xi1>, vector<16xi32>
    %sub3A_545 = arith.constant 1.000000e+00 : f32
    %sub3A_546 = vector.broadcast %sub3A_545 : f32 to vector<16xf32>
    %sub3A_547 = arith.subf %select_n3A_540, %sub3A_546 : vector<16xf32>
    %mul3A_548 = arith.constant 0.166666672 : f32
    %mul3A_549 = vector.broadcast %mul3A_548 : f32 to vector<16xf32>
    %mul3A_550 = arith.mulf %sub3A_547, %mul3A_549 : vector<16xf32>
    %sub3A_551 = arith.constant 2.000000e-01 : f32
    %sub3A_552 = vector.broadcast %sub3A_551 : f32 to vector<16xf32>
    %sub3A_553 = arith.subf %sub3A_552, %mul3A_550 : vector<16xf32>
    %mul3A_554 = arith.mulf %sub3A_547, %sub3A_553 : vector<16xf32>
    %sub3A_555 = arith.constant 2.500000e-01 : f32
    %sub3A_556 = vector.broadcast %sub3A_555 : f32 to vector<16xf32>
    %sub3A_557 = arith.subf %sub3A_556, %mul3A_554 : vector<16xf32>
    %mul3A_558 = arith.mulf %sub3A_547, %sub3A_557 : vector<16xf32>
    %sub3A_559 = arith.constant 0.333333343 : f32
    %sub3A_560 = vector.broadcast %sub3A_559 : f32 to vector<16xf32>
    %sub3A_561 = arith.subf %sub3A_560, %mul3A_558 : vector<16xf32>
    %mul3A_562 = arith.mulf %sub3A_547, %sub3A_561 : vector<16xf32>
    %sub3A_563 = arith.constant 5.000000e-01 : f32
    %sub3A_564 = vector.broadcast %sub3A_563 : f32 to vector<16xf32>
    %sub3A_565 = arith.subf %sub3A_564, %mul3A_562 : vector<16xf32>
    %mul3A_566 = arith.mulf %sub3A_547, %sub3A_565 : vector<16xf32>
    %sub3A_567 = arith.constant 1.000000e+00 : f32
    %sub3A_568 = vector.broadcast %sub3A_567 : f32 to vector<16xf32>
    %sub3A_569 = arith.subf %sub3A_568, %mul3A_566 : vector<16xf32>
    %mul3A_570 = arith.mulf %sub3A_547, %sub3A_569 : vector<16xf32>
    %convert_element_type3A_571 = arith.sitofp %select_n3A_544 : vector<16xi32> to vector<16xf32>
    %mul3A_572 = arith.constant 0.693147182 : f32
    %mul3A_573 = vector.broadcast %mul3A_572 : f32 to vector<16xf32>
    %mul3A_574 = arith.mulf %convert_element_type3A_571, %mul3A_573 : vector<16xf32>
    %add3A_575 = arith.addf %mul3A_574, %mul3A_570 : vector<16xf32>
    %get3A_576 = arith.constant 80 : index
    %get3A_577 = tpu.vector_load %arg8[%get3A_576] {strides = array<i32>} : memref<512xi32, #tpu.memory_space<vmem>>, vector<16xi32>,
    %broadcast_in_dim3A_578 = arith.constant 0.000000e+00 : f32
    %broadcast_in_dim3A_579 = vector.broadcast %broadcast_in_dim3A_578 : f32 to vector<16xf32>
    %eq3A_580 = arith.constant 1 : i32
    %eq3A_581 = vector.broadcast %eq3A_580 : i32 to vector<16xi32>
    %eq3A_582 = arith.cmpi eq, %get3A_577, %eq3A_581 : vector<16xi32>
    %neg3A_583 = arith.constant 0.000000e+00 : f32
    %neg3A_584 = vector.broadcast %neg3A_583 : f32 to vector<16xf32>
    %neg3A_585 = arith.subf %neg3A_584, %sub3A_512 : vector<16xf32>
    %select_n3A_586 = arith.select %eq3A_582, %broadcast_in_dim3A_579, %neg3A_585 : vector<16xi1>, vector<16xf32>
    %sub3A_587 = arith.subf %select_n3A_586, %add3A_575 : vector<16xf32>
    %sub3A_588 = arith.constant 0.105360515 : f32
    %sub3A_589 = vector.broadcast %sub3A_588 : f32 to vector<16xf32>
    %sub3A_590 = arith.subf %sub3A_587, %sub3A_589 : vector<16xf32>
    %broadcast_in_dim3A_591 = arith.constant -2.30258512 : f32
    %broadcast_in_dim3A_592 = vector.broadcast %broadcast_in_dim3A_591 : f32 to vector<16xf32>
    %eq3A_593 = arith.constant 0 : i32
    %eq3A_594 = vector.broadcast %eq3A_593 : i32 to vector<16xi32>
    %eq3A_595 = arith.cmpi eq, %get3A_577, %eq3A_594 : vector<16xi32>
    %select_n3A_596 = arith.select %eq3A_595, %broadcast_in_dim3A_592, %sub3A_590 : vector<16xi1>, vector<16xf32>
    %swap3A_597 = arith.constant 80 : index
    %swap3A_598 = tpu.vector_load %arg9[%swap3A_597] {strides = array<i32>} : memref<512xf32, #tpu.memory_space<vmem>>, vector<16xf32>,
    tpu.vector_store %arg9[%swap3A_597], %select_n3A_596 {strides = array<i32>} : memref<512xf32, #tpu.memory_space<vmem>>, vector<16xf32>,
    %get3A_599 = arith.constant 96 : index
    %get3A_600 = tpu.vector_load %arg7[%get3A_599] {strides = array<i32>} : memref<1024xf32, #tpu.memory_space<vmem>>, vector<16xf32>,
    %get3A_601 = arith.constant 224 : index
    %get3A_602 = tpu.vector_load %arg7[%get3A_601] {strides = array<i32>} : memref<1024xf32, #tpu.memory_space<vmem>>, vector<16xf32>,
    %sub3A_603 = arith.subf %get3A_600, %get3A_602 : vector<16xf32>
    %neg3A_604 = arith.constant 0.000000e+00 : f32
    %neg3A_605 = vector.broadcast %neg3A_604 : f32 to vector<16xf32>
    %neg3A_606 = arith.subf %neg3A_605, %sub3A_603 : vector<16xf32>
    %exp3A_607 = math.exp %neg3A_606 : vector<16xf32>
    %add3A_608 = arith.constant 1.000000e+00 : f32
    %add3A_609 = vector.broadcast %add3A_608 : f32 to vector<16xf32>
    %add3A_610 = arith.addf %add3A_609, %exp3A_607 : vector<16xf32>
    %bitcast3A_611 = vector.bitcast %add3A_610 : vector<16xf32> to vector<16xi32>
    %shift_right_arithmetic3A_612 = arith.constant 23 : i32
    %shift_right_arithmetic3A_613 = vector.broadcast %shift_right_arithmetic3A_612 : i32 to vector<16xi32>
    %shift_right_arithmetic3A_614 = arith.shrsi %bitcast3A_611, %shift_right_arithmetic3A_613 : vector<16xi32>
    %sub3A_615 = arith.constant 127 : i32
    %sub3A_616 = vector.broadcast %sub3A_615 : i32 to vector<16xi32>
    %sub3A_617 = arith.subi %shift_right_arithmetic3A_614, %sub3A_616 : vector<16xi32>
    %and3A_618 = arith.constant 8388607 : i32
    %and3A_619 = vector.broadcast %and3A_618 : i32 to vector<16xi32>
    %and3A_620 = arith.andi %bitcast3A_611, %and3A_619 : vector<16xi32>
    %or3A_621 = arith.constant 1065353216 : i32
    %or3A_622 = vector.broadcast %or3A_621 : i32 to vector<16xi32>
    %or3A_623 = arith.ori %and3A_620, %or3A_622 : vector<16xi32>
    %bitcast3A_624 = vector.bitcast %or3A_623 : vector<16xi32> to vector<16xf32>
    %gt3A_625 = arith.constant 1.41421354 : f32
    %gt3A_626 = vector.broadcast %gt3A_625 : f32 to vector<16xf32>
    %gt3A_627 = arith.cmpf ogt, %bitcast3A_624, %gt3A_626 : vector<16xf32>
    %mul3A_628 = arith.constant 5.000000e-01 : f32
    %mul3A_629 = vector.broadcast %mul3A_628 : f32 to vector<16xf32>
    %mul3A_630 = arith.mulf %bitcast3A_624, %mul3A_629 : vector<16xf32>
    %select_n3A_631 = arith.select %gt3A_627, %mul3A_630, %bitcast3A_624 : vector<16xi1>, vector<16xf32>
    %add3A_632 = arith.constant 1 : i32
    %add3A_633 = vector.broadcast %add3A_632 : i32 to vector<16xi32>
    %add3A_634 = arith.addi %sub3A_617, %add3A_633 : vector<16xi32>
    %select_n3A_635 = arith.select %gt3A_627, %add3A_634, %sub3A_617 : vector<16xi1>, vector<16xi32>
    %sub3A_636 = arith.constant 1.000000e+00 : f32
    %sub3A_637 = vector.broadcast %sub3A_636 : f32 to vector<16xf32>
    %sub3A_638 = arith.subf %select_n3A_631, %sub3A_637 : vector<16xf32>
    %mul3A_639 = arith.constant 0.166666672 : f32
    %mul3A_640 = vector.broadcast %mul3A_639 : f32 to vector<16xf32>
    %mul3A_641 = arith.mulf %sub3A_638, %mul3A_640 : vector<16xf32>
    %sub3A_642 = arith.constant 2.000000e-01 : f32
    %sub3A_643 = vector.broadcast %sub3A_642 : f32 to vector<16xf32>
    %sub3A_644 = arith.subf %sub3A_643, %mul3A_641 : vector<16xf32>
    %mul3A_645 = arith.mulf %sub3A_638, %sub3A_644 : vector<16xf32>
    %sub3A_646 = arith.constant 2.500000e-01 : f32
    %sub3A_647 = vector.broadcast %sub3A_646 : f32 to vector<16xf32>
    %sub3A_648 = arith.subf %sub3A_647, %mul3A_645 : vector<16xf32>
    %mul3A_649 = arith.mulf %sub3A_638, %sub3A_648 : vector<16xf32>
    %sub3A_650 = arith.constant 0.333333343 : f32
    %sub3A_651 = vector.broadcast %sub3A_650 : f32 to vector<16xf32>
    %sub3A_652 = arith.subf %sub3A_651, %mul3A_649 : vector<16xf32>
    %mul3A_653 = arith.mulf %sub3A_638, %sub3A_652 : vector<16xf32>
    %sub3A_654 = arith.constant 5.000000e-01 : f32
    %sub3A_655 = vector.broadcast %sub3A_654 : f32 to vector<16xf32>
    %sub3A_656 = arith.subf %sub3A_655, %mul3A_653 : vector<16xf32>
    %mul3A_657 = arith.mulf %sub3A_638, %sub3A_656 : vector<16xf32>
    %sub3A_658 = arith.constant 1.000000e+00 : f32
    %sub3A_659 = vector.broadcast %sub3A_658 : f32 to vector<16xf32>
    %sub3A_660 = arith.subf %sub3A_659, %mul3A_657 : vector<16xf32>
    %mul3A_661 = arith.mulf %sub3A_638, %sub3A_660 : vector<16xf32>
    %convert_element_type3A_662 = arith.sitofp %select_n3A_635 : vector<16xi32> to vector<16xf32>
    %mul3A_663 = arith.constant 0.693147182 : f32
    %mul3A_664 = vector.broadcast %mul3A_663 : f32 to vector<16xf32>
    %mul3A_665 = arith.mulf %convert_element_type3A_662, %mul3A_664 : vector<16xf32>
    %add3A_666 = arith.addf %mul3A_665, %mul3A_661 : vector<16xf32>
    %get3A_667 = arith.constant 96 : index
    %get3A_668 = tpu.vector_load %arg8[%get3A_667] {strides = array<i32>} : memref<512xi32, #tpu.memory_space<vmem>>, vector<16xi32>,
    %broadcast_in_dim3A_669 = arith.constant 0.000000e+00 : f32
    %broadcast_in_dim3A_670 = vector.broadcast %broadcast_in_dim3A_669 : f32 to vector<16xf32>
    %eq3A_671 = arith.constant 1 : i32
    %eq3A_672 = vector.broadcast %eq3A_671 : i32 to vector<16xi32>
    %eq3A_673 = arith.cmpi eq, %get3A_668, %eq3A_672 : vector<16xi32>
    %neg3A_674 = arith.constant 0.000000e+00 : f32
    %neg3A_675 = vector.broadcast %neg3A_674 : f32 to vector<16xf32>
    %neg3A_676 = arith.subf %neg3A_675, %sub3A_603 : vector<16xf32>
    %select_n3A_677 = arith.select %eq3A_673, %broadcast_in_dim3A_670, %neg3A_676 : vector<16xi1>, vector<16xf32>
    %sub3A_678 = arith.subf %select_n3A_677, %add3A_666 : vector<16xf32>
    %sub3A_679 = arith.constant 0.105360515 : f32
    %sub3A_680 = vector.broadcast %sub3A_679 : f32 to vector<16xf32>
    %sub3A_681 = arith.subf %sub3A_678, %sub3A_680 : vector<16xf32>
    %broadcast_in_dim3A_682 = arith.constant -2.30258512 : f32
    %broadcast_in_dim3A_683 = vector.broadcast %broadcast_in_dim3A_682 : f32 to vector<16xf32>
    %eq3A_684 = arith.constant 0 : i32
    %eq3A_685 = vector.broadcast %eq3A_684 : i32 to vector<16xi32>
    %eq3A_686 = arith.cmpi eq, %get3A_668, %eq3A_685 : vector<16xi32>
    %select_n3A_687 = arith.select %eq3A_686, %broadcast_in_dim3A_683, %sub3A_681 : vector<16xi1>, vector<16xf32>
    %swap3A_688 = arith.constant 96 : index
    %swap3A_689 = tpu.vector_load %arg9[%swap3A_688] {strides = array<i32>} : memref<512xf32, #tpu.memory_space<vmem>>, vector<16xf32>,
    tpu.vector_store %arg9[%swap3A_688], %select_n3A_687 {strides = array<i32>} : memref<512xf32, #tpu.memory_space<vmem>>, vector<16xf32>,
    %get3A_690 = arith.constant 112 : index
    %get3A_691 = tpu.vector_load %arg7[%get3A_690] {strides = array<i32>} : memref<1024xf32, #tpu.memory_space<vmem>>, vector<16xf32>,
    %get3A_692 = arith.constant 240 : index
    %get3A_693 = tpu.vector_load %arg7[%get3A_692] {strides = array<i32>} : memref<1024xf32, #tpu.memory_space<vmem>>, vector<16xf32>,
    %sub3A_694 = arith.subf %get3A_691, %get3A_693 : vector<16xf32>
    %neg3A_695 = arith.constant 0.000000e+00 : f32
    %neg3A_696 = vector.broadcast %neg3A_695 : f32 to vector<16xf32>
    %neg3A_697 = arith.subf %neg3A_696, %sub3A_694 : vector<16xf32>
    %exp3A_698 = math.exp %neg3A_697 : vector<16xf32>
    %add3A_699 = arith.constant 1.000000e+00 : f32
    %add3A_700 = vector.broadcast %add3A_699 : f32 to vector<16xf32>
    %add3A_701 = arith.addf %add3A_700, %exp3A_698 : vector<16xf32>
    %bitcast3A_702 = vector.bitcast %add3A_701 : vector<16xf32> to vector<16xi32>
    %shift_right_arithmetic3A_703 = arith.constant 23 : i32
    %shift_right_arithmetic3A_704 = vector.broadcast %shift_right_arithmetic3A_703 : i32 to vector<16xi32>
    %shift_right_arithmetic3A_705 = arith.shrsi %bitcast3A_702, %shift_right_arithmetic3A_704 : vector<16xi32>
    %sub3A_706 = arith.constant 127 : i32
    %sub3A_707 = vector.broadcast %sub3A_706 : i32 to vector<16xi32>
    %sub3A_708 = arith.subi %shift_right_arithmetic3A_705, %sub3A_707 : vector<16xi32>
    %and3A_709 = arith.constant 8388607 : i32
    %and3A_710 = vector.broadcast %and3A_709 : i32 to vector<16xi32>
    %and3A_711 = arith.andi %bitcast3A_702, %and3A_710 : vector<16xi32>
    %or3A_712 = arith.constant 1065353216 : i32
    %or3A_713 = vector.broadcast %or3A_712 : i32 to vector<16xi32>
    %or3A_714 = arith.ori %and3A_711, %or3A_713 : vector<16xi32>
    %bitcast3A_715 = vector.bitcast %or3A_714 : vector<16xi32> to vector<16xf32>
    %gt3A_716 = arith.constant 1.41421354 : f32
    %gt3A_717 = vector.broadcast %gt3A_716 : f32 to vector<16xf32>
    %gt3A_718 = arith.cmpf ogt, %bitcast3A_715, %gt3A_717 : vector<16xf32>
    %mul3A_719 = arith.constant 5.000000e-01 : f32
    %mul3A_720 = vector.broadcast %mul3A_719 : f32 to vector<16xf32>
    %mul3A_721 = arith.mulf %bitcast3A_715, %mul3A_720 : vector<16xf32>
    %select_n3A_722 = arith.select %gt3A_718, %mul3A_721, %bitcast3A_715 : vector<16xi1>, vector<16xf32>
    %add3A_723 = arith.constant 1 : i32
    %add3A_724 = vector.broadcast %add3A_723 : i32 to vector<16xi32>
    %add3A_725 = arith.addi %sub3A_708, %add3A_724 : vector<16xi32>
    %select_n3A_726 = arith.select %gt3A_718, %add3A_725, %sub3A_708 : vector<16xi1>, vector<16xi32>
    %sub3A_727 = arith.constant 1.000000e+00 : f32
    %sub3A_728 = vector.broadcast %sub3A_727 : f32 to vector<16xf32>
    %sub3A_729 = arith.subf %select_n3A_722, %sub3A_728 : vector<16xf32>
    %mul3A_730 = arith.constant 0.166666672 : f32
    %mul3A_731 = vector.broadcast %mul3A_730 : f32 to vector<16xf32>
    %mul3A_732 = arith.mulf %sub3A_729, %mul3A_731 : vector<16xf32>
    %sub3A_733 = arith.constant 2.000000e-01 : f32
    %sub3A_734 = vector.broadcast %sub3A_733 : f32 to vector<16xf32>
    %sub3A_735 = arith.subf %sub3A_734, %mul3A_732 : vector<16xf32>
    %mul3A_736 = arith.mulf %sub3A_729, %sub3A_735 : vector<16xf32>
    %sub3A_737 = arith.constant 2.500000e-01 : f32
    %sub3A_738 = vector.broadcast %sub3A_737 : f32 to vector<16xf32>
    %sub3A_739 = arith.subf %sub3A_738, %mul3A_736 : vector<16xf32>
    %mul3A_740 = arith.mulf %sub3A_729, %sub3A_739 : vector<16xf32>
    %sub3A_741 = arith.constant 0.333333343 : f32
    %sub3A_742 = vector.broadcast %sub3A_741 : f32 to vector<16xf32>
    %sub3A_743 = arith.subf %sub3A_742, %mul3A_740 : vector<16xf32>
    %mul3A_744 = arith.mulf %sub3A_729, %sub3A_743 : vector<16xf32>
    %sub3A_745 = arith.constant 5.000000e-01 : f32
    %sub3A_746 = vector.broadcast %sub3A_745 : f32 to vector<16xf32>
    %sub3A_747 = arith.subf %sub3A_746, %mul3A_744 : vector<16xf32>
    %mul3A_748 = arith.mulf %sub3A_729, %sub3A_747 : vector<16xf32>
    %sub3A_749 = arith.constant 1.000000e+00 : f32
    %sub3A_750 = vector.broadcast %sub3A_749 : f32 to vector<16xf32>
    %sub3A_751 = arith.subf %sub3A_750, %mul3A_748 : vector<16xf32>
    %mul3A_752 = arith.mulf %sub3A_729, %sub3A_751 : vector<16xf32>
    %convert_element_type3A_753 = arith.sitofp %select_n3A_726 : vector<16xi32> to vector<16xf32>
    %mul3A_754 = arith.constant 0.693147182 : f32
    %mul3A_755 = vector.broadcast %mul3A_754 : f32 to vector<16xf32>
    %mul3A_756 = arith.mulf %convert_element_type3A_753, %mul3A_755 : vector<16xf32>
    %add3A_757 = arith.addf %mul3A_756, %mul3A_752 : vector<16xf32>
    %get3A_758 = arith.constant 112 : index
    %get3A_759 = tpu.vector_load %arg8[%get3A_758] {strides = array<i32>} : memref<512xi32, #tpu.memory_space<vmem>>, vector<16xi32>,
    %broadcast_in_dim3A_760 = arith.constant 0.000000e+00 : f32
    %broadcast_in_dim3A_761 = vector.broadcast %broadcast_in_dim3A_760 : f32 to vector<16xf32>
    %eq3A_762 = arith.constant 1 : i32
    %eq3A_763 = vector.broadcast %eq3A_762 : i32 to vector<16xi32>
    %eq3A_764 = arith.cmpi eq, %get3A_759, %eq3A_763 : vector<16xi32>
    %neg3A_765 = arith.constant 0.000000e+00 : f32
    %neg3A_766 = vector.broadcast %neg3A_765 : f32 to vector<16xf32>
    %neg3A_767 = arith.subf %neg3A_766, %sub3A_694 : vector<16xf32>
    %select_n3A_768 = arith.select %eq3A_764, %broadcast_in_dim3A_761, %neg3A_767 : vector<16xi1>, vector<16xf32>
    %sub3A_769 = arith.subf %select_n3A_768, %add3A_757 : vector<16xf32>
    %sub3A_770 = arith.constant 0.105360515 : f32
    %sub3A_771 = vector.broadcast %sub3A_770 : f32 to vector<16xf32>
    %sub3A_772 = arith.subf %sub3A_769, %sub3A_771 : vector<16xf32>
    %broadcast_in_dim3A_773 = arith.constant -2.30258512 : f32
    %broadcast_in_dim3A_774 = vector.broadcast %broadcast_in_dim3A_773 : f32 to vector<16xf32>
    %eq3A_775 = arith.constant 0 : i32
    %eq3A_776 = vector.broadcast %eq3A_775 : i32 to vector<16xi32>
    %eq3A_777 = arith.cmpi eq, %get3A_759, %eq3A_776 : vector<16xi32>
    %select_n3A_778 = arith.select %eq3A_777, %broadcast_in_dim3A_774, %sub3A_772 : vector<16xi1>, vector<16xf32>
    %swap3A_779 = arith.constant 112 : index
    %swap3A_780 = tpu.vector_load %arg9[%swap3A_779] {strides = array<i32>} : memref<512xf32, #tpu.memory_space<vmem>>, vector<16xf32>,
    tpu.vector_store %arg9[%swap3A_779], %select_n3A_778 {strides = array<i32>} : memref<512xf32, #tpu.memory_space<vmem>>, vector<16xf32>,
    %dma_wait3A_781 = arith.constant 256 : i32
    %dma_wait3A_782 = tpu.memref_slice %arg7[%dma_wait3A_781] : memref<1024xf32, #tpu.memory_space<vmem>> -> memref<128xf32, #tpu.memory_space<vmem>>
    %dma_wait3A_783 = arith.constant 256 : i32
    %dma_wait3A_784 = tpu.memref_slice %arg6[%dma_wait3A_783] : memref<1024xi32, #tpu.memory_space<vmem>> -> memref<128xi32, #tpu.memory_space<vmem>>
    %dma_wait3A_785 = arith.constant 0 : i32
    %dma_wait3A_786 = tpu.memref_slice %arg2[%dma_wait3A_785] : memref<1000448xf32, #tpu.memory_space<hbm>> -> memref<1000448xf32, #tpu.memory_space<hbm>>
    tpu.wait_indirect_dma semaphore(%arg10 : memref<!tpu.dma_semaphore, #tpu.memory_space<semaphore_mem>>) src(%dma_wait3A_786 : memref<1000448xf32, #tpu.memory_space<hbm>>) dst(%dma_wait3A_782 : memref<128xf32, #tpu.memory_space<vmem>>)
    %dma_wait3A_787 = arith.constant 384 : i32
    %dma_wait3A_788 = tpu.memref_slice %arg7[%dma_wait3A_787] : memref<1024xf32, #tpu.memory_space<vmem>> -> memref<128xf32, #tpu.memory_space<vmem>>
    %dma_wait3A_789 = arith.constant 384 : i32
    %dma_wait3A_790 = tpu.memref_slice %arg6[%dma_wait3A_789] : memref<1024xi32, #tpu.memory_space<vmem>> -> memref<128xi32, #tpu.memory_space<vmem>>
    %dma_wait3A_791 = arith.constant 0 : i32
    %dma_wait3A_792 = tpu.memref_slice %arg2[%dma_wait3A_791] : memref<1000448xf32, #tpu.memory_space<hbm>> -> memref<1000448xf32, #tpu.memory_space<hbm>>
    tpu.wait_indirect_dma semaphore(%arg10 : memref<!tpu.dma_semaphore, #tpu.memory_space<semaphore_mem>>) src(%dma_wait3A_792 : memref<1000448xf32, #tpu.memory_space<hbm>>) dst(%dma_wait3A_788 : memref<128xf32, #tpu.memory_space<vmem>>)
    %get3A_793 = arith.constant 256 : index
    %get3A_794 = tpu.vector_load %arg7[%get3A_793] {strides = array<i32>} : memref<1024xf32, #tpu.memory_space<vmem>>, vector<16xf32>,
    %get3A_795 = arith.constant 384 : index
    %get3A_796 = tpu.vector_load %arg7[%get3A_795] {strides = array<i32>} : memref<1024xf32, #tpu.memory_space<vmem>>, vector<16xf32>,
    %sub3A_797 = arith.subf %get3A_794, %get3A_796 : vector<16xf32>
    %neg3A_798 = arith.constant 0.000000e+00 : f32
    %neg3A_799 = vector.broadcast %neg3A_798 : f32 to vector<16xf32>
    %neg3A_800 = arith.subf %neg3A_799, %sub3A_797 : vector<16xf32>
    %exp3A_801 = math.exp %neg3A_800 : vector<16xf32>
    %add3A_802 = arith.constant 1.000000e+00 : f32
    %add3A_803 = vector.broadcast %add3A_802 : f32 to vector<16xf32>
    %add3A_804 = arith.addf %add3A_803, %exp3A_801 : vector<16xf32>
    %bitcast3A_805 = vector.bitcast %add3A_804 : vector<16xf32> to vector<16xi32>
    %shift_right_arithmetic3A_806 = arith.constant 23 : i32
    %shift_right_arithmetic3A_807 = vector.broadcast %shift_right_arithmetic3A_806 : i32 to vector<16xi32>
    %shift_right_arithmetic3A_808 = arith.shrsi %bitcast3A_805, %shift_right_arithmetic3A_807 : vector<16xi32>
    %sub3A_809 = arith.constant 127 : i32
    %sub3A_810 = vector.broadcast %sub3A_809 : i32 to vector<16xi32>
    %sub3A_811 = arith.subi %shift_right_arithmetic3A_808, %sub3A_810 : vector<16xi32>
    %and3A_812 = arith.constant 8388607 : i32
    %and3A_813 = vector.broadcast %and3A_812 : i32 to vector<16xi32>
    %and3A_814 = arith.andi %bitcast3A_805, %and3A_813 : vector<16xi32>
    %or3A_815 = arith.constant 1065353216 : i32
    %or3A_816 = vector.broadcast %or3A_815 : i32 to vector<16xi32>
    %or3A_817 = arith.ori %and3A_814, %or3A_816 : vector<16xi32>
    %bitcast3A_818 = vector.bitcast %or3A_817 : vector<16xi32> to vector<16xf32>
    %gt3A_819 = arith.constant 1.41421354 : f32
    %gt3A_820 = vector.broadcast %gt3A_819 : f32 to vector<16xf32>
    %gt3A_821 = arith.cmpf ogt, %bitcast3A_818, %gt3A_820 : vector<16xf32>
    %mul3A_822 = arith.constant 5.000000e-01 : f32
    %mul3A_823 = vector.broadcast %mul3A_822 : f32 to vector<16xf32>
    %mul3A_824 = arith.mulf %bitcast3A_818, %mul3A_823 : vector<16xf32>
    %select_n3A_825 = arith.select %gt3A_821, %mul3A_824, %bitcast3A_818 : vector<16xi1>, vector<16xf32>
    %add3A_826 = arith.constant 1 : i32
    %add3A_827 = vector.broadcast %add3A_826 : i32 to vector<16xi32>
    %add3A_828 = arith.addi %sub3A_811, %add3A_827 : vector<16xi32>
    %select_n3A_829 = arith.select %gt3A_821, %add3A_828, %sub3A_811 : vector<16xi1>, vector<16xi32>
    %sub3A_830 = arith.constant 1.000000e+00 : f32
    %sub3A_831 = vector.broadcast %sub3A_830 : f32 to vector<16xf32>
    %sub3A_832 = arith.subf %select_n3A_825, %sub3A_831 : vector<16xf32>
    %mul3A_833 = arith.constant 0.166666672 : f32
    %mul3A_834 = vector.broadcast %mul3A_833 : f32 to vector<16xf32>
    %mul3A_835 = arith.mulf %sub3A_832, %mul3A_834 : vector<16xf32>
    %sub3A_836 = arith.constant 2.000000e-01 : f32
    %sub3A_837 = vector.broadcast %sub3A_836 : f32 to vector<16xf32>
    %sub3A_838 = arith.subf %sub3A_837, %mul3A_835 : vector<16xf32>
    %mul3A_839 = arith.mulf %sub3A_832, %sub3A_838 : vector<16xf32>
    %sub3A_840 = arith.constant 2.500000e-01 : f32
    %sub3A_841 = vector.broadcast %sub3A_840 : f32 to vector<16xf32>
    %sub3A_842 = arith.subf %sub3A_841, %mul3A_839 : vector<16xf32>
    %mul3A_843 = arith.mulf %sub3A_832, %sub3A_842 : vector<16xf32>
    %sub3A_844 = arith.constant 0.333333343 : f32
    %sub3A_845 = vector.broadcast %sub3A_844 : f32 to vector<16xf32>
    %sub3A_846 = arith.subf %sub3A_845, %mul3A_843 : vector<16xf32>
    %mul3A_847 = arith.mulf %sub3A_832, %sub3A_846 : vector<16xf32>
    %sub3A_848 = arith.constant 5.000000e-01 : f32
    %sub3A_849 = vector.broadcast %sub3A_848 : f32 to vector<16xf32>
    %sub3A_850 = arith.subf %sub3A_849, %mul3A_847 : vector<16xf32>
    %mul3A_851 = arith.mulf %sub3A_832, %sub3A_850 : vector<16xf32>
    %sub3A_852 = arith.constant 1.000000e+00 : f32
    %sub3A_853 = vector.broadcast %sub3A_852 : f32 to vector<16xf32>
    %sub3A_854 = arith.subf %sub3A_853, %mul3A_851 : vector<16xf32>
    %mul3A_855 = arith.mulf %sub3A_832, %sub3A_854 : vector<16xf32>
    %convert_element_type3A_856 = arith.sitofp %select_n3A_829 : vector<16xi32> to vector<16xf32>
    %mul3A_857 = arith.constant 0.693147182 : f32
    %mul3A_858 = vector.broadcast %mul3A_857 : f32 to vector<16xf32>
    %mul3A_859 = arith.mulf %convert_element_type3A_856, %mul3A_858 : vector<16xf32>
    %add3A_860 = arith.addf %mul3A_859, %mul3A_855 : vector<16xf32>
    %get3A_861 = arith.constant 128 : index
    %get3A_862 = tpu.vector_load %arg8[%get3A_861] {strides = array<i32>} : memref<512xi32, #tpu.memory_space<vmem>>, vector<16xi32>,
    %broadcast_in_dim3A_863 = arith.constant 0.000000e+00 : f32
    %broadcast_in_dim3A_864 = vector.broadcast %broadcast_in_dim3A_863 : f32 to vector<16xf32>
    %eq3A_865 = arith.constant 1 : i32
    %eq3A_866 = vector.broadcast %eq3A_865 : i32 to vector<16xi32>
    %eq3A_867 = arith.cmpi eq, %get3A_862, %eq3A_866 : vector<16xi32>
    %neg3A_868 = arith.constant 0.000000e+00 : f32
    %neg3A_869 = vector.broadcast %neg3A_868 : f32 to vector<16xf32>
    %neg3A_870 = arith.subf %neg3A_869, %sub3A_797 : vector<16xf32>
    %select_n3A_871 = arith.select %eq3A_867, %broadcast_in_dim3A_864, %neg3A_870 : vector<16xi1>, vector<16xf32>
    %sub3A_872 = arith.subf %select_n3A_871, %add3A_860 : vector<16xf32>
    %sub3A_873 = arith.constant 0.105360515 : f32
    %sub3A_874 = vector.broadcast %sub3A_873 : f32 to vector<16xf32>
    %sub3A_875 = arith.subf %sub3A_872, %sub3A_874 : vector<16xf32>
    %broadcast_in_dim3A_876 = arith.constant -2.30258512 : f32
    %broadcast_in_dim3A_877 = vector.broadcast %broadcast_in_dim3A_876 : f32 to vector<16xf32>
    %eq3A_878 = arith.constant 0 : i32
    %eq3A_879 = vector.broadcast %eq3A_878 : i32 to vector<16xi32>
    %eq3A_880 = arith.cmpi eq, %get3A_862, %eq3A_879 : vector<16xi32>
    %select_n3A_881 = arith.select %eq3A_880, %broadcast_in_dim3A_877, %sub3A_875 : vector<16xi1>, vector<16xf32>
    %swap3A_882 = arith.constant 128 : index
    %swap3A_883 = tpu.vector_load %arg9[%swap3A_882] {strides = array<i32>} : memref<512xf32, #tpu.memory_space<vmem>>, vector<16xf32>,
    tpu.vector_store %arg9[%swap3A_882], %select_n3A_881 {strides = array<i32>} : memref<512xf32, #tpu.memory_space<vmem>>, vector<16xf32>,
    %get3A_884 = arith.constant 272 : index
    %get3A_885 = tpu.vector_load %arg7[%get3A_884] {strides = array<i32>} : memref<1024xf32, #tpu.memory_space<vmem>>, vector<16xf32>,
    %get3A_886 = arith.constant 400 : index
    %get3A_887 = tpu.vector_load %arg7[%get3A_886] {strides = array<i32>} : memref<1024xf32, #tpu.memory_space<vmem>>, vector<16xf32>,
    %sub3A_888 = arith.subf %get3A_885, %get3A_887 : vector<16xf32>
    %neg3A_889 = arith.constant 0.000000e+00 : f32
    %neg3A_890 = vector.broadcast %neg3A_889 : f32 to vector<16xf32>
    %neg3A_891 = arith.subf %neg3A_890, %sub3A_888 : vector<16xf32>
    %exp3A_892 = math.exp %neg3A_891 : vector<16xf32>
    %add3A_893 = arith.constant 1.000000e+00 : f32
    %add3A_894 = vector.broadcast %add3A_893 : f32 to vector<16xf32>
    %add3A_895 = arith.addf %add3A_894, %exp3A_892 : vector<16xf32>
    %bitcast3A_896 = vector.bitcast %add3A_895 : vector<16xf32> to vector<16xi32>
    %shift_right_arithmetic3A_897 = arith.constant 23 : i32
    %shift_right_arithmetic3A_898 = vector.broadcast %shift_right_arithmetic3A_897 : i32 to vector<16xi32>
    %shift_right_arithmetic3A_899 = arith.shrsi %bitcast3A_896, %shift_right_arithmetic3A_898 : vector<16xi32>
    %sub3A_900 = arith.constant 127 : i32
    %sub3A_901 = vector.broadcast %sub3A_900 : i32 to vector<16xi32>
    %sub3A_902 = arith.subi %shift_right_arithmetic3A_899, %sub3A_901 : vector<16xi32>
    %and3A_903 = arith.constant 8388607 : i32
    %and3A_904 = vector.broadcast %and3A_903 : i32 to vector<16xi32>
    %and3A_905 = arith.andi %bitcast3A_896, %and3A_904 : vector<16xi32>
    %or3A_906 = arith.constant 1065353216 : i32
    %or3A_907 = vector.broadcast %or3A_906 : i32 to vector<16xi32>
    %or3A_908 = arith.ori %and3A_905, %or3A_907 : vector<16xi32>
    %bitcast3A_909 = vector.bitcast %or3A_908 : vector<16xi32> to vector<16xf32>
    %gt3A_910 = arith.constant 1.41421354 : f32
    %gt3A_911 = vector.broadcast %gt3A_910 : f32 to vector<16xf32>
    %gt3A_912 = arith.cmpf ogt, %bitcast3A_909, %gt3A_911 : vector<16xf32>
    %mul3A_913 = arith.constant 5.000000e-01 : f32
    %mul3A_914 = vector.broadcast %mul3A_913 : f32 to vector<16xf32>
    %mul3A_915 = arith.mulf %bitcast3A_909, %mul3A_914 : vector<16xf32>
    %select_n3A_916 = arith.select %gt3A_912, %mul3A_915, %bitcast3A_909 : vector<16xi1>, vector<16xf32>
    %add3A_917 = arith.constant 1 : i32
    %add3A_918 = vector.broadcast %add3A_917 : i32 to vector<16xi32>
    %add3A_919 = arith.addi %sub3A_902, %add3A_918 : vector<16xi32>
    %select_n3A_920 = arith.select %gt3A_912, %add3A_919, %sub3A_902 : vector<16xi1>, vector<16xi32>
    %sub3A_921 = arith.constant 1.000000e+00 : f32
    %sub3A_922 = vector.broadcast %sub3A_921 : f32 to vector<16xf32>
    %sub3A_923 = arith.subf %select_n3A_916, %sub3A_922 : vector<16xf32>
    %mul3A_924 = arith.constant 0.166666672 : f32
    %mul3A_925 = vector.broadcast %mul3A_924 : f32 to vector<16xf32>
    %mul3A_926 = arith.mulf %sub3A_923, %mul3A_925 : vector<16xf32>
    %sub3A_927 = arith.constant 2.000000e-01 : f32
    %sub3A_928 = vector.broadcast %sub3A_927 : f32 to vector<16xf32>
    %sub3A_929 = arith.subf %sub3A_928, %mul3A_926 : vector<16xf32>
    %mul3A_930 = arith.mulf %sub3A_923, %sub3A_929 : vector<16xf32>
    %sub3A_931 = arith.constant 2.500000e-01 : f32
    %sub3A_932 = vector.broadcast %sub3A_931 : f32 to vector<16xf32>
    %sub3A_933 = arith.subf %sub3A_932, %mul3A_930 : vector<16xf32>
    %mul3A_934 = arith.mulf %sub3A_923, %sub3A_933 : vector<16xf32>
    %sub3A_935 = arith.constant 0.333333343 : f32
    %sub3A_936 = vector.broadcast %sub3A_935 : f32 to vector<16xf32>
    %sub3A_937 = arith.subf %sub3A_936, %mul3A_934 : vector<16xf32>
    %mul3A_938 = arith.mulf %sub3A_923, %sub3A_937 : vector<16xf32>
    %sub3A_939 = arith.constant 5.000000e-01 : f32
    %sub3A_940 = vector.broadcast %sub3A_939 : f32 to vector<16xf32>
    %sub3A_941 = arith.subf %sub3A_940, %mul3A_938 : vector<16xf32>
    %mul3A_942 = arith.mulf %sub3A_923, %sub3A_941 : vector<16xf32>
    %sub3A_943 = arith.constant 1.000000e+00 : f32
    %sub3A_944 = vector.broadcast %sub3A_943 : f32 to vector<16xf32>
    %sub3A_945 = arith.subf %sub3A_944, %mul3A_942 : vector<16xf32>
    %mul3A_946 = arith.mulf %sub3A_923, %sub3A_945 : vector<16xf32>
    %convert_element_type3A_947 = arith.sitofp %select_n3A_920 : vector<16xi32> to vector<16xf32>
    %mul3A_948 = arith.constant 0.693147182 : f32
    %mul3A_949 = vector.broadcast %mul3A_948 : f32 to vector<16xf32>
    %mul3A_950 = arith.mulf %convert_element_type3A_947, %mul3A_949 : vector<16xf32>
    %add3A_951 = arith.addf %mul3A_950, %mul3A_946 : vector<16xf32>
    %get3A_952 = arith.constant 144 : index
    %get3A_953 = tpu.vector_load %arg8[%get3A_952] {strides = array<i32>} : memref<512xi32, #tpu.memory_space<vmem>>, vector<16xi32>,
    %broadcast_in_dim3A_954 = arith.constant 0.000000e+00 : f32
    %broadcast_in_dim3A_955 = vector.broadcast %broadcast_in_dim3A_954 : f32 to vector<16xf32>
    %eq3A_956 = arith.constant 1 : i32
    %eq3A_957 = vector.broadcast %eq3A_956 : i32 to vector<16xi32>
    %eq3A_958 = arith.cmpi eq, %get3A_953, %eq3A_957 : vector<16xi32>
    %neg3A_959 = arith.constant 0.000000e+00 : f32
    %neg3A_960 = vector.broadcast %neg3A_959 : f32 to vector<16xf32>
    %neg3A_961 = arith.subf %neg3A_960, %sub3A_888 : vector<16xf32>
    %select_n3A_962 = arith.select %eq3A_958, %broadcast_in_dim3A_955, %neg3A_961 : vector<16xi1>, vector<16xf32>
    %sub3A_963 = arith.subf %select_n3A_962, %add3A_951 : vector<16xf32>
    %sub3A_964 = arith.constant 0.105360515 : f32
    %sub3A_965 = vector.broadcast %sub3A_964 : f32 to vector<16xf32>
    %sub3A_966 = arith.subf %sub3A_963, %sub3A_965 : vector<16xf32>
    %broadcast_in_dim3A_967 = arith.constant -2.30258512 : f32
    %broadcast_in_dim3A_968 = vector.broadcast %broadcast_in_dim3A_967 : f32 to vector<16xf32>
    %eq3A_969 = arith.constant 0 : i32
    %eq3A_970 = vector.broadcast %eq3A_969 : i32 to vector<16xi32>
    %eq3A_971 = arith.cmpi eq, %get3A_953, %eq3A_970 : vector<16xi32>
    %select_n3A_972 = arith.select %eq3A_971, %broadcast_in_dim3A_968, %sub3A_966 : vector<16xi1>, vector<16xf32>
    %swap3A_973 = arith.constant 144 : index
    %swap3A_974 = tpu.vector_load %arg9[%swap3A_973] {strides = array<i32>} : memref<512xf32, #tpu.memory_space<vmem>>, vector<16xf32>,
    tpu.vector_store %arg9[%swap3A_973], %select_n3A_972 {strides = array<i32>} : memref<512xf32, #tpu.memory_space<vmem>>, vector<16xf32>,
    %get3A_975 = arith.constant 288 : index
    %get3A_976 = tpu.vector_load %arg7[%get3A_975] {strides = array<i32>} : memref<1024xf32, #tpu.memory_space<vmem>>, vector<16xf32>,
    %get3A_977 = arith.constant 416 : index
    %get3A_978 = tpu.vector_load %arg7[%get3A_977] {strides = array<i32>} : memref<1024xf32, #tpu.memory_space<vmem>>, vector<16xf32>,
    %sub3A_979 = arith.subf %get3A_976, %get3A_978 : vector<16xf32>
    %neg3A_980 = arith.constant 0.000000e+00 : f32
    %neg3A_981 = vector.broadcast %neg3A_980 : f32 to vector<16xf32>
    %neg3A_982 = arith.subf %neg3A_981, %sub3A_979 : vector<16xf32>
    %exp3A_983 = math.exp %neg3A_982 : vector<16xf32>
    %add3A_984 = arith.constant 1.000000e+00 : f32
    %add3A_985 = vector.broadcast %add3A_984 : f32 to vector<16xf32>
    %add3A_986 = arith.addf %add3A_985, %exp3A_983 : vector<16xf32>
    %bitcast3A_987 = vector.bitcast %add3A_986 : vector<16xf32> to vector<16xi32>
    %shift_right_arithmetic3A_988 = arith.constant 23 : i32
    %shift_right_arithmetic3A_989 = vector.broadcast %shift_right_arithmetic3A_988 : i32 to vector<16xi32>
    %shift_right_arithmetic3A_990 = arith.shrsi %bitcast3A_987, %shift_right_arithmetic3A_989 : vector<16xi32>
    %sub3A_991 = arith.constant 127 : i32
    %sub3A_992 = vector.broadcast %sub3A_991 : i32 to vector<16xi32>
    %sub3A_993 = arith.subi %shift_right_arithmetic3A_990, %sub3A_992 : vector<16xi32>
    %and3A_994 = arith.constant 8388607 : i32
    %and3A_995 = vector.broadcast %and3A_994 : i32 to vector<16xi32>
    %and3A_996 = arith.andi %bitcast3A_987, %and3A_995 : vector<16xi32>
    %or3A_997 = arith.constant 1065353216 : i32
    %or3A_998 = vector.broadcast %or3A_997 : i32 to vector<16xi32>
    %or3A_999 = arith.ori %and3A_996, %or3A_998 : vector<16xi32>
    %bitcast3A_1000 = vector.bitcast %or3A_999 : vector<16xi32> to vector<16xf32>
    %gt3A_1001 = arith.constant 1.41421354 : f32
    %gt3A_1002 = vector.broadcast %gt3A_1001 : f32 to vector<16xf32>
    %gt3A_1003 = arith.cmpf ogt, %bitcast3A_1000, %gt3A_1002 : vector<16xf32>
    %mul3A_1004 = arith.constant 5.000000e-01 : f32
    %mul3A_1005 = vector.broadcast %mul3A_1004 : f32 to vector<16xf32>
    %mul3A_1006 = arith.mulf %bitcast3A_1000, %mul3A_1005 : vector<16xf32>
    %select_n3A_1007 = arith.select %gt3A_1003, %mul3A_1006, %bitcast3A_1000 : vector<16xi1>, vector<16xf32>
    %add3A_1008 = arith.constant 1 : i32
    %add3A_1009 = vector.broadcast %add3A_1008 : i32 to vector<16xi32>
    %add3A_1010 = arith.addi %sub3A_993, %add3A_1009 : vector<16xi32>
    %select_n3A_1011 = arith.select %gt3A_1003, %add3A_1010, %sub3A_993 : vector<16xi1>, vector<16xi32>
    %sub3A_1012 = arith.constant 1.000000e+00 : f32
    %sub3A_1013 = vector.broadcast %sub3A_1012 : f32 to vector<16xf32>
    %sub3A_1014 = arith.subf %select_n3A_1007, %sub3A_1013 : vector<16xf32>
    %mul3A_1015 = arith.constant 0.166666672 : f32
    %mul3A_1016 = vector.broadcast %mul3A_1015 : f32 to vector<16xf32>
    %mul3A_1017 = arith.mulf %sub3A_1014, %mul3A_1016 : vector<16xf32>
    %sub3A_1018 = arith.constant 2.000000e-01 : f32
    %sub3A_1019 = vector.broadcast %sub3A_1018 : f32 to vector<16xf32>
    %sub3A_1020 = arith.subf %sub3A_1019, %mul3A_1017 : vector<16xf32>
    %mul3A_1021 = arith.mulf %sub3A_1014, %sub3A_1020 : vector<16xf32>
    %sub3A_1022 = arith.constant 2.500000e-01 : f32
    %sub3A_1023 = vector.broadcast %sub3A_1022 : f32 to vector<16xf32>
    %sub3A_1024 = arith.subf %sub3A_1023, %mul3A_1021 : vector<16xf32>
    %mul3A_1025 = arith.mulf %sub3A_1014, %sub3A_1024 : vector<16xf32>
    %sub3A_1026 = arith.constant 0.333333343 : f32
    %sub3A_1027 = vector.broadcast %sub3A_1026 : f32 to vector<16xf32>
    %sub3A_1028 = arith.subf %sub3A_1027, %mul3A_1025 : vector<16xf32>
    %mul3A_1029 = arith.mulf %sub3A_1014, %sub3A_1028 : vector<16xf32>
    %sub3A_1030 = arith.constant 5.000000e-01 : f32
    %sub3A_1031 = vector.broadcast %sub3A_1030 : f32 to vector<16xf32>
    %sub3A_1032 = arith.subf %sub3A_1031, %mul3A_1029 : vector<16xf32>
    %mul3A_1033 = arith.mulf %sub3A_1014, %sub3A_1032 : vector<16xf32>
    %sub3A_1034 = arith.constant 1.000000e+00 : f32
    %sub3A_1035 = vector.broadcast %sub3A_1034 : f32 to vector<16xf32>
    %sub3A_1036 = arith.subf %sub3A_1035, %mul3A_1033 : vector<16xf32>
    %mul3A_1037 = arith.mulf %sub3A_1014, %sub3A_1036 : vector<16xf32>
    %convert_element_type3A_1038 = arith.sitofp %select_n3A_1011 : vector<16xi32> to vector<16xf32>
    %mul3A_1039 = arith.constant 0.693147182 : f32
    %mul3A_1040 = vector.broadcast %mul3A_1039 : f32 to vector<16xf32>
    %mul3A_1041 = arith.mulf %convert_element_type3A_1038, %mul3A_1040 : vector<16xf32>
    %add3A_1042 = arith.addf %mul3A_1041, %mul3A_1037 : vector<16xf32>
    %get3A_1043 = arith.constant 160 : index
    %get3A_1044 = tpu.vector_load %arg8[%get3A_1043] {strides = array<i32>} : memref<512xi32, #tpu.memory_space<vmem>>, vector<16xi32>,
    %broadcast_in_dim3A_1045 = arith.constant 0.000000e+00 : f32
    %broadcast_in_dim3A_1046 = vector.broadcast %broadcast_in_dim3A_1045 : f32 to vector<16xf32>
    %eq3A_1047 = arith.constant 1 : i32
    %eq3A_1048 = vector.broadcast %eq3A_1047 : i32 to vector<16xi32>
    %eq3A_1049 = arith.cmpi eq, %get3A_1044, %eq3A_1048 : vector<16xi32>
    %neg3A_1050 = arith.constant 0.000000e+00 : f32
    %neg3A_1051 = vector.broadcast %neg3A_1050 : f32 to vector<16xf32>
    %neg3A_1052 = arith.subf %neg3A_1051, %sub3A_979 : vector<16xf32>
    %select_n3A_1053 = arith.select %eq3A_1049, %broadcast_in_dim3A_1046, %neg3A_1052 : vector<16xi1>, vector<16xf32>
    %sub3A_1054 = arith.subf %select_n3A_1053, %add3A_1042 : vector<16xf32>
    %sub3A_1055 = arith.constant 0.105360515 : f32
    %sub3A_1056 = vector.broadcast %sub3A_1055 : f32 to vector<16xf32>
    %sub3A_1057 = arith.subf %sub3A_1054, %sub3A_1056 : vector<16xf32>
    %broadcast_in_dim3A_1058 = arith.constant -2.30258512 : f32
    %broadcast_in_dim3A_1059 = vector.broadcast %broadcast_in_dim3A_1058 : f32 to vector<16xf32>
    %eq3A_1060 = arith.constant 0 : i32
    %eq3A_1061 = vector.broadcast %eq3A_1060 : i32 to vector<16xi32>
    %eq3A_1062 = arith.cmpi eq, %get3A_1044, %eq3A_1061 : vector<16xi32>
    %select_n3A_1063 = arith.select %eq3A_1062, %broadcast_in_dim3A_1059, %sub3A_1057 : vector<16xi1>, vector<16xf32>
    %swap3A_1064 = arith.constant 160 : index
    %swap3A_1065 = tpu.vector_load %arg9[%swap3A_1064] {strides = array<i32>} : memref<512xf32, #tpu.memory_space<vmem>>, vector<16xf32>,
    tpu.vector_store %arg9[%swap3A_1064], %select_n3A_1063 {strides = array<i32>} : memref<512xf32, #tpu.memory_space<vmem>>, vector<16xf32>,
    %get3A_1066 = arith.constant 304 : index
    %get3A_1067 = tpu.vector_load %arg7[%get3A_1066] {strides = array<i32>} : memref<1024xf32, #tpu.memory_space<vmem>>, vector<16xf32>,
    %get3A_1068 = arith.constant 432 : index
    %get3A_1069 = tpu.vector_load %arg7[%get3A_1068] {strides = array<i32>} : memref<1024xf32, #tpu.memory_space<vmem>>, vector<16xf32>,
    %sub3A_1070 = arith.subf %get3A_1067, %get3A_1069 : vector<16xf32>
    %neg3A_1071 = arith.constant 0.000000e+00 : f32
    %neg3A_1072 = vector.broadcast %neg3A_1071 : f32 to vector<16xf32>
    %neg3A_1073 = arith.subf %neg3A_1072, %sub3A_1070 : vector<16xf32>
    %exp3A_1074 = math.exp %neg3A_1073 : vector<16xf32>
    %add3A_1075 = arith.constant 1.000000e+00 : f32
    %add3A_1076 = vector.broadcast %add3A_1075 : f32 to vector<16xf32>
    %add3A_1077 = arith.addf %add3A_1076, %exp3A_1074 : vector<16xf32>
    %bitcast3A_1078 = vector.bitcast %add3A_1077 : vector<16xf32> to vector<16xi32>
    %shift_right_arithmetic3A_1079 = arith.constant 23 : i32
    %shift_right_arithmetic3A_1080 = vector.broadcast %shift_right_arithmetic3A_1079 : i32 to vector<16xi32>
    %shift_right_arithmetic3A_1081 = arith.shrsi %bitcast3A_1078, %shift_right_arithmetic3A_1080 : vector<16xi32>
    %sub3A_1082 = arith.constant 127 : i32
    %sub3A_1083 = vector.broadcast %sub3A_1082 : i32 to vector<16xi32>
    %sub3A_1084 = arith.subi %shift_right_arithmetic3A_1081, %sub3A_1083 : vector<16xi32>
    %and3A_1085 = arith.constant 8388607 : i32
    %and3A_1086 = vector.broadcast %and3A_1085 : i32 to vector<16xi32>
    %and3A_1087 = arith.andi %bitcast3A_1078, %and3A_1086 : vector<16xi32>
    %or3A_1088 = arith.constant 1065353216 : i32
    %or3A_1089 = vector.broadcast %or3A_1088 : i32 to vector<16xi32>
    %or3A_1090 = arith.ori %and3A_1087, %or3A_1089 : vector<16xi32>
    %bitcast3A_1091 = vector.bitcast %or3A_1090 : vector<16xi32> to vector<16xf32>
    %gt3A_1092 = arith.constant 1.41421354 : f32
    %gt3A_1093 = vector.broadcast %gt3A_1092 : f32 to vector<16xf32>
    %gt3A_1094 = arith.cmpf ogt, %bitcast3A_1091, %gt3A_1093 : vector<16xf32>
    %mul3A_1095 = arith.constant 5.000000e-01 : f32
    %mul3A_1096 = vector.broadcast %mul3A_1095 : f32 to vector<16xf32>
    %mul3A_1097 = arith.mulf %bitcast3A_1091, %mul3A_1096 : vector<16xf32>
    %select_n3A_1098 = arith.select %gt3A_1094, %mul3A_1097, %bitcast3A_1091 : vector<16xi1>, vector<16xf32>
    %add3A_1099 = arith.constant 1 : i32
    %add3A_1100 = vector.broadcast %add3A_1099 : i32 to vector<16xi32>
    %add3A_1101 = arith.addi %sub3A_1084, %add3A_1100 : vector<16xi32>
    %select_n3A_1102 = arith.select %gt3A_1094, %add3A_1101, %sub3A_1084 : vector<16xi1>, vector<16xi32>
    %sub3A_1103 = arith.constant 1.000000e+00 : f32
    %sub3A_1104 = vector.broadcast %sub3A_1103 : f32 to vector<16xf32>
    %sub3A_1105 = arith.subf %select_n3A_1098, %sub3A_1104 : vector<16xf32>
    %mul3A_1106 = arith.constant 0.166666672 : f32
    %mul3A_1107 = vector.broadcast %mul3A_1106 : f32 to vector<16xf32>
    %mul3A_1108 = arith.mulf %sub3A_1105, %mul3A_1107 : vector<16xf32>
    %sub3A_1109 = arith.constant 2.000000e-01 : f32
    %sub3A_1110 = vector.broadcast %sub3A_1109 : f32 to vector<16xf32>
    %sub3A_1111 = arith.subf %sub3A_1110, %mul3A_1108 : vector<16xf32>
    %mul3A_1112 = arith.mulf %sub3A_1105, %sub3A_1111 : vector<16xf32>
    %sub3A_1113 = arith.constant 2.500000e-01 : f32
    %sub3A_1114 = vector.broadcast %sub3A_1113 : f32 to vector<16xf32>
    %sub3A_1115 = arith.subf %sub3A_1114, %mul3A_1112 : vector<16xf32>
    %mul3A_1116 = arith.mulf %sub3A_1105, %sub3A_1115 : vector<16xf32>
    %sub3A_1117 = arith.constant 0.333333343 : f32
    %sub3A_1118 = vector.broadcast %sub3A_1117 : f32 to vector<16xf32>
    %sub3A_1119 = arith.subf %sub3A_1118, %mul3A_1116 : vector<16xf32>
    %mul3A_1120 = arith.mulf %sub3A_1105, %sub3A_1119 : vector<16xf32>
    %sub3A_1121 = arith.constant 5.000000e-01 : f32
    %sub3A_1122 = vector.broadcast %sub3A_1121 : f32 to vector<16xf32>
    %sub3A_1123 = arith.subf %sub3A_1122, %mul3A_1120 : vector<16xf32>
    %mul3A_1124 = arith.mulf %sub3A_1105, %sub3A_1123 : vector<16xf32>
    %sub3A_1125 = arith.constant 1.000000e+00 : f32
    %sub3A_1126 = vector.broadcast %sub3A_1125 : f32 to vector<16xf32>
    %sub3A_1127 = arith.subf %sub3A_1126, %mul3A_1124 : vector<16xf32>
    %mul3A_1128 = arith.mulf %sub3A_1105, %sub3A_1127 : vector<16xf32>
    %convert_element_type3A_1129 = arith.sitofp %select_n3A_1102 : vector<16xi32> to vector<16xf32>
    %mul3A_1130 = arith.constant 0.693147182 : f32
    %mul3A_1131 = vector.broadcast %mul3A_1130 : f32 to vector<16xf32>
    %mul3A_1132 = arith.mulf %convert_element_type3A_1129, %mul3A_1131 : vector<16xf32>
    %add3A_1133 = arith.addf %mul3A_1132, %mul3A_1128 : vector<16xf32>
    %get3A_1134 = arith.constant 176 : index
    %get3A_1135 = tpu.vector_load %arg8[%get3A_1134] {strides = array<i32>} : memref<512xi32, #tpu.memory_space<vmem>>, vector<16xi32>,
    %broadcast_in_dim3A_1136 = arith.constant 0.000000e+00 : f32
    %broadcast_in_dim3A_1137 = vector.broadcast %broadcast_in_dim3A_1136 : f32 to vector<16xf32>
    %eq3A_1138 = arith.constant 1 : i32
    %eq3A_1139 = vector.broadcast %eq3A_1138 : i32 to vector<16xi32>
    %eq3A_1140 = arith.cmpi eq, %get3A_1135, %eq3A_1139 : vector<16xi32>
    %neg3A_1141 = arith.constant 0.000000e+00 : f32
    %neg3A_1142 = vector.broadcast %neg3A_1141 : f32 to vector<16xf32>
    %neg3A_1143 = arith.subf %neg3A_1142, %sub3A_1070 : vector<16xf32>
    %select_n3A_1144 = arith.select %eq3A_1140, %broadcast_in_dim3A_1137, %neg3A_1143 : vector<16xi1>, vector<16xf32>
    %sub3A_1145 = arith.subf %select_n3A_1144, %add3A_1133 : vector<16xf32>
    %sub3A_1146 = arith.constant 0.105360515 : f32
    %sub3A_1147 = vector.broadcast %sub3A_1146 : f32 to vector<16xf32>
    %sub3A_1148 = arith.subf %sub3A_1145, %sub3A_1147 : vector<16xf32>
    %broadcast_in_dim3A_1149 = arith.constant -2.30258512 : f32
    %broadcast_in_dim3A_1150 = vector.broadcast %broadcast_in_dim3A_1149 : f32 to vector<16xf32>
    %eq3A_1151 = arith.constant 0 : i32
    %eq3A_1152 = vector.broadcast %eq3A_1151 : i32 to vector<16xi32>
    %eq3A_1153 = arith.cmpi eq, %get3A_1135, %eq3A_1152 : vector<16xi32>
    %select_n3A_1154 = arith.select %eq3A_1153, %broadcast_in_dim3A_1150, %sub3A_1148 : vector<16xi1>, vector<16xf32>
    %swap3A_1155 = arith.constant 176 : index
    %swap3A_1156 = tpu.vector_load %arg9[%swap3A_1155] {strides = array<i32>} : memref<512xf32, #tpu.memory_space<vmem>>, vector<16xf32>,
    tpu.vector_store %arg9[%swap3A_1155], %select_n3A_1154 {strides = array<i32>} : memref<512xf32, #tpu.memory_space<vmem>>, vector<16xf32>,
    %get3A_1157 = arith.constant 320 : index
    %get3A_1158 = tpu.vector_load %arg7[%get3A_1157] {strides = array<i32>} : memref<1024xf32, #tpu.memory_space<vmem>>, vector<16xf32>,
    %get3A_1159 = arith.constant 448 : index
    %get3A_1160 = tpu.vector_load %arg7[%get3A_1159] {strides = array<i32>} : memref<1024xf32, #tpu.memory_space<vmem>>, vector<16xf32>,
    %sub3A_1161 = arith.subf %get3A_1158, %get3A_1160 : vector<16xf32>
    %neg3A_1162 = arith.constant 0.000000e+00 : f32
    %neg3A_1163 = vector.broadcast %neg3A_1162 : f32 to vector<16xf32>
    %neg3A_1164 = arith.subf %neg3A_1163, %sub3A_1161 : vector<16xf32>
    %exp3A_1165 = math.exp %neg3A_1164 : vector<16xf32>
    %add3A_1166 = arith.constant 1.000000e+00 : f32
    %add3A_1167 = vector.broadcast %add3A_1166 : f32 to vector<16xf32>
    %add3A_1168 = arith.addf %add3A_1167, %exp3A_1165 : vector<16xf32>
    %bitcast3A_1169 = vector.bitcast %add3A_1168 : vector<16xf32> to vector<16xi32>
    %shift_right_arithmetic3A_1170 = arith.constant 23 : i32
    %shift_right_arithmetic3A_1171 = vector.broadcast %shift_right_arithmetic3A_1170 : i32 to vector<16xi32>
    %shift_right_arithmetic3A_1172 = arith.shrsi %bitcast3A_1169, %shift_right_arithmetic3A_1171 : vector<16xi32>
    %sub3A_1173 = arith.constant 127 : i32
    %sub3A_1174 = vector.broadcast %sub3A_1173 : i32 to vector<16xi32>
    %sub3A_1175 = arith.subi %shift_right_arithmetic3A_1172, %sub3A_1174 : vector<16xi32>
    %and3A_1176 = arith.constant 8388607 : i32
    %and3A_1177 = vector.broadcast %and3A_1176 : i32 to vector<16xi32>
    %and3A_1178 = arith.andi %bitcast3A_1169, %and3A_1177 : vector<16xi32>
    %or3A_1179 = arith.constant 1065353216 : i32
    %or3A_1180 = vector.broadcast %or3A_1179 : i32 to vector<16xi32>
    %or3A_1181 = arith.ori %and3A_1178, %or3A_1180 : vector<16xi32>
    %bitcast3A_1182 = vector.bitcast %or3A_1181 : vector<16xi32> to vector<16xf32>
    %gt3A_1183 = arith.constant 1.41421354 : f32
    %gt3A_1184 = vector.broadcast %gt3A_1183 : f32 to vector<16xf32>
    %gt3A_1185 = arith.cmpf ogt, %bitcast3A_1182, %gt3A_1184 : vector<16xf32>
    %mul3A_1186 = arith.constant 5.000000e-01 : f32
    %mul3A_1187 = vector.broadcast %mul3A_1186 : f32 to vector<16xf32>
    %mul3A_1188 = arith.mulf %bitcast3A_1182, %mul3A_1187 : vector<16xf32>
    %select_n3A_1189 = arith.select %gt3A_1185, %mul3A_1188, %bitcast3A_1182 : vector<16xi1>, vector<16xf32>
    %add3A_1190 = arith.constant 1 : i32
    %add3A_1191 = vector.broadcast %add3A_1190 : i32 to vector<16xi32>
    %add3A_1192 = arith.addi %sub3A_1175, %add3A_1191 : vector<16xi32>
    %select_n3A_1193 = arith.select %gt3A_1185, %add3A_1192, %sub3A_1175 : vector<16xi1>, vector<16xi32>
    %sub3A_1194 = arith.constant 1.000000e+00 : f32
    %sub3A_1195 = vector.broadcast %sub3A_1194 : f32 to vector<16xf32>
    %sub3A_1196 = arith.subf %select_n3A_1189, %sub3A_1195 : vector<16xf32>
    %mul3A_1197 = arith.constant 0.166666672 : f32
    %mul3A_1198 = vector.broadcast %mul3A_1197 : f32 to vector<16xf32>
    %mul3A_1199 = arith.mulf %sub3A_1196, %mul3A_1198 : vector<16xf32>
    %sub3A_1200 = arith.constant 2.000000e-01 : f32
    %sub3A_1201 = vector.broadcast %sub3A_1200 : f32 to vector<16xf32>
    %sub3A_1202 = arith.subf %sub3A_1201, %mul3A_1199 : vector<16xf32>
    %mul3A_1203 = arith.mulf %sub3A_1196, %sub3A_1202 : vector<16xf32>
    %sub3A_1204 = arith.constant 2.500000e-01 : f32
    %sub3A_1205 = vector.broadcast %sub3A_1204 : f32 to vector<16xf32>
    %sub3A_1206 = arith.subf %sub3A_1205, %mul3A_1203 : vector<16xf32>
    %mul3A_1207 = arith.mulf %sub3A_1196, %sub3A_1206 : vector<16xf32>
    %sub3A_1208 = arith.constant 0.333333343 : f32
    %sub3A_1209 = vector.broadcast %sub3A_1208 : f32 to vector<16xf32>
    %sub3A_1210 = arith.subf %sub3A_1209, %mul3A_1207 : vector<16xf32>
    %mul3A_1211 = arith.mulf %sub3A_1196, %sub3A_1210 : vector<16xf32>
    %sub3A_1212 = arith.constant 5.000000e-01 : f32
    %sub3A_1213 = vector.broadcast %sub3A_1212 : f32 to vector<16xf32>
    %sub3A_1214 = arith.subf %sub3A_1213, %mul3A_1211 : vector<16xf32>
    %mul3A_1215 = arith.mulf %sub3A_1196, %sub3A_1214 : vector<16xf32>
    %sub3A_1216 = arith.constant 1.000000e+00 : f32
    %sub3A_1217 = vector.broadcast %sub3A_1216 : f32 to vector<16xf32>
    %sub3A_1218 = arith.subf %sub3A_1217, %mul3A_1215 : vector<16xf32>
    %mul3A_1219 = arith.mulf %sub3A_1196, %sub3A_1218 : vector<16xf32>
    %convert_element_type3A_1220 = arith.sitofp %select_n3A_1193 : vector<16xi32> to vector<16xf32>
    %mul3A_1221 = arith.constant 0.693147182 : f32
    %mul3A_1222 = vector.broadcast %mul3A_1221 : f32 to vector<16xf32>
    %mul3A_1223 = arith.mulf %convert_element_type3A_1220, %mul3A_1222 : vector<16xf32>
    %add3A_1224 = arith.addf %mul3A_1223, %mul3A_1219 : vector<16xf32>
    %get3A_1225 = arith.constant 192 : index
    %get3A_1226 = tpu.vector_load %arg8[%get3A_1225] {strides = array<i32>} : memref<512xi32, #tpu.memory_space<vmem>>, vector<16xi32>,
    %broadcast_in_dim3A_1227 = arith.constant 0.000000e+00 : f32
    %broadcast_in_dim3A_1228 = vector.broadcast %broadcast_in_dim3A_1227 : f32 to vector<16xf32>
    %eq3A_1229 = arith.constant 1 : i32
    %eq3A_1230 = vector.broadcast %eq3A_1229 : i32 to vector<16xi32>
    %eq3A_1231 = arith.cmpi eq, %get3A_1226, %eq3A_1230 : vector<16xi32>
    %neg3A_1232 = arith.constant 0.000000e+00 : f32
    %neg3A_1233 = vector.broadcast %neg3A_1232 : f32 to vector<16xf32>
    %neg3A_1234 = arith.subf %neg3A_1233, %sub3A_1161 : vector<16xf32>
    %select_n3A_1235 = arith.select %eq3A_1231, %broadcast_in_dim3A_1228, %neg3A_1234 : vector<16xi1>, vector<16xf32>
    %sub3A_1236 = arith.subf %select_n3A_1235, %add3A_1224 : vector<16xf32>
    %sub3A_1237 = arith.constant 0.105360515 : f32
    %sub3A_1238 = vector.broadcast %sub3A_1237 : f32 to vector<16xf32>
    %sub3A_1239 = arith.subf %sub3A_1236, %sub3A_1238 : vector<16xf32>
    %broadcast_in_dim3A_1240 = arith.constant -2.30258512 : f32
    %broadcast_in_dim3A_1241 = vector.broadcast %broadcast_in_dim3A_1240 : f32 to vector<16xf32>
    %eq3A_1242 = arith.constant 0 : i32
    %eq3A_1243 = vector.broadcast %eq3A_1242 : i32 to vector<16xi32>
    %eq3A_1244 = arith.cmpi eq, %get3A_1226, %eq3A_1243 : vector<16xi32>
    %select_n3A_1245 = arith.select %eq3A_1244, %broadcast_in_dim3A_1241, %sub3A_1239 : vector<16xi1>, vector<16xf32>
    %swap3A_1246 = arith.constant 192 : index
    %swap3A_1247 = tpu.vector_load %arg9[%swap3A_1246] {strides = array<i32>} : memref<512xf32, #tpu.memory_space<vmem>>, vector<16xf32>,
    tpu.vector_store %arg9[%swap3A_1246], %select_n3A_1245 {strides = array<i32>} : memref<512xf32, #tpu.memory_space<vmem>>, vector<16xf32>,
    %get3A_1248 = arith.constant 336 : index
    %get3A_1249 = tpu.vector_load %arg7[%get3A_1248] {strides = array<i32>} : memref<1024xf32, #tpu.memory_space<vmem>>, vector<16xf32>,
    %get3A_1250 = arith.constant 464 : index
    %get3A_1251 = tpu.vector_load %arg7[%get3A_1250] {strides = array<i32>} : memref<1024xf32, #tpu.memory_space<vmem>>, vector<16xf32>,
    %sub3A_1252 = arith.subf %get3A_1249, %get3A_1251 : vector<16xf32>
    %neg3A_1253 = arith.constant 0.000000e+00 : f32
    %neg3A_1254 = vector.broadcast %neg3A_1253 : f32 to vector<16xf32>
    %neg3A_1255 = arith.subf %neg3A_1254, %sub3A_1252 : vector<16xf32>
    %exp3A_1256 = math.exp %neg3A_1255 : vector<16xf32>
    %add3A_1257 = arith.constant 1.000000e+00 : f32
    %add3A_1258 = vector.broadcast %add3A_1257 : f32 to vector<16xf32>
    %add3A_1259 = arith.addf %add3A_1258, %exp3A_1256 : vector<16xf32>
    %bitcast3A_1260 = vector.bitcast %add3A_1259 : vector<16xf32> to vector<16xi32>
    %shift_right_arithmetic3A_1261 = arith.constant 23 : i32
    %shift_right_arithmetic3A_1262 = vector.broadcast %shift_right_arithmetic3A_1261 : i32 to vector<16xi32>
    %shift_right_arithmetic3A_1263 = arith.shrsi %bitcast3A_1260, %shift_right_arithmetic3A_1262 : vector<16xi32>
    %sub3A_1264 = arith.constant 127 : i32
    %sub3A_1265 = vector.broadcast %sub3A_1264 : i32 to vector<16xi32>
    %sub3A_1266 = arith.subi %shift_right_arithmetic3A_1263, %sub3A_1265 : vector<16xi32>
    %and3A_1267 = arith.constant 8388607 : i32
    %and3A_1268 = vector.broadcast %and3A_1267 : i32 to vector<16xi32>
    %and3A_1269 = arith.andi %bitcast3A_1260, %and3A_1268 : vector<16xi32>
    %or3A_1270 = arith.constant 1065353216 : i32
    %or3A_1271 = vector.broadcast %or3A_1270 : i32 to vector<16xi32>
    %or3A_1272 = arith.ori %and3A_1269, %or3A_1271 : vector<16xi32>
    %bitcast3A_1273 = vector.bitcast %or3A_1272 : vector<16xi32> to vector<16xf32>
    %gt3A_1274 = arith.constant 1.41421354 : f32
    %gt3A_1275 = vector.broadcast %gt3A_1274 : f32 to vector<16xf32>
    %gt3A_1276 = arith.cmpf ogt, %bitcast3A_1273, %gt3A_1275 : vector<16xf32>
    %mul3A_1277 = arith.constant 5.000000e-01 : f32
    %mul3A_1278 = vector.broadcast %mul3A_1277 : f32 to vector<16xf32>
    %mul3A_1279 = arith.mulf %bitcast3A_1273, %mul3A_1278 : vector<16xf32>
    %select_n3A_1280 = arith.select %gt3A_1276, %mul3A_1279, %bitcast3A_1273 : vector<16xi1>, vector<16xf32>
    %add3A_1281 = arith.constant 1 : i32
    %add3A_1282 = vector.broadcast %add3A_1281 : i32 to vector<16xi32>
    %add3A_1283 = arith.addi %sub3A_1266, %add3A_1282 : vector<16xi32>
    %select_n3A_1284 = arith.select %gt3A_1276, %add3A_1283, %sub3A_1266 : vector<16xi1>, vector<16xi32>
    %sub3A_1285 = arith.constant 1.000000e+00 : f32
    %sub3A_1286 = vector.broadcast %sub3A_1285 : f32 to vector<16xf32>
    %sub3A_1287 = arith.subf %select_n3A_1280, %sub3A_1286 : vector<16xf32>
    %mul3A_1288 = arith.constant 0.166666672 : f32
    %mul3A_1289 = vector.broadcast %mul3A_1288 : f32 to vector<16xf32>
    %mul3A_1290 = arith.mulf %sub3A_1287, %mul3A_1289 : vector<16xf32>
    %sub3A_1291 = arith.constant 2.000000e-01 : f32
    %sub3A_1292 = vector.broadcast %sub3A_1291 : f32 to vector<16xf32>
    %sub3A_1293 = arith.subf %sub3A_1292, %mul3A_1290 : vector<16xf32>
    %mul3A_1294 = arith.mulf %sub3A_1287, %sub3A_1293 : vector<16xf32>
    %sub3A_1295 = arith.constant 2.500000e-01 : f32
    %sub3A_1296 = vector.broadcast %sub3A_1295 : f32 to vector<16xf32>
    %sub3A_1297 = arith.subf %sub3A_1296, %mul3A_1294 : vector<16xf32>
    %mul3A_1298 = arith.mulf %sub3A_1287, %sub3A_1297 : vector<16xf32>
    %sub3A_1299 = arith.constant 0.333333343 : f32
    %sub3A_1300 = vector.broadcast %sub3A_1299 : f32 to vector<16xf32>
    %sub3A_1301 = arith.subf %sub3A_1300, %mul3A_1298 : vector<16xf32>
    %mul3A_1302 = arith.mulf %sub3A_1287, %sub3A_1301 : vector<16xf32>
    %sub3A_1303 = arith.constant 5.000000e-01 : f32
    %sub3A_1304 = vector.broadcast %sub3A_1303 : f32 to vector<16xf32>
    %sub3A_1305 = arith.subf %sub3A_1304, %mul3A_1302 : vector<16xf32>
    %mul3A_1306 = arith.mulf %sub3A_1287, %sub3A_1305 : vector<16xf32>
    %sub3A_1307 = arith.constant 1.000000e+00 : f32
    %sub3A_1308 = vector.broadcast %sub3A_1307 : f32 to vector<16xf32>
    %sub3A_1309 = arith.subf %sub3A_1308, %mul3A_1306 : vector<16xf32>
    %mul3A_1310 = arith.mulf %sub3A_1287, %sub3A_1309 : vector<16xf32>
    %convert_element_type3A_1311 = arith.sitofp %select_n3A_1284 : vector<16xi32> to vector<16xf32>
    %mul3A_1312 = arith.constant 0.693147182 : f32
    %mul3A_1313 = vector.broadcast %mul3A_1312 : f32 to vector<16xf32>
    %mul3A_1314 = arith.mulf %convert_element_type3A_1311, %mul3A_1313 : vector<16xf32>
    %add3A_1315 = arith.addf %mul3A_1314, %mul3A_1310 : vector<16xf32>
    %get3A_1316 = arith.constant 208 : index
    %get3A_1317 = tpu.vector_load %arg8[%get3A_1316] {strides = array<i32>} : memref<512xi32, #tpu.memory_space<vmem>>, vector<16xi32>,
    %broadcast_in_dim3A_1318 = arith.constant 0.000000e+00 : f32
    %broadcast_in_dim3A_1319 = vector.broadcast %broadcast_in_dim3A_1318 : f32 to vector<16xf32>
    %eq3A_1320 = arith.constant 1 : i32
    %eq3A_1321 = vector.broadcast %eq3A_1320 : i32 to vector<16xi32>
    %eq3A_1322 = arith.cmpi eq, %get3A_1317, %eq3A_1321 : vector<16xi32>
    %neg3A_1323 = arith.constant 0.000000e+00 : f32
    %neg3A_1324 = vector.broadcast %neg3A_1323 : f32 to vector<16xf32>
    %neg3A_1325 = arith.subf %neg3A_1324, %sub3A_1252 : vector<16xf32>
    %select_n3A_1326 = arith.select %eq3A_1322, %broadcast_in_dim3A_1319, %neg3A_1325 : vector<16xi1>, vector<16xf32>
    %sub3A_1327 = arith.subf %select_n3A_1326, %add3A_1315 : vector<16xf32>
    %sub3A_1328 = arith.constant 0.105360515 : f32
    %sub3A_1329 = vector.broadcast %sub3A_1328 : f32 to vector<16xf32>
    %sub3A_1330 = arith.subf %sub3A_1327, %sub3A_1329 : vector<16xf32>
    %broadcast_in_dim3A_1331 = arith.constant -2.30258512 : f32
    %broadcast_in_dim3A_1332 = vector.broadcast %broadcast_in_dim3A_1331 : f32 to vector<16xf32>
    %eq3A_1333 = arith.constant 0 : i32
    %eq3A_1334 = vector.broadcast %eq3A_1333 : i32 to vector<16xi32>
    %eq3A_1335 = arith.cmpi eq, %get3A_1317, %eq3A_1334 : vector<16xi32>
    %select_n3A_1336 = arith.select %eq3A_1335, %broadcast_in_dim3A_1332, %sub3A_1330 : vector<16xi1>, vector<16xf32>
    %swap3A_1337 = arith.constant 208 : index
    %swap3A_1338 = tpu.vector_load %arg9[%swap3A_1337] {strides = array<i32>} : memref<512xf32, #tpu.memory_space<vmem>>, vector<16xf32>,
    tpu.vector_store %arg9[%swap3A_1337], %select_n3A_1336 {strides = array<i32>} : memref<512xf32, #tpu.memory_space<vmem>>, vector<16xf32>,
    %get3A_1339 = arith.constant 352 : index
    %get3A_1340 = tpu.vector_load %arg7[%get3A_1339] {strides = array<i32>} : memref<1024xf32, #tpu.memory_space<vmem>>, vector<16xf32>,
    %get3A_1341 = arith.constant 480 : index
    %get3A_1342 = tpu.vector_load %arg7[%get3A_1341] {strides = array<i32>} : memref<1024xf32, #tpu.memory_space<vmem>>, vector<16xf32>,
    %sub3A_1343 = arith.subf %get3A_1340, %get3A_1342 : vector<16xf32>
    %neg3A_1344 = arith.constant 0.000000e+00 : f32
    %neg3A_1345 = vector.broadcast %neg3A_1344 : f32 to vector<16xf32>
    %neg3A_1346 = arith.subf %neg3A_1345, %sub3A_1343 : vector<16xf32>
    %exp3A_1347 = math.exp %neg3A_1346 : vector<16xf32>
    %add3A_1348 = arith.constant 1.000000e+00 : f32
    %add3A_1349 = vector.broadcast %add3A_1348 : f32 to vector<16xf32>
    %add3A_1350 = arith.addf %add3A_1349, %exp3A_1347 : vector<16xf32>
    %bitcast3A_1351 = vector.bitcast %add3A_1350 : vector<16xf32> to vector<16xi32>
    %shift_right_arithmetic3A_1352 = arith.constant 23 : i32
    %shift_right_arithmetic3A_1353 = vector.broadcast %shift_right_arithmetic3A_1352 : i32 to vector<16xi32>
    %shift_right_arithmetic3A_1354 = arith.shrsi %bitcast3A_1351, %shift_right_arithmetic3A_1353 : vector<16xi32>
    %sub3A_1355 = arith.constant 127 : i32
    %sub3A_1356 = vector.broadcast %sub3A_1355 : i32 to vector<16xi32>
    %sub3A_1357 = arith.subi %shift_right_arithmetic3A_1354, %sub3A_1356 : vector<16xi32>
    %and3A_1358 = arith.constant 8388607 : i32
    %and3A_1359 = vector.broadcast %and3A_1358 : i32 to vector<16xi32>
    %and3A_1360 = arith.andi %bitcast3A_1351, %and3A_1359 : vector<16xi32>
    %or3A_1361 = arith.constant 1065353216 : i32
    %or3A_1362 = vector.broadcast %or3A_1361 : i32 to vector<16xi32>
    %or3A_1363 = arith.ori %and3A_1360, %or3A_1362 : vector<16xi32>
    %bitcast3A_1364 = vector.bitcast %or3A_1363 : vector<16xi32> to vector<16xf32>
    %gt3A_1365 = arith.constant 1.41421354 : f32
    %gt3A_1366 = vector.broadcast %gt3A_1365 : f32 to vector<16xf32>
    %gt3A_1367 = arith.cmpf ogt, %bitcast3A_1364, %gt3A_1366 : vector<16xf32>
    %mul3A_1368 = arith.constant 5.000000e-01 : f32
    %mul3A_1369 = vector.broadcast %mul3A_1368 : f32 to vector<16xf32>
    %mul3A_1370 = arith.mulf %bitcast3A_1364, %mul3A_1369 : vector<16xf32>
    %select_n3A_1371 = arith.select %gt3A_1367, %mul3A_1370, %bitcast3A_1364 : vector<16xi1>, vector<16xf32>
    %add3A_1372 = arith.constant 1 : i32
    %add3A_1373 = vector.broadcast %add3A_1372 : i32 to vector<16xi32>
    %add3A_1374 = arith.addi %sub3A_1357, %add3A_1373 : vector<16xi32>
    %select_n3A_1375 = arith.select %gt3A_1367, %add3A_1374, %sub3A_1357 : vector<16xi1>, vector<16xi32>
    %sub3A_1376 = arith.constant 1.000000e+00 : f32
    %sub3A_1377 = vector.broadcast %sub3A_1376 : f32 to vector<16xf32>
    %sub3A_1378 = arith.subf %select_n3A_1371, %sub3A_1377 : vector<16xf32>
    %mul3A_1379 = arith.constant 0.166666672 : f32
    %mul3A_1380 = vector.broadcast %mul3A_1379 : f32 to vector<16xf32>
    %mul3A_1381 = arith.mulf %sub3A_1378, %mul3A_1380 : vector<16xf32>
    %sub3A_1382 = arith.constant 2.000000e-01 : f32
    %sub3A_1383 = vector.broadcast %sub3A_1382 : f32 to vector<16xf32>
    %sub3A_1384 = arith.subf %sub3A_1383, %mul3A_1381 : vector<16xf32>
    %mul3A_1385 = arith.mulf %sub3A_1378, %sub3A_1384 : vector<16xf32>
    %sub3A_1386 = arith.constant 2.500000e-01 : f32
    %sub3A_1387 = vector.broadcast %sub3A_1386 : f32 to vector<16xf32>
    %sub3A_1388 = arith.subf %sub3A_1387, %mul3A_1385 : vector<16xf32>
    %mul3A_1389 = arith.mulf %sub3A_1378, %sub3A_1388 : vector<16xf32>
    %sub3A_1390 = arith.constant 0.333333343 : f32
    %sub3A_1391 = vector.broadcast %sub3A_1390 : f32 to vector<16xf32>
    %sub3A_1392 = arith.subf %sub3A_1391, %mul3A_1389 : vector<16xf32>
    %mul3A_1393 = arith.mulf %sub3A_1378, %sub3A_1392 : vector<16xf32>
    %sub3A_1394 = arith.constant 5.000000e-01 : f32
    %sub3A_1395 = vector.broadcast %sub3A_1394 : f32 to vector<16xf32>
    %sub3A_1396 = arith.subf %sub3A_1395, %mul3A_1393 : vector<16xf32>
    %mul3A_1397 = arith.mulf %sub3A_1378, %sub3A_1396 : vector<16xf32>
    %sub3A_1398 = arith.constant 1.000000e+00 : f32
    %sub3A_1399 = vector.broadcast %sub3A_1398 : f32 to vector<16xf32>
    %sub3A_1400 = arith.subf %sub3A_1399, %mul3A_1397 : vector<16xf32>
    %mul3A_1401 = arith.mulf %sub3A_1378, %sub3A_1400 : vector<16xf32>
    %convert_element_type3A_1402 = arith.sitofp %select_n3A_1375 : vector<16xi32> to vector<16xf32>
    %mul3A_1403 = arith.constant 0.693147182 : f32
    %mul3A_1404 = vector.broadcast %mul3A_1403 : f32 to vector<16xf32>
    %mul3A_1405 = arith.mulf %convert_element_type3A_1402, %mul3A_1404 : vector<16xf32>
    %add3A_1406 = arith.addf %mul3A_1405, %mul3A_1401 : vector<16xf32>
    %get3A_1407 = arith.constant 224 : index
    %get3A_1408 = tpu.vector_load %arg8[%get3A_1407] {strides = array<i32>} : memref<512xi32, #tpu.memory_space<vmem>>, vector<16xi32>,
    %broadcast_in_dim3A_1409 = arith.constant 0.000000e+00 : f32
    %broadcast_in_dim3A_1410 = vector.broadcast %broadcast_in_dim3A_1409 : f32 to vector<16xf32>
    %eq3A_1411 = arith.constant 1 : i32
    %eq3A_1412 = vector.broadcast %eq3A_1411 : i32 to vector<16xi32>
    %eq3A_1413 = arith.cmpi eq, %get3A_1408, %eq3A_1412 : vector<16xi32>
    %neg3A_1414 = arith.constant 0.000000e+00 : f32
    %neg3A_1415 = vector.broadcast %neg3A_1414 : f32 to vector<16xf32>
    %neg3A_1416 = arith.subf %neg3A_1415, %sub3A_1343 : vector<16xf32>
    %select_n3A_1417 = arith.select %eq3A_1413, %broadcast_in_dim3A_1410, %neg3A_1416 : vector<16xi1>, vector<16xf32>
    %sub3A_1418 = arith.subf %select_n3A_1417, %add3A_1406 : vector<16xf32>
    %sub3A_1419 = arith.constant 0.105360515 : f32
    %sub3A_1420 = vector.broadcast %sub3A_1419 : f32 to vector<16xf32>
    %sub3A_1421 = arith.subf %sub3A_1418, %sub3A_1420 : vector<16xf32>
    %broadcast_in_dim3A_1422 = arith.constant -2.30258512 : f32
    %broadcast_in_dim3A_1423 = vector.broadcast %broadcast_in_dim3A_1422 : f32 to vector<16xf32>
    %eq3A_1424 = arith.constant 0 : i32
    %eq3A_1425 = vector.broadcast %eq3A_1424 : i32 to vector<16xi32>
    %eq3A_1426 = arith.cmpi eq, %get3A_1408, %eq3A_1425 : vector<16xi32>
    %select_n3A_1427 = arith.select %eq3A_1426, %broadcast_in_dim3A_1423, %sub3A_1421 : vector<16xi1>, vector<16xf32>
    %swap3A_1428 = arith.constant 224 : index
    %swap3A_1429 = tpu.vector_load %arg9[%swap3A_1428] {strides = array<i32>} : memref<512xf32, #tpu.memory_space<vmem>>, vector<16xf32>,
    tpu.vector_store %arg9[%swap3A_1428], %select_n3A_1427 {strides = array<i32>} : memref<512xf32, #tpu.memory_space<vmem>>, vector<16xf32>,
    %get3A_1430 = arith.constant 368 : index
    %get3A_1431 = tpu.vector_load %arg7[%get3A_1430] {strides = array<i32>} : memref<1024xf32, #tpu.memory_space<vmem>>, vector<16xf32>,
    %get3A_1432 = arith.constant 496 : index
    %get3A_1433 = tpu.vector_load %arg7[%get3A_1432] {strides = array<i32>} : memref<1024xf32, #tpu.memory_space<vmem>>, vector<16xf32>,
    %sub3A_1434 = arith.subf %get3A_1431, %get3A_1433 : vector<16xf32>
    %neg3A_1435 = arith.constant 0.000000e+00 : f32
    %neg3A_1436 = vector.broadcast %neg3A_1435 : f32 to vector<16xf32>
    %neg3A_1437 = arith.subf %neg3A_1436, %sub3A_1434 : vector<16xf32>
    %exp3A_1438 = math.exp %neg3A_1437 : vector<16xf32>
    %add3A_1439 = arith.constant 1.000000e+00 : f32
    %add3A_1440 = vector.broadcast %add3A_1439 : f32 to vector<16xf32>
    %add3A_1441 = arith.addf %add3A_1440, %exp3A_1438 : vector<16xf32>
    %bitcast3A_1442 = vector.bitcast %add3A_1441 : vector<16xf32> to vector<16xi32>
    %shift_right_arithmetic3A_1443 = arith.constant 23 : i32
    %shift_right_arithmetic3A_1444 = vector.broadcast %shift_right_arithmetic3A_1443 : i32 to vector<16xi32>
    %shift_right_arithmetic3A_1445 = arith.shrsi %bitcast3A_1442, %shift_right_arithmetic3A_1444 : vector<16xi32>
    %sub3A_1446 = arith.constant 127 : i32
    %sub3A_1447 = vector.broadcast %sub3A_1446 : i32 to vector<16xi32>
    %sub3A_1448 = arith.subi %shift_right_arithmetic3A_1445, %sub3A_1447 : vector<16xi32>
    %and3A_1449 = arith.constant 8388607 : i32
    %and3A_1450 = vector.broadcast %and3A_1449 : i32 to vector<16xi32>
    %and3A_1451 = arith.andi %bitcast3A_1442, %and3A_1450 : vector<16xi32>
    %or3A_1452 = arith.constant 1065353216 : i32
    %or3A_1453 = vector.broadcast %or3A_1452 : i32 to vector<16xi32>
    %or3A_1454 = arith.ori %and3A_1451, %or3A_1453 : vector<16xi32>
    %bitcast3A_1455 = vector.bitcast %or3A_1454 : vector<16xi32> to vector<16xf32>
    %gt3A_1456 = arith.constant 1.41421354 : f32
    %gt3A_1457 = vector.broadcast %gt3A_1456 : f32 to vector<16xf32>
    %gt3A_1458 = arith.cmpf ogt, %bitcast3A_1455, %gt3A_1457 : vector<16xf32>
    %mul3A_1459 = arith.constant 5.000000e-01 : f32
    %mul3A_1460 = vector.broadcast %mul3A_1459 : f32 to vector<16xf32>
    %mul3A_1461 = arith.mulf %bitcast3A_1455, %mul3A_1460 : vector<16xf32>
    %select_n3A_1462 = arith.select %gt3A_1458, %mul3A_1461, %bitcast3A_1455 : vector<16xi1>, vector<16xf32>
    %add3A_1463 = arith.constant 1 : i32
    %add3A_1464 = vector.broadcast %add3A_1463 : i32 to vector<16xi32>
    %add3A_1465 = arith.addi %sub3A_1448, %add3A_1464 : vector<16xi32>
    %select_n3A_1466 = arith.select %gt3A_1458, %add3A_1465, %sub3A_1448 : vector<16xi1>, vector<16xi32>
    %sub3A_1467 = arith.constant 1.000000e+00 : f32
    %sub3A_1468 = vector.broadcast %sub3A_1467 : f32 to vector<16xf32>
    %sub3A_1469 = arith.subf %select_n3A_1462, %sub3A_1468 : vector<16xf32>
    %mul3A_1470 = arith.constant 0.166666672 : f32
    %mul3A_1471 = vector.broadcast %mul3A_1470 : f32 to vector<16xf32>
    %mul3A_1472 = arith.mulf %sub3A_1469, %mul3A_1471 : vector<16xf32>
    %sub3A_1473 = arith.constant 2.000000e-01 : f32
    %sub3A_1474 = vector.broadcast %sub3A_1473 : f32 to vector<16xf32>
    %sub3A_1475 = arith.subf %sub3A_1474, %mul3A_1472 : vector<16xf32>
    %mul3A_1476 = arith.mulf %sub3A_1469, %sub3A_1475 : vector<16xf32>
    %sub3A_1477 = arith.constant 2.500000e-01 : f32
    %sub3A_1478 = vector.broadcast %sub3A_1477 : f32 to vector<16xf32>
    %sub3A_1479 = arith.subf %sub3A_1478, %mul3A_1476 : vector<16xf32>
    %mul3A_1480 = arith.mulf %sub3A_1469, %sub3A_1479 : vector<16xf32>
    %sub3A_1481 = arith.constant 0.333333343 : f32
    %sub3A_1482 = vector.broadcast %sub3A_1481 : f32 to vector<16xf32>
    %sub3A_1483 = arith.subf %sub3A_1482, %mul3A_1480 : vector<16xf32>
    %mul3A_1484 = arith.mulf %sub3A_1469, %sub3A_1483 : vector<16xf32>
    %sub3A_1485 = arith.constant 5.000000e-01 : f32
    %sub3A_1486 = vector.broadcast %sub3A_1485 : f32 to vector<16xf32>
    %sub3A_1487 = arith.subf %sub3A_1486, %mul3A_1484 : vector<16xf32>
    %mul3A_1488 = arith.mulf %sub3A_1469, %sub3A_1487 : vector<16xf32>
    %sub3A_1489 = arith.constant 1.000000e+00 : f32
    %sub3A_1490 = vector.broadcast %sub3A_1489 : f32 to vector<16xf32>
    %sub3A_1491 = arith.subf %sub3A_1490, %mul3A_1488 : vector<16xf32>
    %mul3A_1492 = arith.mulf %sub3A_1469, %sub3A_1491 : vector<16xf32>
    %convert_element_type3A_1493 = arith.sitofp %select_n3A_1466 : vector<16xi32> to vector<16xf32>
    %mul3A_1494 = arith.constant 0.693147182 : f32
    %mul3A_1495 = vector.broadcast %mul3A_1494 : f32 to vector<16xf32>
    %mul3A_1496 = arith.mulf %convert_element_type3A_1493, %mul3A_1495 : vector<16xf32>
    %add3A_1497 = arith.addf %mul3A_1496, %mul3A_1492 : vector<16xf32>
    %get3A_1498 = arith.constant 240 : index
    %get3A_1499 = tpu.vector_load %arg8[%get3A_1498] {strides = array<i32>} : memref<512xi32, #tpu.memory_space<vmem>>, vector<16xi32>,
    %broadcast_in_dim3A_1500 = arith.constant 0.000000e+00 : f32
    %broadcast_in_dim3A_1501 = vector.broadcast %broadcast_in_dim3A_1500 : f32 to vector<16xf32>
    %eq3A_1502 = arith.constant 1 : i32
    %eq3A_1503 = vector.broadcast %eq3A_1502 : i32 to vector<16xi32>
    %eq3A_1504 = arith.cmpi eq, %get3A_1499, %eq3A_1503 : vector<16xi32>
    %neg3A_1505 = arith.constant 0.000000e+00 : f32
    %neg3A_1506 = vector.broadcast %neg3A_1505 : f32 to vector<16xf32>
    %neg3A_1507 = arith.subf %neg3A_1506, %sub3A_1434 : vector<16xf32>
    %select_n3A_1508 = arith.select %eq3A_1504, %broadcast_in_dim3A_1501, %neg3A_1507 : vector<16xi1>, vector<16xf32>
    %sub3A_1509 = arith.subf %select_n3A_1508, %add3A_1497 : vector<16xf32>
    %sub3A_1510 = arith.constant 0.105360515 : f32
    %sub3A_1511 = vector.broadcast %sub3A_1510 : f32 to vector<16xf32>
    %sub3A_1512 = arith.subf %sub3A_1509, %sub3A_1511 : vector<16xf32>
    %broadcast_in_dim3A_1513 = arith.constant -2.30258512 : f32
    %broadcast_in_dim3A_1514 = vector.broadcast %broadcast_in_dim3A_1513 : f32 to vector<16xf32>
    %eq3A_1515 = arith.constant 0 : i32
    %eq3A_1516 = vector.broadcast %eq3A_1515 : i32 to vector<16xi32>
    %eq3A_1517 = arith.cmpi eq, %get3A_1499, %eq3A_1516 : vector<16xi32>
    %select_n3A_1518 = arith.select %eq3A_1517, %broadcast_in_dim3A_1514, %sub3A_1512 : vector<16xi1>, vector<16xf32>
    %swap3A_1519 = arith.constant 240 : index
    %swap3A_1520 = tpu.vector_load %arg9[%swap3A_1519] {strides = array<i32>} : memref<512xf32, #tpu.memory_space<vmem>>, vector<16xf32>,
    tpu.vector_store %arg9[%swap3A_1519], %select_n3A_1518 {strides = array<i32>} : memref<512xf32, #tpu.memory_space<vmem>>, vector<16xf32>,
    %dma_wait3A_1521 = arith.constant 512 : i32
    %dma_wait3A_1522 = tpu.memref_slice %arg7[%dma_wait3A_1521] : memref<1024xf32, #tpu.memory_space<vmem>> -> memref<128xf32, #tpu.memory_space<vmem>>
    %dma_wait3A_1523 = arith.constant 512 : i32
    %dma_wait3A_1524 = tpu.memref_slice %arg6[%dma_wait3A_1523] : memref<1024xi32, #tpu.memory_space<vmem>> -> memref<128xi32, #tpu.memory_space<vmem>>
    %dma_wait3A_1525 = arith.constant 0 : i32
    %dma_wait3A_1526 = tpu.memref_slice %arg2[%dma_wait3A_1525] : memref<1000448xf32, #tpu.memory_space<hbm>> -> memref<1000448xf32, #tpu.memory_space<hbm>>
    tpu.wait_indirect_dma semaphore(%arg10 : memref<!tpu.dma_semaphore, #tpu.memory_space<semaphore_mem>>) src(%dma_wait3A_1526 : memref<1000448xf32, #tpu.memory_space<hbm>>) dst(%dma_wait3A_1522 : memref<128xf32, #tpu.memory_space<vmem>>)
    %dma_wait3A_1527 = arith.constant 640 : i32
    %dma_wait3A_1528 = tpu.memref_slice %arg7[%dma_wait3A_1527] : memref<1024xf32, #tpu.memory_space<vmem>> -> memref<128xf32, #tpu.memory_space<vmem>>
    %dma_wait3A_1529 = arith.constant 640 : i32
    %dma_wait3A_1530 = tpu.memref_slice %arg6[%dma_wait3A_1529] : memref<1024xi32, #tpu.memory_space<vmem>> -> memref<128xi32, #tpu.memory_space<vmem>>
    %dma_wait3A_1531 = arith.constant 0 : i32
    %dma_wait3A_1532 = tpu.memref_slice %arg2[%dma_wait3A_1531] : memref<1000448xf32, #tpu.memory_space<hbm>> -> memref<1000448xf32, #tpu.memory_space<hbm>>
    tpu.wait_indirect_dma semaphore(%arg10 : memref<!tpu.dma_semaphore, #tpu.memory_space<semaphore_mem>>) src(%dma_wait3A_1532 : memref<1000448xf32, #tpu.memory_space<hbm>>) dst(%dma_wait3A_1528 : memref<128xf32, #tpu.memory_space<vmem>>)
    %get3A_1533 = arith.constant 512 : index
    %get3A_1534 = tpu.vector_load %arg7[%get3A_1533] {strides = array<i32>} : memref<1024xf32, #tpu.memory_space<vmem>>, vector<16xf32>,
    %get3A_1535 = arith.constant 640 : index
    %get3A_1536 = tpu.vector_load %arg7[%get3A_1535] {strides = array<i32>} : memref<1024xf32, #tpu.memory_space<vmem>>, vector<16xf32>,
    %sub3A_1537 = arith.subf %get3A_1534, %get3A_1536 : vector<16xf32>
    %neg3A_1538 = arith.constant 0.000000e+00 : f32
    %neg3A_1539 = vector.broadcast %neg3A_1538 : f32 to vector<16xf32>
    %neg3A_1540 = arith.subf %neg3A_1539, %sub3A_1537 : vector<16xf32>
    %exp3A_1541 = math.exp %neg3A_1540 : vector<16xf32>
    %add3A_1542 = arith.constant 1.000000e+00 : f32
    %add3A_1543 = vector.broadcast %add3A_1542 : f32 to vector<16xf32>
    %add3A_1544 = arith.addf %add3A_1543, %exp3A_1541 : vector<16xf32>
    %bitcast3A_1545 = vector.bitcast %add3A_1544 : vector<16xf32> to vector<16xi32>
    %shift_right_arithmetic3A_1546 = arith.constant 23 : i32
    %shift_right_arithmetic3A_1547 = vector.broadcast %shift_right_arithmetic3A_1546 : i32 to vector<16xi32>
    %shift_right_arithmetic3A_1548 = arith.shrsi %bitcast3A_1545, %shift_right_arithmetic3A_1547 : vector<16xi32>
    %sub3A_1549 = arith.constant 127 : i32
    %sub3A_1550 = vector.broadcast %sub3A_1549 : i32 to vector<16xi32>
    %sub3A_1551 = arith.subi %shift_right_arithmetic3A_1548, %sub3A_1550 : vector<16xi32>
    %and3A_1552 = arith.constant 8388607 : i32
    %and3A_1553 = vector.broadcast %and3A_1552 : i32 to vector<16xi32>
    %and3A_1554 = arith.andi %bitcast3A_1545, %and3A_1553 : vector<16xi32>
    %or3A_1555 = arith.constant 1065353216 : i32
    %or3A_1556 = vector.broadcast %or3A_1555 : i32 to vector<16xi32>
    %or3A_1557 = arith.ori %and3A_1554, %or3A_1556 : vector<16xi32>
    %bitcast3A_1558 = vector.bitcast %or3A_1557 : vector<16xi32> to vector<16xf32>
    %gt3A_1559 = arith.constant 1.41421354 : f32
    %gt3A_1560 = vector.broadcast %gt3A_1559 : f32 to vector<16xf32>
    %gt3A_1561 = arith.cmpf ogt, %bitcast3A_1558, %gt3A_1560 : vector<16xf32>
    %mul3A_1562 = arith.constant 5.000000e-01 : f32
    %mul3A_1563 = vector.broadcast %mul3A_1562 : f32 to vector<16xf32>
    %mul3A_1564 = arith.mulf %bitcast3A_1558, %mul3A_1563 : vector<16xf32>
    %select_n3A_1565 = arith.select %gt3A_1561, %mul3A_1564, %bitcast3A_1558 : vector<16xi1>, vector<16xf32>
    %add3A_1566 = arith.constant 1 : i32
    %add3A_1567 = vector.broadcast %add3A_1566 : i32 to vector<16xi32>
    %add3A_1568 = arith.addi %sub3A_1551, %add3A_1567 : vector<16xi32>
    %select_n3A_1569 = arith.select %gt3A_1561, %add3A_1568, %sub3A_1551 : vector<16xi1>, vector<16xi32>
    %sub3A_1570 = arith.constant 1.000000e+00 : f32
    %sub3A_1571 = vector.broadcast %sub3A_1570 : f32 to vector<16xf32>
    %sub3A_1572 = arith.subf %select_n3A_1565, %sub3A_1571 : vector<16xf32>
    %mul3A_1573 = arith.constant 0.166666672 : f32
    %mul3A_1574 = vector.broadcast %mul3A_1573 : f32 to vector<16xf32>
    %mul3A_1575 = arith.mulf %sub3A_1572, %mul3A_1574 : vector<16xf32>
    %sub3A_1576 = arith.constant 2.000000e-01 : f32
    %sub3A_1577 = vector.broadcast %sub3A_1576 : f32 to vector<16xf32>
    %sub3A_1578 = arith.subf %sub3A_1577, %mul3A_1575 : vector<16xf32>
    %mul3A_1579 = arith.mulf %sub3A_1572, %sub3A_1578 : vector<16xf32>
    %sub3A_1580 = arith.constant 2.500000e-01 : f32
    %sub3A_1581 = vector.broadcast %sub3A_1580 : f32 to vector<16xf32>
    %sub3A_1582 = arith.subf %sub3A_1581, %mul3A_1579 : vector<16xf32>
    %mul3A_1583 = arith.mulf %sub3A_1572, %sub3A_1582 : vector<16xf32>
    %sub3A_1584 = arith.constant 0.333333343 : f32
    %sub3A_1585 = vector.broadcast %sub3A_1584 : f32 to vector<16xf32>
    %sub3A_1586 = arith.subf %sub3A_1585, %mul3A_1583 : vector<16xf32>
    %mul3A_1587 = arith.mulf %sub3A_1572, %sub3A_1586 : vector<16xf32>
    %sub3A_1588 = arith.constant 5.000000e-01 : f32
    %sub3A_1589 = vector.broadcast %sub3A_1588 : f32 to vector<16xf32>
    %sub3A_1590 = arith.subf %sub3A_1589, %mul3A_1587 : vector<16xf32>
    %mul3A_1591 = arith.mulf %sub3A_1572, %sub3A_1590 : vector<16xf32>
    %sub3A_1592 = arith.constant 1.000000e+00 : f32
    %sub3A_1593 = vector.broadcast %sub3A_1592 : f32 to vector<16xf32>
    %sub3A_1594 = arith.subf %sub3A_1593, %mul3A_1591 : vector<16xf32>
    %mul3A_1595 = arith.mulf %sub3A_1572, %sub3A_1594 : vector<16xf32>
    %convert_element_type3A_1596 = arith.sitofp %select_n3A_1569 : vector<16xi32> to vector<16xf32>
    %mul3A_1597 = arith.constant 0.693147182 : f32
    %mul3A_1598 = vector.broadcast %mul3A_1597 : f32 to vector<16xf32>
    %mul3A_1599 = arith.mulf %convert_element_type3A_1596, %mul3A_1598 : vector<16xf32>
    %add3A_1600 = arith.addf %mul3A_1599, %mul3A_1595 : vector<16xf32>
    %get3A_1601 = arith.constant 256 : index
    %get3A_1602 = tpu.vector_load %arg8[%get3A_1601] {strides = array<i32>} : memref<512xi32, #tpu.memory_space<vmem>>, vector<16xi32>,
    %broadcast_in_dim3A_1603 = arith.constant 0.000000e+00 : f32
    %broadcast_in_dim3A_1604 = vector.broadcast %broadcast_in_dim3A_1603 : f32 to vector<16xf32>
    %eq3A_1605 = arith.constant 1 : i32
    %eq3A_1606 = vector.broadcast %eq3A_1605 : i32 to vector<16xi32>
    %eq3A_1607 = arith.cmpi eq, %get3A_1602, %eq3A_1606 : vector<16xi32>
    %neg3A_1608 = arith.constant 0.000000e+00 : f32
    %neg3A_1609 = vector.broadcast %neg3A_1608 : f32 to vector<16xf32>
    %neg3A_1610 = arith.subf %neg3A_1609, %sub3A_1537 : vector<16xf32>
    %select_n3A_1611 = arith.select %eq3A_1607, %broadcast_in_dim3A_1604, %neg3A_1610 : vector<16xi1>, vector<16xf32>
    %sub3A_1612 = arith.subf %select_n3A_1611, %add3A_1600 : vector<16xf32>
    %sub3A_1613 = arith.constant 0.105360515 : f32
    %sub3A_1614 = vector.broadcast %sub3A_1613 : f32 to vector<16xf32>
    %sub3A_1615 = arith.subf %sub3A_1612, %sub3A_1614 : vector<16xf32>
    %broadcast_in_dim3A_1616 = arith.constant -2.30258512 : f32
    %broadcast_in_dim3A_1617 = vector.broadcast %broadcast_in_dim3A_1616 : f32 to vector<16xf32>
    %eq3A_1618 = arith.constant 0 : i32
    %eq3A_1619 = vector.broadcast %eq3A_1618 : i32 to vector<16xi32>
    %eq3A_1620 = arith.cmpi eq, %get3A_1602, %eq3A_1619 : vector<16xi32>
    %select_n3A_1621 = arith.select %eq3A_1620, %broadcast_in_dim3A_1617, %sub3A_1615 : vector<16xi1>, vector<16xf32>
    %swap3A_1622 = arith.constant 256 : index
    %swap3A_1623 = tpu.vector_load %arg9[%swap3A_1622] {strides = array<i32>} : memref<512xf32, #tpu.memory_space<vmem>>, vector<16xf32>,
    tpu.vector_store %arg9[%swap3A_1622], %select_n3A_1621 {strides = array<i32>} : memref<512xf32, #tpu.memory_space<vmem>>, vector<16xf32>,
    %get3A_1624 = arith.constant 528 : index
    %get3A_1625 = tpu.vector_load %arg7[%get3A_1624] {strides = array<i32>} : memref<1024xf32, #tpu.memory_space<vmem>>, vector<16xf32>,
    %get3A_1626 = arith.constant 656 : index
    %get3A_1627 = tpu.vector_load %arg7[%get3A_1626] {strides = array<i32>} : memref<1024xf32, #tpu.memory_space<vmem>>, vector<16xf32>,
    %sub3A_1628 = arith.subf %get3A_1625, %get3A_1627 : vector<16xf32>
    %neg3A_1629 = arith.constant 0.000000e+00 : f32
    %neg3A_1630 = vector.broadcast %neg3A_1629 : f32 to vector<16xf32>
    %neg3A_1631 = arith.subf %neg3A_1630, %sub3A_1628 : vector<16xf32>
    %exp3A_1632 = math.exp %neg3A_1631 : vector<16xf32>
    %add3A_1633 = arith.constant 1.000000e+00 : f32
    %add3A_1634 = vector.broadcast %add3A_1633 : f32 to vector<16xf32>
    %add3A_1635 = arith.addf %add3A_1634, %exp3A_1632 : vector<16xf32>
    %bitcast3A_1636 = vector.bitcast %add3A_1635 : vector<16xf32> to vector<16xi32>
    %shift_right_arithmetic3A_1637 = arith.constant 23 : i32
    %shift_right_arithmetic3A_1638 = vector.broadcast %shift_right_arithmetic3A_1637 : i32 to vector<16xi32>
    %shift_right_arithmetic3A_1639 = arith.shrsi %bitcast3A_1636, %shift_right_arithmetic3A_1638 : vector<16xi32>
    %sub3A_1640 = arith.constant 127 : i32
    %sub3A_1641 = vector.broadcast %sub3A_1640 : i32 to vector<16xi32>
    %sub3A_1642 = arith.subi %shift_right_arithmetic3A_1639, %sub3A_1641 : vector<16xi32>
    %and3A_1643 = arith.constant 8388607 : i32
    %and3A_1644 = vector.broadcast %and3A_1643 : i32 to vector<16xi32>
    %and3A_1645 = arith.andi %bitcast3A_1636, %and3A_1644 : vector<16xi32>
    %or3A_1646 = arith.constant 1065353216 : i32
    %or3A_1647 = vector.broadcast %or3A_1646 : i32 to vector<16xi32>
    %or3A_1648 = arith.ori %and3A_1645, %or3A_1647 : vector<16xi32>
    %bitcast3A_1649 = vector.bitcast %or3A_1648 : vector<16xi32> to vector<16xf32>
    %gt3A_1650 = arith.constant 1.41421354 : f32
    %gt3A_1651 = vector.broadcast %gt3A_1650 : f32 to vector<16xf32>
    %gt3A_1652 = arith.cmpf ogt, %bitcast3A_1649, %gt3A_1651 : vector<16xf32>
    %mul3A_1653 = arith.constant 5.000000e-01 : f32
    %mul3A_1654 = vector.broadcast %mul3A_1653 : f32 to vector<16xf32>
    %mul3A_1655 = arith.mulf %bitcast3A_1649, %mul3A_1654 : vector<16xf32>
    %select_n3A_1656 = arith.select %gt3A_1652, %mul3A_1655, %bitcast3A_1649 : vector<16xi1>, vector<16xf32>
    %add3A_1657 = arith.constant 1 : i32
    %add3A_1658 = vector.broadcast %add3A_1657 : i32 to vector<16xi32>
    %add3A_1659 = arith.addi %sub3A_1642, %add3A_1658 : vector<16xi32>
    %select_n3A_1660 = arith.select %gt3A_1652, %add3A_1659, %sub3A_1642 : vector<16xi1>, vector<16xi32>
    %sub3A_1661 = arith.constant 1.000000e+00 : f32
    %sub3A_1662 = vector.broadcast %sub3A_1661 : f32 to vector<16xf32>
    %sub3A_1663 = arith.subf %select_n3A_1656, %sub3A_1662 : vector<16xf32>
    %mul3A_1664 = arith.constant 0.166666672 : f32
    %mul3A_1665 = vector.broadcast %mul3A_1664 : f32 to vector<16xf32>
    %mul3A_1666 = arith.mulf %sub3A_1663, %mul3A_1665 : vector<16xf32>
    %sub3A_1667 = arith.constant 2.000000e-01 : f32
    %sub3A_1668 = vector.broadcast %sub3A_1667 : f32 to vector<16xf32>
    %sub3A_1669 = arith.subf %sub3A_1668, %mul3A_1666 : vector<16xf32>
    %mul3A_1670 = arith.mulf %sub3A_1663, %sub3A_1669 : vector<16xf32>
    %sub3A_1671 = arith.constant 2.500000e-01 : f32
    %sub3A_1672 = vector.broadcast %sub3A_1671 : f32 to vector<16xf32>
    %sub3A_1673 = arith.subf %sub3A_1672, %mul3A_1670 : vector<16xf32>
    %mul3A_1674 = arith.mulf %sub3A_1663, %sub3A_1673 : vector<16xf32>
    %sub3A_1675 = arith.constant 0.333333343 : f32
    %sub3A_1676 = vector.broadcast %sub3A_1675 : f32 to vector<16xf32>
    %sub3A_1677 = arith.subf %sub3A_1676, %mul3A_1674 : vector<16xf32>
    %mul3A_1678 = arith.mulf %sub3A_1663, %sub3A_1677 : vector<16xf32>
    %sub3A_1679 = arith.constant 5.000000e-01 : f32
    %sub3A_1680 = vector.broadcast %sub3A_1679 : f32 to vector<16xf32>
    %sub3A_1681 = arith.subf %sub3A_1680, %mul3A_1678 : vector<16xf32>
    %mul3A_1682 = arith.mulf %sub3A_1663, %sub3A_1681 : vector<16xf32>
    %sub3A_1683 = arith.constant 1.000000e+00 : f32
    %sub3A_1684 = vector.broadcast %sub3A_1683 : f32 to vector<16xf32>
    %sub3A_1685 = arith.subf %sub3A_1684, %mul3A_1682 : vector<16xf32>
    %mul3A_1686 = arith.mulf %sub3A_1663, %sub3A_1685 : vector<16xf32>
    %convert_element_type3A_1687 = arith.sitofp %select_n3A_1660 : vector<16xi32> to vector<16xf32>
    %mul3A_1688 = arith.constant 0.693147182 : f32
    %mul3A_1689 = vector.broadcast %mul3A_1688 : f32 to vector<16xf32>
    %mul3A_1690 = arith.mulf %convert_element_type3A_1687, %mul3A_1689 : vector<16xf32>
    %add3A_1691 = arith.addf %mul3A_1690, %mul3A_1686 : vector<16xf32>
    %get3A_1692 = arith.constant 272 : index
    %get3A_1693 = tpu.vector_load %arg8[%get3A_1692] {strides = array<i32>} : memref<512xi32, #tpu.memory_space<vmem>>, vector<16xi32>,
    %broadcast_in_dim3A_1694 = arith.constant 0.000000e+00 : f32
    %broadcast_in_dim3A_1695 = vector.broadcast %broadcast_in_dim3A_1694 : f32 to vector<16xf32>
    %eq3A_1696 = arith.constant 1 : i32
    %eq3A_1697 = vector.broadcast %eq3A_1696 : i32 to vector<16xi32>
    %eq3A_1698 = arith.cmpi eq, %get3A_1693, %eq3A_1697 : vector<16xi32>
    %neg3A_1699 = arith.constant 0.000000e+00 : f32
    %neg3A_1700 = vector.broadcast %neg3A_1699 : f32 to vector<16xf32>
    %neg3A_1701 = arith.subf %neg3A_1700, %sub3A_1628 : vector<16xf32>
    %select_n3A_1702 = arith.select %eq3A_1698, %broadcast_in_dim3A_1695, %neg3A_1701 : vector<16xi1>, vector<16xf32>
    %sub3A_1703 = arith.subf %select_n3A_1702, %add3A_1691 : vector<16xf32>
    %sub3A_1704 = arith.constant 0.105360515 : f32
    %sub3A_1705 = vector.broadcast %sub3A_1704 : f32 to vector<16xf32>
    %sub3A_1706 = arith.subf %sub3A_1703, %sub3A_1705 : vector<16xf32>
    %broadcast_in_dim3A_1707 = arith.constant -2.30258512 : f32
    %broadcast_in_dim3A_1708 = vector.broadcast %broadcast_in_dim3A_1707 : f32 to vector<16xf32>
    %eq3A_1709 = arith.constant 0 : i32
    %eq3A_1710 = vector.broadcast %eq3A_1709 : i32 to vector<16xi32>
    %eq3A_1711 = arith.cmpi eq, %get3A_1693, %eq3A_1710 : vector<16xi32>
    %select_n3A_1712 = arith.select %eq3A_1711, %broadcast_in_dim3A_1708, %sub3A_1706 : vector<16xi1>, vector<16xf32>
    %swap3A_1713 = arith.constant 272 : index
    %swap3A_1714 = tpu.vector_load %arg9[%swap3A_1713] {strides = array<i32>} : memref<512xf32, #tpu.memory_space<vmem>>, vector<16xf32>,
    tpu.vector_store %arg9[%swap3A_1713], %select_n3A_1712 {strides = array<i32>} : memref<512xf32, #tpu.memory_space<vmem>>, vector<16xf32>,
    %get3A_1715 = arith.constant 544 : index
    %get3A_1716 = tpu.vector_load %arg7[%get3A_1715] {strides = array<i32>} : memref<1024xf32, #tpu.memory_space<vmem>>, vector<16xf32>,
    %get3A_1717 = arith.constant 672 : index
    %get3A_1718 = tpu.vector_load %arg7[%get3A_1717] {strides = array<i32>} : memref<1024xf32, #tpu.memory_space<vmem>>, vector<16xf32>,
    %sub3A_1719 = arith.subf %get3A_1716, %get3A_1718 : vector<16xf32>
    %neg3A_1720 = arith.constant 0.000000e+00 : f32
    %neg3A_1721 = vector.broadcast %neg3A_1720 : f32 to vector<16xf32>
    %neg3A_1722 = arith.subf %neg3A_1721, %sub3A_1719 : vector<16xf32>
    %exp3A_1723 = math.exp %neg3A_1722 : vector<16xf32>
    %add3A_1724 = arith.constant 1.000000e+00 : f32
    %add3A_1725 = vector.broadcast %add3A_1724 : f32 to vector<16xf32>
    %add3A_1726 = arith.addf %add3A_1725, %exp3A_1723 : vector<16xf32>
    %bitcast3A_1727 = vector.bitcast %add3A_1726 : vector<16xf32> to vector<16xi32>
    %shift_right_arithmetic3A_1728 = arith.constant 23 : i32
    %shift_right_arithmetic3A_1729 = vector.broadcast %shift_right_arithmetic3A_1728 : i32 to vector<16xi32>
    %shift_right_arithmetic3A_1730 = arith.shrsi %bitcast3A_1727, %shift_right_arithmetic3A_1729 : vector<16xi32>
    %sub3A_1731 = arith.constant 127 : i32
    %sub3A_1732 = vector.broadcast %sub3A_1731 : i32 to vector<16xi32>
    %sub3A_1733 = arith.subi %shift_right_arithmetic3A_1730, %sub3A_1732 : vector<16xi32>
    %and3A_1734 = arith.constant 8388607 : i32
    %and3A_1735 = vector.broadcast %and3A_1734 : i32 to vector<16xi32>
    %and3A_1736 = arith.andi %bitcast3A_1727, %and3A_1735 : vector<16xi32>
    %or3A_1737 = arith.constant 1065353216 : i32
    %or3A_1738 = vector.broadcast %or3A_1737 : i32 to vector<16xi32>
    %or3A_1739 = arith.ori %and3A_1736, %or3A_1738 : vector<16xi32>
    %bitcast3A_1740 = vector.bitcast %or3A_1739 : vector<16xi32> to vector<16xf32>
    %gt3A_1741 = arith.constant 1.41421354 : f32
    %gt3A_1742 = vector.broadcast %gt3A_1741 : f32 to vector<16xf32>
    %gt3A_1743 = arith.cmpf ogt, %bitcast3A_1740, %gt3A_1742 : vector<16xf32>
    %mul3A_1744 = arith.constant 5.000000e-01 : f32
    %mul3A_1745 = vector.broadcast %mul3A_1744 : f32 to vector<16xf32>
    %mul3A_1746 = arith.mulf %bitcast3A_1740, %mul3A_1745 : vector<16xf32>
    %select_n3A_1747 = arith.select %gt3A_1743, %mul3A_1746, %bitcast3A_1740 : vector<16xi1>, vector<16xf32>
    %add3A_1748 = arith.constant 1 : i32
    %add3A_1749 = vector.broadcast %add3A_1748 : i32 to vector<16xi32>
    %add3A_1750 = arith.addi %sub3A_1733, %add3A_1749 : vector<16xi32>
    %select_n3A_1751 = arith.select %gt3A_1743, %add3A_1750, %sub3A_1733 : vector<16xi1>, vector<16xi32>
    %sub3A_1752 = arith.constant 1.000000e+00 : f32
    %sub3A_1753 = vector.broadcast %sub3A_1752 : f32 to vector<16xf32>
    %sub3A_1754 = arith.subf %select_n3A_1747, %sub3A_1753 : vector<16xf32>
    %mul3A_1755 = arith.constant 0.166666672 : f32
    %mul3A_1756 = vector.broadcast %mul3A_1755 : f32 to vector<16xf32>
    %mul3A_1757 = arith.mulf %sub3A_1754, %mul3A_1756 : vector<16xf32>
    %sub3A_1758 = arith.constant 2.000000e-01 : f32
    %sub3A_1759 = vector.broadcast %sub3A_1758 : f32 to vector<16xf32>
    %sub3A_1760 = arith.subf %sub3A_1759, %mul3A_1757 : vector<16xf32>
    %mul3A_1761 = arith.mulf %sub3A_1754, %sub3A_1760 : vector<16xf32>
    %sub3A_1762 = arith.constant 2.500000e-01 : f32
    %sub3A_1763 = vector.broadcast %sub3A_1762 : f32 to vector<16xf32>
    %sub3A_1764 = arith.subf %sub3A_1763, %mul3A_1761 : vector<16xf32>
    %mul3A_1765 = arith.mulf %sub3A_1754, %sub3A_1764 : vector<16xf32>
    %sub3A_1766 = arith.constant 0.333333343 : f32
    %sub3A_1767 = vector.broadcast %sub3A_1766 : f32 to vector<16xf32>
    %sub3A_1768 = arith.subf %sub3A_1767, %mul3A_1765 : vector<16xf32>
    %mul3A_1769 = arith.mulf %sub3A_1754, %sub3A_1768 : vector<16xf32>
    %sub3A_1770 = arith.constant 5.000000e-01 : f32
    %sub3A_1771 = vector.broadcast %sub3A_1770 : f32 to vector<16xf32>
    %sub3A_1772 = arith.subf %sub3A_1771, %mul3A_1769 : vector<16xf32>
    %mul3A_1773 = arith.mulf %sub3A_1754, %sub3A_1772 : vector<16xf32>
    %sub3A_1774 = arith.constant 1.000000e+00 : f32
    %sub3A_1775 = vector.broadcast %sub3A_1774 : f32 to vector<16xf32>
    %sub3A_1776 = arith.subf %sub3A_1775, %mul3A_1773 : vector<16xf32>
    %mul3A_1777 = arith.mulf %sub3A_1754, %sub3A_1776 : vector<16xf32>
    %convert_element_type3A_1778 = arith.sitofp %select_n3A_1751 : vector<16xi32> to vector<16xf32>
    %mul3A_1779 = arith.constant 0.693147182 : f32
    %mul3A_1780 = vector.broadcast %mul3A_1779 : f32 to vector<16xf32>
    %mul3A_1781 = arith.mulf %convert_element_type3A_1778, %mul3A_1780 : vector<16xf32>
    %add3A_1782 = arith.addf %mul3A_1781, %mul3A_1777 : vector<16xf32>
    %get3A_1783 = arith.constant 288 : index
    %get3A_1784 = tpu.vector_load %arg8[%get3A_1783] {strides = array<i32>} : memref<512xi32, #tpu.memory_space<vmem>>, vector<16xi32>,
    %broadcast_in_dim3A_1785 = arith.constant 0.000000e+00 : f32
    %broadcast_in_dim3A_1786 = vector.broadcast %broadcast_in_dim3A_1785 : f32 to vector<16xf32>
    %eq3A_1787 = arith.constant 1 : i32
    %eq3A_1788 = vector.broadcast %eq3A_1787 : i32 to vector<16xi32>
    %eq3A_1789 = arith.cmpi eq, %get3A_1784, %eq3A_1788 : vector<16xi32>
    %neg3A_1790 = arith.constant 0.000000e+00 : f32
    %neg3A_1791 = vector.broadcast %neg3A_1790 : f32 to vector<16xf32>
    %neg3A_1792 = arith.subf %neg3A_1791, %sub3A_1719 : vector<16xf32>
    %select_n3A_1793 = arith.select %eq3A_1789, %broadcast_in_dim3A_1786, %neg3A_1792 : vector<16xi1>, vector<16xf32>
    %sub3A_1794 = arith.subf %select_n3A_1793, %add3A_1782 : vector<16xf32>
    %sub3A_1795 = arith.constant 0.105360515 : f32
    %sub3A_1796 = vector.broadcast %sub3A_1795 : f32 to vector<16xf32>
    %sub3A_1797 = arith.subf %sub3A_1794, %sub3A_1796 : vector<16xf32>
    %broadcast_in_dim3A_1798 = arith.constant -2.30258512 : f32
    %broadcast_in_dim3A_1799 = vector.broadcast %broadcast_in_dim3A_1798 : f32 to vector<16xf32>
    %eq3A_1800 = arith.constant 0 : i32
    %eq3A_1801 = vector.broadcast %eq3A_1800 : i32 to vector<16xi32>
    %eq3A_1802 = arith.cmpi eq, %get3A_1784, %eq3A_1801 : vector<16xi32>
    %select_n3A_1803 = arith.select %eq3A_1802, %broadcast_in_dim3A_1799, %sub3A_1797 : vector<16xi1>, vector<16xf32>
    %swap3A_1804 = arith.constant 288 : index
    %swap3A_1805 = tpu.vector_load %arg9[%swap3A_1804] {strides = array<i32>} : memref<512xf32, #tpu.memory_space<vmem>>, vector<16xf32>,
    tpu.vector_store %arg9[%swap3A_1804], %select_n3A_1803 {strides = array<i32>} : memref<512xf32, #tpu.memory_space<vmem>>, vector<16xf32>,
    %get3A_1806 = arith.constant 560 : index
    %get3A_1807 = tpu.vector_load %arg7[%get3A_1806] {strides = array<i32>} : memref<1024xf32, #tpu.memory_space<vmem>>, vector<16xf32>,
    %get3A_1808 = arith.constant 688 : index
    %get3A_1809 = tpu.vector_load %arg7[%get3A_1808] {strides = array<i32>} : memref<1024xf32, #tpu.memory_space<vmem>>, vector<16xf32>,
    %sub3A_1810 = arith.subf %get3A_1807, %get3A_1809 : vector<16xf32>
    %neg3A_1811 = arith.constant 0.000000e+00 : f32
    %neg3A_1812 = vector.broadcast %neg3A_1811 : f32 to vector<16xf32>
    %neg3A_1813 = arith.subf %neg3A_1812, %sub3A_1810 : vector<16xf32>
    %exp3A_1814 = math.exp %neg3A_1813 : vector<16xf32>
    %add3A_1815 = arith.constant 1.000000e+00 : f32
    %add3A_1816 = vector.broadcast %add3A_1815 : f32 to vector<16xf32>
    %add3A_1817 = arith.addf %add3A_1816, %exp3A_1814 : vector<16xf32>
    %bitcast3A_1818 = vector.bitcast %add3A_1817 : vector<16xf32> to vector<16xi32>
    %shift_right_arithmetic3A_1819 = arith.constant 23 : i32
    %shift_right_arithmetic3A_1820 = vector.broadcast %shift_right_arithmetic3A_1819 : i32 to vector<16xi32>
    %shift_right_arithmetic3A_1821 = arith.shrsi %bitcast3A_1818, %shift_right_arithmetic3A_1820 : vector<16xi32>
    %sub3A_1822 = arith.constant 127 : i32
    %sub3A_1823 = vector.broadcast %sub3A_1822 : i32 to vector<16xi32>
    %sub3A_1824 = arith.subi %shift_right_arithmetic3A_1821, %sub3A_1823 : vector<16xi32>
    %and3A_1825 = arith.constant 8388607 : i32
    %and3A_1826 = vector.broadcast %and3A_1825 : i32 to vector<16xi32>
    %and3A_1827 = arith.andi %bitcast3A_1818, %and3A_1826 : vector<16xi32>
    %or3A_1828 = arith.constant 1065353216 : i32
    %or3A_1829 = vector.broadcast %or3A_1828 : i32 to vector<16xi32>
    %or3A_1830 = arith.ori %and3A_1827, %or3A_1829 : vector<16xi32>
    %bitcast3A_1831 = vector.bitcast %or3A_1830 : vector<16xi32> to vector<16xf32>
    %gt3A_1832 = arith.constant 1.41421354 : f32
    %gt3A_1833 = vector.broadcast %gt3A_1832 : f32 to vector<16xf32>
    %gt3A_1834 = arith.cmpf ogt, %bitcast3A_1831, %gt3A_1833 : vector<16xf32>
    %mul3A_1835 = arith.constant 5.000000e-01 : f32
    %mul3A_1836 = vector.broadcast %mul3A_1835 : f32 to vector<16xf32>
    %mul3A_1837 = arith.mulf %bitcast3A_1831, %mul3A_1836 : vector<16xf32>
    %select_n3A_1838 = arith.select %gt3A_1834, %mul3A_1837, %bitcast3A_1831 : vector<16xi1>, vector<16xf32>
    %add3A_1839 = arith.constant 1 : i32
    %add3A_1840 = vector.broadcast %add3A_1839 : i32 to vector<16xi32>
    %add3A_1841 = arith.addi %sub3A_1824, %add3A_1840 : vector<16xi32>
    %select_n3A_1842 = arith.select %gt3A_1834, %add3A_1841, %sub3A_1824 : vector<16xi1>, vector<16xi32>
    %sub3A_1843 = arith.constant 1.000000e+00 : f32
    %sub3A_1844 = vector.broadcast %sub3A_1843 : f32 to vector<16xf32>
    %sub3A_1845 = arith.subf %select_n3A_1838, %sub3A_1844 : vector<16xf32>
    %mul3A_1846 = arith.constant 0.166666672 : f32
    %mul3A_1847 = vector.broadcast %mul3A_1846 : f32 to vector<16xf32>
    %mul3A_1848 = arith.mulf %sub3A_1845, %mul3A_1847 : vector<16xf32>
    %sub3A_1849 = arith.constant 2.000000e-01 : f32
    %sub3A_1850 = vector.broadcast %sub3A_1849 : f32 to vector<16xf32>
    %sub3A_1851 = arith.subf %sub3A_1850, %mul3A_1848 : vector<16xf32>
    %mul3A_1852 = arith.mulf %sub3A_1845, %sub3A_1851 : vector<16xf32>
    %sub3A_1853 = arith.constant 2.500000e-01 : f32
    %sub3A_1854 = vector.broadcast %sub3A_1853 : f32 to vector<16xf32>
    %sub3A_1855 = arith.subf %sub3A_1854, %mul3A_1852 : vector<16xf32>
    %mul3A_1856 = arith.mulf %sub3A_1845, %sub3A_1855 : vector<16xf32>
    %sub3A_1857 = arith.constant 0.333333343 : f32
    %sub3A_1858 = vector.broadcast %sub3A_1857 : f32 to vector<16xf32>
    %sub3A_1859 = arith.subf %sub3A_1858, %mul3A_1856 : vector<16xf32>
    %mul3A_1860 = arith.mulf %sub3A_1845, %sub3A_1859 : vector<16xf32>
    %sub3A_1861 = arith.constant 5.000000e-01 : f32
    %sub3A_1862 = vector.broadcast %sub3A_1861 : f32 to vector<16xf32>
    %sub3A_1863 = arith.subf %sub3A_1862, %mul3A_1860 : vector<16xf32>
    %mul3A_1864 = arith.mulf %sub3A_1845, %sub3A_1863 : vector<16xf32>
    %sub3A_1865 = arith.constant 1.000000e+00 : f32
    %sub3A_1866 = vector.broadcast %sub3A_1865 : f32 to vector<16xf32>
    %sub3A_1867 = arith.subf %sub3A_1866, %mul3A_1864 : vector<16xf32>
    %mul3A_1868 = arith.mulf %sub3A_1845, %sub3A_1867 : vector<16xf32>
    %convert_element_type3A_1869 = arith.sitofp %select_n3A_1842 : vector<16xi32> to vector<16xf32>
    %mul3A_1870 = arith.constant 0.693147182 : f32
    %mul3A_1871 = vector.broadcast %mul3A_1870 : f32 to vector<16xf32>
    %mul3A_1872 = arith.mulf %convert_element_type3A_1869, %mul3A_1871 : vector<16xf32>
    %add3A_1873 = arith.addf %mul3A_1872, %mul3A_1868 : vector<16xf32>
    %get3A_1874 = arith.constant 304 : index
    %get3A_1875 = tpu.vector_load %arg8[%get3A_1874] {strides = array<i32>} : memref<512xi32, #tpu.memory_space<vmem>>, vector<16xi32>,
    %broadcast_in_dim3A_1876 = arith.constant 0.000000e+00 : f32
    %broadcast_in_dim3A_1877 = vector.broadcast %broadcast_in_dim3A_1876 : f32 to vector<16xf32>
    %eq3A_1878 = arith.constant 1 : i32
    %eq3A_1879 = vector.broadcast %eq3A_1878 : i32 to vector<16xi32>
    %eq3A_1880 = arith.cmpi eq, %get3A_1875, %eq3A_1879 : vector<16xi32>
    %neg3A_1881 = arith.constant 0.000000e+00 : f32
    %neg3A_1882 = vector.broadcast %neg3A_1881 : f32 to vector<16xf32>
    %neg3A_1883 = arith.subf %neg3A_1882, %sub3A_1810 : vector<16xf32>
    %select_n3A_1884 = arith.select %eq3A_1880, %broadcast_in_dim3A_1877, %neg3A_1883 : vector<16xi1>, vector<16xf32>
    %sub3A_1885 = arith.subf %select_n3A_1884, %add3A_1873 : vector<16xf32>
    %sub3A_1886 = arith.constant 0.105360515 : f32
    %sub3A_1887 = vector.broadcast %sub3A_1886 : f32 to vector<16xf32>
    %sub3A_1888 = arith.subf %sub3A_1885, %sub3A_1887 : vector<16xf32>
    %broadcast_in_dim3A_1889 = arith.constant -2.30258512 : f32
    %broadcast_in_dim3A_1890 = vector.broadcast %broadcast_in_dim3A_1889 : f32 to vector<16xf32>
    %eq3A_1891 = arith.constant 0 : i32
    %eq3A_1892 = vector.broadcast %eq3A_1891 : i32 to vector<16xi32>
    %eq3A_1893 = arith.cmpi eq, %get3A_1875, %eq3A_1892 : vector<16xi32>
    %select_n3A_1894 = arith.select %eq3A_1893, %broadcast_in_dim3A_1890, %sub3A_1888 : vector<16xi1>, vector<16xf32>
    %swap3A_1895 = arith.constant 304 : index
    %swap3A_1896 = tpu.vector_load %arg9[%swap3A_1895] {strides = array<i32>} : memref<512xf32, #tpu.memory_space<vmem>>, vector<16xf32>,
    tpu.vector_store %arg9[%swap3A_1895], %select_n3A_1894 {strides = array<i32>} : memref<512xf32, #tpu.memory_space<vmem>>, vector<16xf32>,
    %get3A_1897 = arith.constant 576 : index
    %get3A_1898 = tpu.vector_load %arg7[%get3A_1897] {strides = array<i32>} : memref<1024xf32, #tpu.memory_space<vmem>>, vector<16xf32>,
    %get3A_1899 = arith.constant 704 : index
    %get3A_1900 = tpu.vector_load %arg7[%get3A_1899] {strides = array<i32>} : memref<1024xf32, #tpu.memory_space<vmem>>, vector<16xf32>,
    %sub3A_1901 = arith.subf %get3A_1898, %get3A_1900 : vector<16xf32>
    %neg3A_1902 = arith.constant 0.000000e+00 : f32
    %neg3A_1903 = vector.broadcast %neg3A_1902 : f32 to vector<16xf32>
    %neg3A_1904 = arith.subf %neg3A_1903, %sub3A_1901 : vector<16xf32>
    %exp3A_1905 = math.exp %neg3A_1904 : vector<16xf32>
    %add3A_1906 = arith.constant 1.000000e+00 : f32
    %add3A_1907 = vector.broadcast %add3A_1906 : f32 to vector<16xf32>
    %add3A_1908 = arith.addf %add3A_1907, %exp3A_1905 : vector<16xf32>
    %bitcast3A_1909 = vector.bitcast %add3A_1908 : vector<16xf32> to vector<16xi32>
    %shift_right_arithmetic3A_1910 = arith.constant 23 : i32
    %shift_right_arithmetic3A_1911 = vector.broadcast %shift_right_arithmetic3A_1910 : i32 to vector<16xi32>
    %shift_right_arithmetic3A_1912 = arith.shrsi %bitcast3A_1909, %shift_right_arithmetic3A_1911 : vector<16xi32>
    %sub3A_1913 = arith.constant 127 : i32
    %sub3A_1914 = vector.broadcast %sub3A_1913 : i32 to vector<16xi32>
    %sub3A_1915 = arith.subi %shift_right_arithmetic3A_1912, %sub3A_1914 : vector<16xi32>
    %and3A_1916 = arith.constant 8388607 : i32
    %and3A_1917 = vector.broadcast %and3A_1916 : i32 to vector<16xi32>
    %and3A_1918 = arith.andi %bitcast3A_1909, %and3A_1917 : vector<16xi32>
    %or3A_1919 = arith.constant 1065353216 : i32
    %or3A_1920 = vector.broadcast %or3A_1919 : i32 to vector<16xi32>
    %or3A_1921 = arith.ori %and3A_1918, %or3A_1920 : vector<16xi32>
    %bitcast3A_1922 = vector.bitcast %or3A_1921 : vector<16xi32> to vector<16xf32>
    %gt3A_1923 = arith.constant 1.41421354 : f32
    %gt3A_1924 = vector.broadcast %gt3A_1923 : f32 to vector<16xf32>
    %gt3A_1925 = arith.cmpf ogt, %bitcast3A_1922, %gt3A_1924 : vector<16xf32>
    %mul3A_1926 = arith.constant 5.000000e-01 : f32
    %mul3A_1927 = vector.broadcast %mul3A_1926 : f32 to vector<16xf32>
    %mul3A_1928 = arith.mulf %bitcast3A_1922, %mul3A_1927 : vector<16xf32>
    %select_n3A_1929 = arith.select %gt3A_1925, %mul3A_1928, %bitcast3A_1922 : vector<16xi1>, vector<16xf32>
    %add3A_1930 = arith.constant 1 : i32
    %add3A_1931 = vector.broadcast %add3A_1930 : i32 to vector<16xi32>
    %add3A_1932 = arith.addi %sub3A_1915, %add3A_1931 : vector<16xi32>
    %select_n3A_1933 = arith.select %gt3A_1925, %add3A_1932, %sub3A_1915 : vector<16xi1>, vector<16xi32>
    %sub3A_1934 = arith.constant 1.000000e+00 : f32
    %sub3A_1935 = vector.broadcast %sub3A_1934 : f32 to vector<16xf32>
    %sub3A_1936 = arith.subf %select_n3A_1929, %sub3A_1935 : vector<16xf32>
    %mul3A_1937 = arith.constant 0.166666672 : f32
    %mul3A_1938 = vector.broadcast %mul3A_1937 : f32 to vector<16xf32>
    %mul3A_1939 = arith.mulf %sub3A_1936, %mul3A_1938 : vector<16xf32>
    %sub3A_1940 = arith.constant 2.000000e-01 : f32
    %sub3A_1941 = vector.broadcast %sub3A_1940 : f32 to vector<16xf32>
    %sub3A_1942 = arith.subf %sub3A_1941, %mul3A_1939 : vector<16xf32>
    %mul3A_1943 = arith.mulf %sub3A_1936, %sub3A_1942 : vector<16xf32>
    %sub3A_1944 = arith.constant 2.500000e-01 : f32
    %sub3A_1945 = vector.broadcast %sub3A_1944 : f32 to vector<16xf32>
    %sub3A_1946 = arith.subf %sub3A_1945, %mul3A_1943 : vector<16xf32>
    %mul3A_1947 = arith.mulf %sub3A_1936, %sub3A_1946 : vector<16xf32>
    %sub3A_1948 = arith.constant 0.333333343 : f32
    %sub3A_1949 = vector.broadcast %sub3A_1948 : f32 to vector<16xf32>
    %sub3A_1950 = arith.subf %sub3A_1949, %mul3A_1947 : vector<16xf32>
    %mul3A_1951 = arith.mulf %sub3A_1936, %sub3A_1950 : vector<16xf32>
    %sub3A_1952 = arith.constant 5.000000e-01 : f32
    %sub3A_1953 = vector.broadcast %sub3A_1952 : f32 to vector<16xf32>
    %sub3A_1954 = arith.subf %sub3A_1953, %mul3A_1951 : vector<16xf32>
    %mul3A_1955 = arith.mulf %sub3A_1936, %sub3A_1954 : vector<16xf32>
    %sub3A_1956 = arith.constant 1.000000e+00 : f32
    %sub3A_1957 = vector.broadcast %sub3A_1956 : f32 to vector<16xf32>
    %sub3A_1958 = arith.subf %sub3A_1957, %mul3A_1955 : vector<16xf32>
    %mul3A_1959 = arith.mulf %sub3A_1936, %sub3A_1958 : vector<16xf32>
    %convert_element_type3A_1960 = arith.sitofp %select_n3A_1933 : vector<16xi32> to vector<16xf32>
    %mul3A_1961 = arith.constant 0.693147182 : f32
    %mul3A_1962 = vector.broadcast %mul3A_1961 : f32 to vector<16xf32>
    %mul3A_1963 = arith.mulf %convert_element_type3A_1960, %mul3A_1962 : vector<16xf32>
    %add3A_1964 = arith.addf %mul3A_1963, %mul3A_1959 : vector<16xf32>
    %get3A_1965 = arith.constant 320 : index
    %get3A_1966 = tpu.vector_load %arg8[%get3A_1965] {strides = array<i32>} : memref<512xi32, #tpu.memory_space<vmem>>, vector<16xi32>,
    %broadcast_in_dim3A_1967 = arith.constant 0.000000e+00 : f32
    %broadcast_in_dim3A_1968 = vector.broadcast %broadcast_in_dim3A_1967 : f32 to vector<16xf32>
    %eq3A_1969 = arith.constant 1 : i32
    %eq3A_1970 = vector.broadcast %eq3A_1969 : i32 to vector<16xi32>
    %eq3A_1971 = arith.cmpi eq, %get3A_1966, %eq3A_1970 : vector<16xi32>
    %neg3A_1972 = arith.constant 0.000000e+00 : f32
    %neg3A_1973 = vector.broadcast %neg3A_1972 : f32 to vector<16xf32>
    %neg3A_1974 = arith.subf %neg3A_1973, %sub3A_1901 : vector<16xf32>
    %select_n3A_1975 = arith.select %eq3A_1971, %broadcast_in_dim3A_1968, %neg3A_1974 : vector<16xi1>, vector<16xf32>
    %sub3A_1976 = arith.subf %select_n3A_1975, %add3A_1964 : vector<16xf32>
    %sub3A_1977 = arith.constant 0.105360515 : f32
    %sub3A_1978 = vector.broadcast %sub3A_1977 : f32 to vector<16xf32>
    %sub3A_1979 = arith.subf %sub3A_1976, %sub3A_1978 : vector<16xf32>
    %broadcast_in_dim3A_1980 = arith.constant -2.30258512 : f32
    %broadcast_in_dim3A_1981 = vector.broadcast %broadcast_in_dim3A_1980 : f32 to vector<16xf32>
    %eq3A_1982 = arith.constant 0 : i32
    %eq3A_1983 = vector.broadcast %eq3A_1982 : i32 to vector<16xi32>
    %eq3A_1984 = arith.cmpi eq, %get3A_1966, %eq3A_1983 : vector<16xi32>
    %select_n3A_1985 = arith.select %eq3A_1984, %broadcast_in_dim3A_1981, %sub3A_1979 : vector<16xi1>, vector<16xf32>
    %swap3A_1986 = arith.constant 320 : index
    %swap3A_1987 = tpu.vector_load %arg9[%swap3A_1986] {strides = array<i32>} : memref<512xf32, #tpu.memory_space<vmem>>, vector<16xf32>,
    tpu.vector_store %arg9[%swap3A_1986], %select_n3A_1985 {strides = array<i32>} : memref<512xf32, #tpu.memory_space<vmem>>, vector<16xf32>,
    %get3A_1988 = arith.constant 592 : index
    %get3A_1989 = tpu.vector_load %arg7[%get3A_1988] {strides = array<i32>} : memref<1024xf32, #tpu.memory_space<vmem>>, vector<16xf32>,
    %get3A_1990 = arith.constant 720 : index
    %get3A_1991 = tpu.vector_load %arg7[%get3A_1990] {strides = array<i32>} : memref<1024xf32, #tpu.memory_space<vmem>>, vector<16xf32>,
    %sub3A_1992 = arith.subf %get3A_1989, %get3A_1991 : vector<16xf32>
    %neg3A_1993 = arith.constant 0.000000e+00 : f32
    %neg3A_1994 = vector.broadcast %neg3A_1993 : f32 to vector<16xf32>
    %neg3A_1995 = arith.subf %neg3A_1994, %sub3A_1992 : vector<16xf32>
    %exp3A_1996 = math.exp %neg3A_1995 : vector<16xf32>
    %add3A_1997 = arith.constant 1.000000e+00 : f32
    %add3A_1998 = vector.broadcast %add3A_1997 : f32 to vector<16xf32>
    %add3A_1999 = arith.addf %add3A_1998, %exp3A_1996 : vector<16xf32>
    %bitcast3A_2000 = vector.bitcast %add3A_1999 : vector<16xf32> to vector<16xi32>
    %shift_right_arithmetic3A_2001 = arith.constant 23 : i32
    %shift_right_arithmetic3A_2002 = vector.broadcast %shift_right_arithmetic3A_2001 : i32 to vector<16xi32>
    %shift_right_arithmetic3A_2003 = arith.shrsi %bitcast3A_2000, %shift_right_arithmetic3A_2002 : vector<16xi32>
    %sub3A_2004 = arith.constant 127 : i32
    %sub3A_2005 = vector.broadcast %sub3A_2004 : i32 to vector<16xi32>
    %sub3A_2006 = arith.subi %shift_right_arithmetic3A_2003, %sub3A_2005 : vector<16xi32>
    %and3A_2007 = arith.constant 8388607 : i32
    %and3A_2008 = vector.broadcast %and3A_2007 : i32 to vector<16xi32>
    %and3A_2009 = arith.andi %bitcast3A_2000, %and3A_2008 : vector<16xi32>
    %or3A_2010 = arith.constant 1065353216 : i32
    %or3A_2011 = vector.broadcast %or3A_2010 : i32 to vector<16xi32>
    %or3A_2012 = arith.ori %and3A_2009, %or3A_2011 : vector<16xi32>
    %bitcast3A_2013 = vector.bitcast %or3A_2012 : vector<16xi32> to vector<16xf32>
    %gt3A_2014 = arith.constant 1.41421354 : f32
    %gt3A_2015 = vector.broadcast %gt3A_2014 : f32 to vector<16xf32>
    %gt3A_2016 = arith.cmpf ogt, %bitcast3A_2013, %gt3A_2015 : vector<16xf32>
    %mul3A_2017 = arith.constant 5.000000e-01 : f32
    %mul3A_2018 = vector.broadcast %mul3A_2017 : f32 to vector<16xf32>
    %mul3A_2019 = arith.mulf %bitcast3A_2013, %mul3A_2018 : vector<16xf32>
    %select_n3A_2020 = arith.select %gt3A_2016, %mul3A_2019, %bitcast3A_2013 : vector<16xi1>, vector<16xf32>
    %add3A_2021 = arith.constant 1 : i32
    %add3A_2022 = vector.broadcast %add3A_2021 : i32 to vector<16xi32>
    %add3A_2023 = arith.addi %sub3A_2006, %add3A_2022 : vector<16xi32>
    %select_n3A_2024 = arith.select %gt3A_2016, %add3A_2023, %sub3A_2006 : vector<16xi1>, vector<16xi32>
    %sub3A_2025 = arith.constant 1.000000e+00 : f32
    %sub3A_2026 = vector.broadcast %sub3A_2025 : f32 to vector<16xf32>
    %sub3A_2027 = arith.subf %select_n3A_2020, %sub3A_2026 : vector<16xf32>
    %mul3A_2028 = arith.constant 0.166666672 : f32
    %mul3A_2029 = vector.broadcast %mul3A_2028 : f32 to vector<16xf32>
    %mul3A_2030 = arith.mulf %sub3A_2027, %mul3A_2029 : vector<16xf32>
    %sub3A_2031 = arith.constant 2.000000e-01 : f32
    %sub3A_2032 = vector.broadcast %sub3A_2031 : f32 to vector<16xf32>
    %sub3A_2033 = arith.subf %sub3A_2032, %mul3A_2030 : vector<16xf32>
    %mul3A_2034 = arith.mulf %sub3A_2027, %sub3A_2033 : vector<16xf32>
    %sub3A_2035 = arith.constant 2.500000e-01 : f32
    %sub3A_2036 = vector.broadcast %sub3A_2035 : f32 to vector<16xf32>
    %sub3A_2037 = arith.subf %sub3A_2036, %mul3A_2034 : vector<16xf32>
    %mul3A_2038 = arith.mulf %sub3A_2027, %sub3A_2037 : vector<16xf32>
    %sub3A_2039 = arith.constant 0.333333343 : f32
    %sub3A_2040 = vector.broadcast %sub3A_2039 : f32 to vector<16xf32>
    %sub3A_2041 = arith.subf %sub3A_2040, %mul3A_2038 : vector<16xf32>
    %mul3A_2042 = arith.mulf %sub3A_2027, %sub3A_2041 : vector<16xf32>
    %sub3A_2043 = arith.constant 5.000000e-01 : f32
    %sub3A_2044 = vector.broadcast %sub3A_2043 : f32 to vector<16xf32>
    %sub3A_2045 = arith.subf %sub3A_2044, %mul3A_2042 : vector<16xf32>
    %mul3A_2046 = arith.mulf %sub3A_2027, %sub3A_2045 : vector<16xf32>
    %sub3A_2047 = arith.constant 1.000000e+00 : f32
    %sub3A_2048 = vector.broadcast %sub3A_2047 : f32 to vector<16xf32>
    %sub3A_2049 = arith.subf %sub3A_2048, %mul3A_2046 : vector<16xf32>
    %mul3A_2050 = arith.mulf %sub3A_2027, %sub3A_2049 : vector<16xf32>
    %convert_element_type3A_2051 = arith.sitofp %select_n3A_2024 : vector<16xi32> to vector<16xf32>
    %mul3A_2052 = arith.constant 0.693147182 : f32
    %mul3A_2053 = vector.broadcast %mul3A_2052 : f32 to vector<16xf32>
    %mul3A_2054 = arith.mulf %convert_element_type3A_2051, %mul3A_2053 : vector<16xf32>
    %add3A_2055 = arith.addf %mul3A_2054, %mul3A_2050 : vector<16xf32>
    %get3A_2056 = arith.constant 336 : index
    %get3A_2057 = tpu.vector_load %arg8[%get3A_2056] {strides = array<i32>} : memref<512xi32, #tpu.memory_space<vmem>>, vector<16xi32>,
    %broadcast_in_dim3A_2058 = arith.constant 0.000000e+00 : f32
    %broadcast_in_dim3A_2059 = vector.broadcast %broadcast_in_dim3A_2058 : f32 to vector<16xf32>
    %eq3A_2060 = arith.constant 1 : i32
    %eq3A_2061 = vector.broadcast %eq3A_2060 : i32 to vector<16xi32>
    %eq3A_2062 = arith.cmpi eq, %get3A_2057, %eq3A_2061 : vector<16xi32>
    %neg3A_2063 = arith.constant 0.000000e+00 : f32
    %neg3A_2064 = vector.broadcast %neg3A_2063 : f32 to vector<16xf32>
    %neg3A_2065 = arith.subf %neg3A_2064, %sub3A_1992 : vector<16xf32>
    %select_n3A_2066 = arith.select %eq3A_2062, %broadcast_in_dim3A_2059, %neg3A_2065 : vector<16xi1>, vector<16xf32>
    %sub3A_2067 = arith.subf %select_n3A_2066, %add3A_2055 : vector<16xf32>
    %sub3A_2068 = arith.constant 0.105360515 : f32
    %sub3A_2069 = vector.broadcast %sub3A_2068 : f32 to vector<16xf32>
    %sub3A_2070 = arith.subf %sub3A_2067, %sub3A_2069 : vector<16xf32>
    %broadcast_in_dim3A_2071 = arith.constant -2.30258512 : f32
    %broadcast_in_dim3A_2072 = vector.broadcast %broadcast_in_dim3A_2071 : f32 to vector<16xf32>
    %eq3A_2073 = arith.constant 0 : i32
    %eq3A_2074 = vector.broadcast %eq3A_2073 : i32 to vector<16xi32>
    %eq3A_2075 = arith.cmpi eq, %get3A_2057, %eq3A_2074 : vector<16xi32>
    %select_n3A_2076 = arith.select %eq3A_2075, %broadcast_in_dim3A_2072, %sub3A_2070 : vector<16xi1>, vector<16xf32>
    %swap3A_2077 = arith.constant 336 : index
    %swap3A_2078 = tpu.vector_load %arg9[%swap3A_2077] {strides = array<i32>} : memref<512xf32, #tpu.memory_space<vmem>>, vector<16xf32>,
    tpu.vector_store %arg9[%swap3A_2077], %select_n3A_2076 {strides = array<i32>} : memref<512xf32, #tpu.memory_space<vmem>>, vector<16xf32>,
    %get3A_2079 = arith.constant 608 : index
    %get3A_2080 = tpu.vector_load %arg7[%get3A_2079] {strides = array<i32>} : memref<1024xf32, #tpu.memory_space<vmem>>, vector<16xf32>,
    %get3A_2081 = arith.constant 736 : index
    %get3A_2082 = tpu.vector_load %arg7[%get3A_2081] {strides = array<i32>} : memref<1024xf32, #tpu.memory_space<vmem>>, vector<16xf32>,
    %sub3A_2083 = arith.subf %get3A_2080, %get3A_2082 : vector<16xf32>
    %neg3A_2084 = arith.constant 0.000000e+00 : f32
    %neg3A_2085 = vector.broadcast %neg3A_2084 : f32 to vector<16xf32>
    %neg3A_2086 = arith.subf %neg3A_2085, %sub3A_2083 : vector<16xf32>
    %exp3A_2087 = math.exp %neg3A_2086 : vector<16xf32>
    %add3A_2088 = arith.constant 1.000000e+00 : f32
    %add3A_2089 = vector.broadcast %add3A_2088 : f32 to vector<16xf32>
    %add3A_2090 = arith.addf %add3A_2089, %exp3A_2087 : vector<16xf32>
    %bitcast3A_2091 = vector.bitcast %add3A_2090 : vector<16xf32> to vector<16xi32>
    %shift_right_arithmetic3A_2092 = arith.constant 23 : i32
    %shift_right_arithmetic3A_2093 = vector.broadcast %shift_right_arithmetic3A_2092 : i32 to vector<16xi32>
    %shift_right_arithmetic3A_2094 = arith.shrsi %bitcast3A_2091, %shift_right_arithmetic3A_2093 : vector<16xi32>
    %sub3A_2095 = arith.constant 127 : i32
    %sub3A_2096 = vector.broadcast %sub3A_2095 : i32 to vector<16xi32>
    %sub3A_2097 = arith.subi %shift_right_arithmetic3A_2094, %sub3A_2096 : vector<16xi32>
    %and3A_2098 = arith.constant 8388607 : i32
    %and3A_2099 = vector.broadcast %and3A_2098 : i32 to vector<16xi32>
    %and3A_2100 = arith.andi %bitcast3A_2091, %and3A_2099 : vector<16xi32>
    %or3A_2101 = arith.constant 1065353216 : i32
    %or3A_2102 = vector.broadcast %or3A_2101 : i32 to vector<16xi32>
    %or3A_2103 = arith.ori %and3A_2100, %or3A_2102 : vector<16xi32>
    %bitcast3A_2104 = vector.bitcast %or3A_2103 : vector<16xi32> to vector<16xf32>
    %gt3A_2105 = arith.constant 1.41421354 : f32
    %gt3A_2106 = vector.broadcast %gt3A_2105 : f32 to vector<16xf32>
    %gt3A_2107 = arith.cmpf ogt, %bitcast3A_2104, %gt3A_2106 : vector<16xf32>
    %mul3A_2108 = arith.constant 5.000000e-01 : f32
    %mul3A_2109 = vector.broadcast %mul3A_2108 : f32 to vector<16xf32>
    %mul3A_2110 = arith.mulf %bitcast3A_2104, %mul3A_2109 : vector<16xf32>
    %select_n3A_2111 = arith.select %gt3A_2107, %mul3A_2110, %bitcast3A_2104 : vector<16xi1>, vector<16xf32>
    %add3A_2112 = arith.constant 1 : i32
    %add3A_2113 = vector.broadcast %add3A_2112 : i32 to vector<16xi32>
    %add3A_2114 = arith.addi %sub3A_2097, %add3A_2113 : vector<16xi32>
    %select_n3A_2115 = arith.select %gt3A_2107, %add3A_2114, %sub3A_2097 : vector<16xi1>, vector<16xi32>
    %sub3A_2116 = arith.constant 1.000000e+00 : f32
    %sub3A_2117 = vector.broadcast %sub3A_2116 : f32 to vector<16xf32>
    %sub3A_2118 = arith.subf %select_n3A_2111, %sub3A_2117 : vector<16xf32>
    %mul3A_2119 = arith.constant 0.166666672 : f32
    %mul3A_2120 = vector.broadcast %mul3A_2119 : f32 to vector<16xf32>
    %mul3A_2121 = arith.mulf %sub3A_2118, %mul3A_2120 : vector<16xf32>
    %sub3A_2122 = arith.constant 2.000000e-01 : f32
    %sub3A_2123 = vector.broadcast %sub3A_2122 : f32 to vector<16xf32>
    %sub3A_2124 = arith.subf %sub3A_2123, %mul3A_2121 : vector<16xf32>
    %mul3A_2125 = arith.mulf %sub3A_2118, %sub3A_2124 : vector<16xf32>
    %sub3A_2126 = arith.constant 2.500000e-01 : f32
    %sub3A_2127 = vector.broadcast %sub3A_2126 : f32 to vector<16xf32>
    %sub3A_2128 = arith.subf %sub3A_2127, %mul3A_2125 : vector<16xf32>
    %mul3A_2129 = arith.mulf %sub3A_2118, %sub3A_2128 : vector<16xf32>
    %sub3A_2130 = arith.constant 0.333333343 : f32
    %sub3A_2131 = vector.broadcast %sub3A_2130 : f32 to vector<16xf32>
    %sub3A_2132 = arith.subf %sub3A_2131, %mul3A_2129 : vector<16xf32>
    %mul3A_2133 = arith.mulf %sub3A_2118, %sub3A_2132 : vector<16xf32>
    %sub3A_2134 = arith.constant 5.000000e-01 : f32
    %sub3A_2135 = vector.broadcast %sub3A_2134 : f32 to vector<16xf32>
    %sub3A_2136 = arith.subf %sub3A_2135, %mul3A_2133 : vector<16xf32>
    %mul3A_2137 = arith.mulf %sub3A_2118, %sub3A_2136 : vector<16xf32>
    %sub3A_2138 = arith.constant 1.000000e+00 : f32
    %sub3A_2139 = vector.broadcast %sub3A_2138 : f32 to vector<16xf32>
    %sub3A_2140 = arith.subf %sub3A_2139, %mul3A_2137 : vector<16xf32>
    %mul3A_2141 = arith.mulf %sub3A_2118, %sub3A_2140 : vector<16xf32>
    %convert_element_type3A_2142 = arith.sitofp %select_n3A_2115 : vector<16xi32> to vector<16xf32>
    %mul3A_2143 = arith.constant 0.693147182 : f32
    %mul3A_2144 = vector.broadcast %mul3A_2143 : f32 to vector<16xf32>
    %mul3A_2145 = arith.mulf %convert_element_type3A_2142, %mul3A_2144 : vector<16xf32>
    %add3A_2146 = arith.addf %mul3A_2145, %mul3A_2141 : vector<16xf32>
    %get3A_2147 = arith.constant 352 : index
    %get3A_2148 = tpu.vector_load %arg8[%get3A_2147] {strides = array<i32>} : memref<512xi32, #tpu.memory_space<vmem>>, vector<16xi32>,
    %broadcast_in_dim3A_2149 = arith.constant 0.000000e+00 : f32
    %broadcast_in_dim3A_2150 = vector.broadcast %broadcast_in_dim3A_2149 : f32 to vector<16xf32>
    %eq3A_2151 = arith.constant 1 : i32
    %eq3A_2152 = vector.broadcast %eq3A_2151 : i32 to vector<16xi32>
    %eq3A_2153 = arith.cmpi eq, %get3A_2148, %eq3A_2152 : vector<16xi32>
    %neg3A_2154 = arith.constant 0.000000e+00 : f32
    %neg3A_2155 = vector.broadcast %neg3A_2154 : f32 to vector<16xf32>
    %neg3A_2156 = arith.subf %neg3A_2155, %sub3A_2083 : vector<16xf32>
    %select_n3A_2157 = arith.select %eq3A_2153, %broadcast_in_dim3A_2150, %neg3A_2156 : vector<16xi1>, vector<16xf32>
    %sub3A_2158 = arith.subf %select_n3A_2157, %add3A_2146 : vector<16xf32>
    %sub3A_2159 = arith.constant 0.105360515 : f32
    %sub3A_2160 = vector.broadcast %sub3A_2159 : f32 to vector<16xf32>
    %sub3A_2161 = arith.subf %sub3A_2158, %sub3A_2160 : vector<16xf32>
    %broadcast_in_dim3A_2162 = arith.constant -2.30258512 : f32
    %broadcast_in_dim3A_2163 = vector.broadcast %broadcast_in_dim3A_2162 : f32 to vector<16xf32>
    %eq3A_2164 = arith.constant 0 : i32
    %eq3A_2165 = vector.broadcast %eq3A_2164 : i32 to vector<16xi32>
    %eq3A_2166 = arith.cmpi eq, %get3A_2148, %eq3A_2165 : vector<16xi32>
    %select_n3A_2167 = arith.select %eq3A_2166, %broadcast_in_dim3A_2163, %sub3A_2161 : vector<16xi1>, vector<16xf32>
    %swap3A_2168 = arith.constant 352 : index
    %swap3A_2169 = tpu.vector_load %arg9[%swap3A_2168] {strides = array<i32>} : memref<512xf32, #tpu.memory_space<vmem>>, vector<16xf32>,
    tpu.vector_store %arg9[%swap3A_2168], %select_n3A_2167 {strides = array<i32>} : memref<512xf32, #tpu.memory_space<vmem>>, vector<16xf32>,
    %get3A_2170 = arith.constant 624 : index
    %get3A_2171 = tpu.vector_load %arg7[%get3A_2170] {strides = array<i32>} : memref<1024xf32, #tpu.memory_space<vmem>>, vector<16xf32>,
    %get3A_2172 = arith.constant 752 : index
    %get3A_2173 = tpu.vector_load %arg7[%get3A_2172] {strides = array<i32>} : memref<1024xf32, #tpu.memory_space<vmem>>, vector<16xf32>,
    %sub3A_2174 = arith.subf %get3A_2171, %get3A_2173 : vector<16xf32>
    %neg3A_2175 = arith.constant 0.000000e+00 : f32
    %neg3A_2176 = vector.broadcast %neg3A_2175 : f32 to vector<16xf32>
    %neg3A_2177 = arith.subf %neg3A_2176, %sub3A_2174 : vector<16xf32>
    %exp3A_2178 = math.exp %neg3A_2177 : vector<16xf32>
    %add3A_2179 = arith.constant 1.000000e+00 : f32
    %add3A_2180 = vector.broadcast %add3A_2179 : f32 to vector<16xf32>
    %add3A_2181 = arith.addf %add3A_2180, %exp3A_2178 : vector<16xf32>
    %bitcast3A_2182 = vector.bitcast %add3A_2181 : vector<16xf32> to vector<16xi32>
    %shift_right_arithmetic3A_2183 = arith.constant 23 : i32
    %shift_right_arithmetic3A_2184 = vector.broadcast %shift_right_arithmetic3A_2183 : i32 to vector<16xi32>
    %shift_right_arithmetic3A_2185 = arith.shrsi %bitcast3A_2182, %shift_right_arithmetic3A_2184 : vector<16xi32>
    %sub3A_2186 = arith.constant 127 : i32
    %sub3A_2187 = vector.broadcast %sub3A_2186 : i32 to vector<16xi32>
    %sub3A_2188 = arith.subi %shift_right_arithmetic3A_2185, %sub3A_2187 : vector<16xi32>
    %and3A_2189 = arith.constant 8388607 : i32
    %and3A_2190 = vector.broadcast %and3A_2189 : i32 to vector<16xi32>
    %and3A_2191 = arith.andi %bitcast3A_2182, %and3A_2190 : vector<16xi32>
    %or3A_2192 = arith.constant 1065353216 : i32
    %or3A_2193 = vector.broadcast %or3A_2192 : i32 to vector<16xi32>
    %or3A_2194 = arith.ori %and3A_2191, %or3A_2193 : vector<16xi32>
    %bitcast3A_2195 = vector.bitcast %or3A_2194 : vector<16xi32> to vector<16xf32>
    %gt3A_2196 = arith.constant 1.41421354 : f32
    %gt3A_2197 = vector.broadcast %gt3A_2196 : f32 to vector<16xf32>
    %gt3A_2198 = arith.cmpf ogt, %bitcast3A_2195, %gt3A_2197 : vector<16xf32>
    %mul3A_2199 = arith.constant 5.000000e-01 : f32
    %mul3A_2200 = vector.broadcast %mul3A_2199 : f32 to vector<16xf32>
    %mul3A_2201 = arith.mulf %bitcast3A_2195, %mul3A_2200 : vector<16xf32>
    %select_n3A_2202 = arith.select %gt3A_2198, %mul3A_2201, %bitcast3A_2195 : vector<16xi1>, vector<16xf32>
    %add3A_2203 = arith.constant 1 : i32
    %add3A_2204 = vector.broadcast %add3A_2203 : i32 to vector<16xi32>
    %add3A_2205 = arith.addi %sub3A_2188, %add3A_2204 : vector<16xi32>
    %select_n3A_2206 = arith.select %gt3A_2198, %add3A_2205, %sub3A_2188 : vector<16xi1>, vector<16xi32>
    %sub3A_2207 = arith.constant 1.000000e+00 : f32
    %sub3A_2208 = vector.broadcast %sub3A_2207 : f32 to vector<16xf32>
    %sub3A_2209 = arith.subf %select_n3A_2202, %sub3A_2208 : vector<16xf32>
    %mul3A_2210 = arith.constant 0.166666672 : f32
    %mul3A_2211 = vector.broadcast %mul3A_2210 : f32 to vector<16xf32>
    %mul3A_2212 = arith.mulf %sub3A_2209, %mul3A_2211 : vector<16xf32>
    %sub3A_2213 = arith.constant 2.000000e-01 : f32
    %sub3A_2214 = vector.broadcast %sub3A_2213 : f32 to vector<16xf32>
    %sub3A_2215 = arith.subf %sub3A_2214, %mul3A_2212 : vector<16xf32>
    %mul3A_2216 = arith.mulf %sub3A_2209, %sub3A_2215 : vector<16xf32>
    %sub3A_2217 = arith.constant 2.500000e-01 : f32
    %sub3A_2218 = vector.broadcast %sub3A_2217 : f32 to vector<16xf32>
    %sub3A_2219 = arith.subf %sub3A_2218, %mul3A_2216 : vector<16xf32>
    %mul3A_2220 = arith.mulf %sub3A_2209, %sub3A_2219 : vector<16xf32>
    %sub3A_2221 = arith.constant 0.333333343 : f32
    %sub3A_2222 = vector.broadcast %sub3A_2221 : f32 to vector<16xf32>
    %sub3A_2223 = arith.subf %sub3A_2222, %mul3A_2220 : vector<16xf32>
    %mul3A_2224 = arith.mulf %sub3A_2209, %sub3A_2223 : vector<16xf32>
    %sub3A_2225 = arith.constant 5.000000e-01 : f32
    %sub3A_2226 = vector.broadcast %sub3A_2225 : f32 to vector<16xf32>
    %sub3A_2227 = arith.subf %sub3A_2226, %mul3A_2224 : vector<16xf32>
    %mul3A_2228 = arith.mulf %sub3A_2209, %sub3A_2227 : vector<16xf32>
    %sub3A_2229 = arith.constant 1.000000e+00 : f32
    %sub3A_2230 = vector.broadcast %sub3A_2229 : f32 to vector<16xf32>
    %sub3A_2231 = arith.subf %sub3A_2230, %mul3A_2228 : vector<16xf32>
    %mul3A_2232 = arith.mulf %sub3A_2209, %sub3A_2231 : vector<16xf32>
    %convert_element_type3A_2233 = arith.sitofp %select_n3A_2206 : vector<16xi32> to vector<16xf32>
    %mul3A_2234 = arith.constant 0.693147182 : f32
    %mul3A_2235 = vector.broadcast %mul3A_2234 : f32 to vector<16xf32>
    %mul3A_2236 = arith.mulf %convert_element_type3A_2233, %mul3A_2235 : vector<16xf32>
    %add3A_2237 = arith.addf %mul3A_2236, %mul3A_2232 : vector<16xf32>
    %get3A_2238 = arith.constant 368 : index
    %get3A_2239 = tpu.vector_load %arg8[%get3A_2238] {strides = array<i32>} : memref<512xi32, #tpu.memory_space<vmem>>, vector<16xi32>,
    %broadcast_in_dim3A_2240 = arith.constant 0.000000e+00 : f32
    %broadcast_in_dim3A_2241 = vector.broadcast %broadcast_in_dim3A_2240 : f32 to vector<16xf32>
    %eq3A_2242 = arith.constant 1 : i32
    %eq3A_2243 = vector.broadcast %eq3A_2242 : i32 to vector<16xi32>
    %eq3A_2244 = arith.cmpi eq, %get3A_2239, %eq3A_2243 : vector<16xi32>
    %neg3A_2245 = arith.constant 0.000000e+00 : f32
    %neg3A_2246 = vector.broadcast %neg3A_2245 : f32 to vector<16xf32>
    %neg3A_2247 = arith.subf %neg3A_2246, %sub3A_2174 : vector<16xf32>
    %select_n3A_2248 = arith.select %eq3A_2244, %broadcast_in_dim3A_2241, %neg3A_2247 : vector<16xi1>, vector<16xf32>
    %sub3A_2249 = arith.subf %select_n3A_2248, %add3A_2237 : vector<16xf32>
    %sub3A_2250 = arith.constant 0.105360515 : f32
    %sub3A_2251 = vector.broadcast %sub3A_2250 : f32 to vector<16xf32>
    %sub3A_2252 = arith.subf %sub3A_2249, %sub3A_2251 : vector<16xf32>
    %broadcast_in_dim3A_2253 = arith.constant -2.30258512 : f32
    %broadcast_in_dim3A_2254 = vector.broadcast %broadcast_in_dim3A_2253 : f32 to vector<16xf32>
    %eq3A_2255 = arith.constant 0 : i32
    %eq3A_2256 = vector.broadcast %eq3A_2255 : i32 to vector<16xi32>
    %eq3A_2257 = arith.cmpi eq, %get3A_2239, %eq3A_2256 : vector<16xi32>
    %select_n3A_2258 = arith.select %eq3A_2257, %broadcast_in_dim3A_2254, %sub3A_2252 : vector<16xi1>, vector<16xf32>
    %swap3A_2259 = arith.constant 368 : index
    %swap3A_2260 = tpu.vector_load %arg9[%swap3A_2259] {strides = array<i32>} : memref<512xf32, #tpu.memory_space<vmem>>, vector<16xf32>,
    tpu.vector_store %arg9[%swap3A_2259], %select_n3A_2258 {strides = array<i32>} : memref<512xf32, #tpu.memory_space<vmem>>, vector<16xf32>,
    %dma_wait3A_2261 = arith.constant 768 : i32
    %dma_wait3A_2262 = tpu.memref_slice %arg7[%dma_wait3A_2261] : memref<1024xf32, #tpu.memory_space<vmem>> -> memref<128xf32, #tpu.memory_space<vmem>>
    %dma_wait3A_2263 = arith.constant 768 : i32
    %dma_wait3A_2264 = tpu.memref_slice %arg6[%dma_wait3A_2263] : memref<1024xi32, #tpu.memory_space<vmem>> -> memref<128xi32, #tpu.memory_space<vmem>>
    %dma_wait3A_2265 = arith.constant 0 : i32
    %dma_wait3A_2266 = tpu.memref_slice %arg2[%dma_wait3A_2265] : memref<1000448xf32, #tpu.memory_space<hbm>> -> memref<1000448xf32, #tpu.memory_space<hbm>>
    tpu.wait_indirect_dma semaphore(%arg10 : memref<!tpu.dma_semaphore, #tpu.memory_space<semaphore_mem>>) src(%dma_wait3A_2266 : memref<1000448xf32, #tpu.memory_space<hbm>>) dst(%dma_wait3A_2262 : memref<128xf32, #tpu.memory_space<vmem>>)
    %dma_wait3A_2267 = arith.constant 896 : i32
    %dma_wait3A_2268 = tpu.memref_slice %arg7[%dma_wait3A_2267] : memref<1024xf32, #tpu.memory_space<vmem>> -> memref<128xf32, #tpu.memory_space<vmem>>
    %dma_wait3A_2269 = arith.constant 896 : i32
    %dma_wait3A_2270 = tpu.memref_slice %arg6[%dma_wait3A_2269] : memref<1024xi32, #tpu.memory_space<vmem>> -> memref<128xi32, #tpu.memory_space<vmem>>
    %dma_wait3A_2271 = arith.constant 0 : i32
    %dma_wait3A_2272 = tpu.memref_slice %arg2[%dma_wait3A_2271] : memref<1000448xf32, #tpu.memory_space<hbm>> -> memref<1000448xf32, #tpu.memory_space<hbm>>
    tpu.wait_indirect_dma semaphore(%arg10 : memref<!tpu.dma_semaphore, #tpu.memory_space<semaphore_mem>>) src(%dma_wait3A_2272 : memref<1000448xf32, #tpu.memory_space<hbm>>) dst(%dma_wait3A_2268 : memref<128xf32, #tpu.memory_space<vmem>>)
    %get3A_2273 = arith.constant 768 : index
    %get3A_2274 = tpu.vector_load %arg7[%get3A_2273] {strides = array<i32>} : memref<1024xf32, #tpu.memory_space<vmem>>, vector<16xf32>,
    %get3A_2275 = arith.constant 896 : index
    %get3A_2276 = tpu.vector_load %arg7[%get3A_2275] {strides = array<i32>} : memref<1024xf32, #tpu.memory_space<vmem>>, vector<16xf32>,
    %sub3A_2277 = arith.subf %get3A_2274, %get3A_2276 : vector<16xf32>
    %neg3A_2278 = arith.constant 0.000000e+00 : f32
    %neg3A_2279 = vector.broadcast %neg3A_2278 : f32 to vector<16xf32>
    %neg3A_2280 = arith.subf %neg3A_2279, %sub3A_2277 : vector<16xf32>
    %exp3A_2281 = math.exp %neg3A_2280 : vector<16xf32>
    %add3A_2282 = arith.constant 1.000000e+00 : f32
    %add3A_2283 = vector.broadcast %add3A_2282 : f32 to vector<16xf32>
    %add3A_2284 = arith.addf %add3A_2283, %exp3A_2281 : vector<16xf32>
    %bitcast3A_2285 = vector.bitcast %add3A_2284 : vector<16xf32> to vector<16xi32>
    %shift_right_arithmetic3A_2286 = arith.constant 23 : i32
    %shift_right_arithmetic3A_2287 = vector.broadcast %shift_right_arithmetic3A_2286 : i32 to vector<16xi32>
    %shift_right_arithmetic3A_2288 = arith.shrsi %bitcast3A_2285, %shift_right_arithmetic3A_2287 : vector<16xi32>
    %sub3A_2289 = arith.constant 127 : i32
    %sub3A_2290 = vector.broadcast %sub3A_2289 : i32 to vector<16xi32>
    %sub3A_2291 = arith.subi %shift_right_arithmetic3A_2288, %sub3A_2290 : vector<16xi32>
    %and3A_2292 = arith.constant 8388607 : i32
    %and3A_2293 = vector.broadcast %and3A_2292 : i32 to vector<16xi32>
    %and3A_2294 = arith.andi %bitcast3A_2285, %and3A_2293 : vector<16xi32>
    %or3A_2295 = arith.constant 1065353216 : i32
    %or3A_2296 = vector.broadcast %or3A_2295 : i32 to vector<16xi32>
    %or3A_2297 = arith.ori %and3A_2294, %or3A_2296 : vector<16xi32>
    %bitcast3A_2298 = vector.bitcast %or3A_2297 : vector<16xi32> to vector<16xf32>
    %gt3A_2299 = arith.constant 1.41421354 : f32
    %gt3A_2300 = vector.broadcast %gt3A_2299 : f32 to vector<16xf32>
    %gt3A_2301 = arith.cmpf ogt, %bitcast3A_2298, %gt3A_2300 : vector<16xf32>
    %mul3A_2302 = arith.constant 5.000000e-01 : f32
    %mul3A_2303 = vector.broadcast %mul3A_2302 : f32 to vector<16xf32>
    %mul3A_2304 = arith.mulf %bitcast3A_2298, %mul3A_2303 : vector<16xf32>
    %select_n3A_2305 = arith.select %gt3A_2301, %mul3A_2304, %bitcast3A_2298 : vector<16xi1>, vector<16xf32>
    %add3A_2306 = arith.constant 1 : i32
    %add3A_2307 = vector.broadcast %add3A_2306 : i32 to vector<16xi32>
    %add3A_2308 = arith.addi %sub3A_2291, %add3A_2307 : vector<16xi32>
    %select_n3A_2309 = arith.select %gt3A_2301, %add3A_2308, %sub3A_2291 : vector<16xi1>, vector<16xi32>
    %sub3A_2310 = arith.constant 1.000000e+00 : f32
    %sub3A_2311 = vector.broadcast %sub3A_2310 : f32 to vector<16xf32>
    %sub3A_2312 = arith.subf %select_n3A_2305, %sub3A_2311 : vector<16xf32>
    %mul3A_2313 = arith.constant 0.166666672 : f32
    %mul3A_2314 = vector.broadcast %mul3A_2313 : f32 to vector<16xf32>
    %mul3A_2315 = arith.mulf %sub3A_2312, %mul3A_2314 : vector<16xf32>
    %sub3A_2316 = arith.constant 2.000000e-01 : f32
    %sub3A_2317 = vector.broadcast %sub3A_2316 : f32 to vector<16xf32>
    %sub3A_2318 = arith.subf %sub3A_2317, %mul3A_2315 : vector<16xf32>
    %mul3A_2319 = arith.mulf %sub3A_2312, %sub3A_2318 : vector<16xf32>
    %sub3A_2320 = arith.constant 2.500000e-01 : f32
    %sub3A_2321 = vector.broadcast %sub3A_2320 : f32 to vector<16xf32>
    %sub3A_2322 = arith.subf %sub3A_2321, %mul3A_2319 : vector<16xf32>
    %mul3A_2323 = arith.mulf %sub3A_2312, %sub3A_2322 : vector<16xf32>
    %sub3A_2324 = arith.constant 0.333333343 : f32
    %sub3A_2325 = vector.broadcast %sub3A_2324 : f32 to vector<16xf32>
    %sub3A_2326 = arith.subf %sub3A_2325, %mul3A_2323 : vector<16xf32>
    %mul3A_2327 = arith.mulf %sub3A_2312, %sub3A_2326 : vector<16xf32>
    %sub3A_2328 = arith.constant 5.000000e-01 : f32
    %sub3A_2329 = vector.broadcast %sub3A_2328 : f32 to vector<16xf32>
    %sub3A_2330 = arith.subf %sub3A_2329, %mul3A_2327 : vector<16xf32>
    %mul3A_2331 = arith.mulf %sub3A_2312, %sub3A_2330 : vector<16xf32>
    %sub3A_2332 = arith.constant 1.000000e+00 : f32
    %sub3A_2333 = vector.broadcast %sub3A_2332 : f32 to vector<16xf32>
    %sub3A_2334 = arith.subf %sub3A_2333, %mul3A_2331 : vector<16xf32>
    %mul3A_2335 = arith.mulf %sub3A_2312, %sub3A_2334 : vector<16xf32>
    %convert_element_type3A_2336 = arith.sitofp %select_n3A_2309 : vector<16xi32> to vector<16xf32>
    %mul3A_2337 = arith.constant 0.693147182 : f32
    %mul3A_2338 = vector.broadcast %mul3A_2337 : f32 to vector<16xf32>
    %mul3A_2339 = arith.mulf %convert_element_type3A_2336, %mul3A_2338 : vector<16xf32>
    %add3A_2340 = arith.addf %mul3A_2339, %mul3A_2335 : vector<16xf32>
    %get3A_2341 = arith.constant 384 : index
    %get3A_2342 = tpu.vector_load %arg8[%get3A_2341] {strides = array<i32>} : memref<512xi32, #tpu.memory_space<vmem>>, vector<16xi32>,
    %broadcast_in_dim3A_2343 = arith.constant 0.000000e+00 : f32
    %broadcast_in_dim3A_2344 = vector.broadcast %broadcast_in_dim3A_2343 : f32 to vector<16xf32>
    %eq3A_2345 = arith.constant 1 : i32
    %eq3A_2346 = vector.broadcast %eq3A_2345 : i32 to vector<16xi32>
    %eq3A_2347 = arith.cmpi eq, %get3A_2342, %eq3A_2346 : vector<16xi32>
    %neg3A_2348 = arith.constant 0.000000e+00 : f32
    %neg3A_2349 = vector.broadcast %neg3A_2348 : f32 to vector<16xf32>
    %neg3A_2350 = arith.subf %neg3A_2349, %sub3A_2277 : vector<16xf32>
    %select_n3A_2351 = arith.select %eq3A_2347, %broadcast_in_dim3A_2344, %neg3A_2350 : vector<16xi1>, vector<16xf32>
    %sub3A_2352 = arith.subf %select_n3A_2351, %add3A_2340 : vector<16xf32>
    %sub3A_2353 = arith.constant 0.105360515 : f32
    %sub3A_2354 = vector.broadcast %sub3A_2353 : f32 to vector<16xf32>
    %sub3A_2355 = arith.subf %sub3A_2352, %sub3A_2354 : vector<16xf32>
    %broadcast_in_dim3A_2356 = arith.constant -2.30258512 : f32
    %broadcast_in_dim3A_2357 = vector.broadcast %broadcast_in_dim3A_2356 : f32 to vector<16xf32>
    %eq3A_2358 = arith.constant 0 : i32
    %eq3A_2359 = vector.broadcast %eq3A_2358 : i32 to vector<16xi32>
    %eq3A_2360 = arith.cmpi eq, %get3A_2342, %eq3A_2359 : vector<16xi32>
    %select_n3A_2361 = arith.select %eq3A_2360, %broadcast_in_dim3A_2357, %sub3A_2355 : vector<16xi1>, vector<16xf32>
    %swap3A_2362 = arith.constant 384 : index
    %swap3A_2363 = tpu.vector_load %arg9[%swap3A_2362] {strides = array<i32>} : memref<512xf32, #tpu.memory_space<vmem>>, vector<16xf32>,
    tpu.vector_store %arg9[%swap3A_2362], %select_n3A_2361 {strides = array<i32>} : memref<512xf32, #tpu.memory_space<vmem>>, vector<16xf32>,
    %get3A_2364 = arith.constant 784 : index
    %get3A_2365 = tpu.vector_load %arg7[%get3A_2364] {strides = array<i32>} : memref<1024xf32, #tpu.memory_space<vmem>>, vector<16xf32>,
    %get3A_2366 = arith.constant 912 : index
    %get3A_2367 = tpu.vector_load %arg7[%get3A_2366] {strides = array<i32>} : memref<1024xf32, #tpu.memory_space<vmem>>, vector<16xf32>,
    %sub3A_2368 = arith.subf %get3A_2365, %get3A_2367 : vector<16xf32>
    %neg3A_2369 = arith.constant 0.000000e+00 : f32
    %neg3A_2370 = vector.broadcast %neg3A_2369 : f32 to vector<16xf32>
    %neg3A_2371 = arith.subf %neg3A_2370, %sub3A_2368 : vector<16xf32>
    %exp3A_2372 = math.exp %neg3A_2371 : vector<16xf32>
    %add3A_2373 = arith.constant 1.000000e+00 : f32
    %add3A_2374 = vector.broadcast %add3A_2373 : f32 to vector<16xf32>
    %add3A_2375 = arith.addf %add3A_2374, %exp3A_2372 : vector<16xf32>
    %bitcast3A_2376 = vector.bitcast %add3A_2375 : vector<16xf32> to vector<16xi32>
    %shift_right_arithmetic3A_2377 = arith.constant 23 : i32
    %shift_right_arithmetic3A_2378 = vector.broadcast %shift_right_arithmetic3A_2377 : i32 to vector<16xi32>
    %shift_right_arithmetic3A_2379 = arith.shrsi %bitcast3A_2376, %shift_right_arithmetic3A_2378 : vector<16xi32>
    %sub3A_2380 = arith.constant 127 : i32
    %sub3A_2381 = vector.broadcast %sub3A_2380 : i32 to vector<16xi32>
    %sub3A_2382 = arith.subi %shift_right_arithmetic3A_2379, %sub3A_2381 : vector<16xi32>
    %and3A_2383 = arith.constant 8388607 : i32
    %and3A_2384 = vector.broadcast %and3A_2383 : i32 to vector<16xi32>
    %and3A_2385 = arith.andi %bitcast3A_2376, %and3A_2384 : vector<16xi32>
    %or3A_2386 = arith.constant 1065353216 : i32
    %or3A_2387 = vector.broadcast %or3A_2386 : i32 to vector<16xi32>
    %or3A_2388 = arith.ori %and3A_2385, %or3A_2387 : vector<16xi32>
    %bitcast3A_2389 = vector.bitcast %or3A_2388 : vector<16xi32> to vector<16xf32>
    %gt3A_2390 = arith.constant 1.41421354 : f32
    %gt3A_2391 = vector.broadcast %gt3A_2390 : f32 to vector<16xf32>
    %gt3A_2392 = arith.cmpf ogt, %bitcast3A_2389, %gt3A_2391 : vector<16xf32>
    %mul3A_2393 = arith.constant 5.000000e-01 : f32
    %mul3A_2394 = vector.broadcast %mul3A_2393 : f32 to vector<16xf32>
    %mul3A_2395 = arith.mulf %bitcast3A_2389, %mul3A_2394 : vector<16xf32>
    %select_n3A_2396 = arith.select %gt3A_2392, %mul3A_2395, %bitcast3A_2389 : vector<16xi1>, vector<16xf32>
    %add3A_2397 = arith.constant 1 : i32
    %add3A_2398 = vector.broadcast %add3A_2397 : i32 to vector<16xi32>
    %add3A_2399 = arith.addi %sub3A_2382, %add3A_2398 : vector<16xi32>
    %select_n3A_2400 = arith.select %gt3A_2392, %add3A_2399, %sub3A_2382 : vector<16xi1>, vector<16xi32>
    %sub3A_2401 = arith.constant 1.000000e+00 : f32
    %sub3A_2402 = vector.broadcast %sub3A_2401 : f32 to vector<16xf32>
    %sub3A_2403 = arith.subf %select_n3A_2396, %sub3A_2402 : vector<16xf32>
    %mul3A_2404 = arith.constant 0.166666672 : f32
    %mul3A_2405 = vector.broadcast %mul3A_2404 : f32 to vector<16xf32>
    %mul3A_2406 = arith.mulf %sub3A_2403, %mul3A_2405 : vector<16xf32>
    %sub3A_2407 = arith.constant 2.000000e-01 : f32
    %sub3A_2408 = vector.broadcast %sub3A_2407 : f32 to vector<16xf32>
    %sub3A_2409 = arith.subf %sub3A_2408, %mul3A_2406 : vector<16xf32>
    %mul3A_2410 = arith.mulf %sub3A_2403, %sub3A_2409 : vector<16xf32>
    %sub3A_2411 = arith.constant 2.500000e-01 : f32
    %sub3A_2412 = vector.broadcast %sub3A_2411 : f32 to vector<16xf32>
    %sub3A_2413 = arith.subf %sub3A_2412, %mul3A_2410 : vector<16xf32>
    %mul3A_2414 = arith.mulf %sub3A_2403, %sub3A_2413 : vector<16xf32>
    %sub3A_2415 = arith.constant 0.333333343 : f32
    %sub3A_2416 = vector.broadcast %sub3A_2415 : f32 to vector<16xf32>
    %sub3A_2417 = arith.subf %sub3A_2416, %mul3A_2414 : vector<16xf32>
    %mul3A_2418 = arith.mulf %sub3A_2403, %sub3A_2417 : vector<16xf32>
    %sub3A_2419 = arith.constant 5.000000e-01 : f32
    %sub3A_2420 = vector.broadcast %sub3A_2419 : f32 to vector<16xf32>
    %sub3A_2421 = arith.subf %sub3A_2420, %mul3A_2418 : vector<16xf32>
    %mul3A_2422 = arith.mulf %sub3A_2403, %sub3A_2421 : vector<16xf32>
    %sub3A_2423 = arith.constant 1.000000e+00 : f32
    %sub3A_2424 = vector.broadcast %sub3A_2423 : f32 to vector<16xf32>
    %sub3A_2425 = arith.subf %sub3A_2424, %mul3A_2422 : vector<16xf32>
    %mul3A_2426 = arith.mulf %sub3A_2403, %sub3A_2425 : vector<16xf32>
    %convert_element_type3A_2427 = arith.sitofp %select_n3A_2400 : vector<16xi32> to vector<16xf32>
    %mul3A_2428 = arith.constant 0.693147182 : f32
    %mul3A_2429 = vector.broadcast %mul3A_2428 : f32 to vector<16xf32>
    %mul3A_2430 = arith.mulf %convert_element_type3A_2427, %mul3A_2429 : vector<16xf32>
    %add3A_2431 = arith.addf %mul3A_2430, %mul3A_2426 : vector<16xf32>
    %get3A_2432 = arith.constant 400 : index
    %get3A_2433 = tpu.vector_load %arg8[%get3A_2432] {strides = array<i32>} : memref<512xi32, #tpu.memory_space<vmem>>, vector<16xi32>,
    %broadcast_in_dim3A_2434 = arith.constant 0.000000e+00 : f32
    %broadcast_in_dim3A_2435 = vector.broadcast %broadcast_in_dim3A_2434 : f32 to vector<16xf32>
    %eq3A_2436 = arith.constant 1 : i32
    %eq3A_2437 = vector.broadcast %eq3A_2436 : i32 to vector<16xi32>
    %eq3A_2438 = arith.cmpi eq, %get3A_2433, %eq3A_2437 : vector<16xi32>
    %neg3A_2439 = arith.constant 0.000000e+00 : f32
    %neg3A_2440 = vector.broadcast %neg3A_2439 : f32 to vector<16xf32>
    %neg3A_2441 = arith.subf %neg3A_2440, %sub3A_2368 : vector<16xf32>
    %select_n3A_2442 = arith.select %eq3A_2438, %broadcast_in_dim3A_2435, %neg3A_2441 : vector<16xi1>, vector<16xf32>
    %sub3A_2443 = arith.subf %select_n3A_2442, %add3A_2431 : vector<16xf32>
    %sub3A_2444 = arith.constant 0.105360515 : f32
    %sub3A_2445 = vector.broadcast %sub3A_2444 : f32 to vector<16xf32>
    %sub3A_2446 = arith.subf %sub3A_2443, %sub3A_2445 : vector<16xf32>
    %broadcast_in_dim3A_2447 = arith.constant -2.30258512 : f32
    %broadcast_in_dim3A_2448 = vector.broadcast %broadcast_in_dim3A_2447 : f32 to vector<16xf32>
    %eq3A_2449 = arith.constant 0 : i32
    %eq3A_2450 = vector.broadcast %eq3A_2449 : i32 to vector<16xi32>
    %eq3A_2451 = arith.cmpi eq, %get3A_2433, %eq3A_2450 : vector<16xi32>
    %select_n3A_2452 = arith.select %eq3A_2451, %broadcast_in_dim3A_2448, %sub3A_2446 : vector<16xi1>, vector<16xf32>
    %swap3A_2453 = arith.constant 400 : index
    %swap3A_2454 = tpu.vector_load %arg9[%swap3A_2453] {strides = array<i32>} : memref<512xf32, #tpu.memory_space<vmem>>, vector<16xf32>,
    tpu.vector_store %arg9[%swap3A_2453], %select_n3A_2452 {strides = array<i32>} : memref<512xf32, #tpu.memory_space<vmem>>, vector<16xf32>,
    %get3A_2455 = arith.constant 800 : index
    %get3A_2456 = tpu.vector_load %arg7[%get3A_2455] {strides = array<i32>} : memref<1024xf32, #tpu.memory_space<vmem>>, vector<16xf32>,
    %get3A_2457 = arith.constant 928 : index
    %get3A_2458 = tpu.vector_load %arg7[%get3A_2457] {strides = array<i32>} : memref<1024xf32, #tpu.memory_space<vmem>>, vector<16xf32>,
    %sub3A_2459 = arith.subf %get3A_2456, %get3A_2458 : vector<16xf32>
    %neg3A_2460 = arith.constant 0.000000e+00 : f32
    %neg3A_2461 = vector.broadcast %neg3A_2460 : f32 to vector<16xf32>
    %neg3A_2462 = arith.subf %neg3A_2461, %sub3A_2459 : vector<16xf32>
    %exp3A_2463 = math.exp %neg3A_2462 : vector<16xf32>
    %add3A_2464 = arith.constant 1.000000e+00 : f32
    %add3A_2465 = vector.broadcast %add3A_2464 : f32 to vector<16xf32>
    %add3A_2466 = arith.addf %add3A_2465, %exp3A_2463 : vector<16xf32>
    %bitcast3A_2467 = vector.bitcast %add3A_2466 : vector<16xf32> to vector<16xi32>
    %shift_right_arithmetic3A_2468 = arith.constant 23 : i32
    %shift_right_arithmetic3A_2469 = vector.broadcast %shift_right_arithmetic3A_2468 : i32 to vector<16xi32>
    %shift_right_arithmetic3A_2470 = arith.shrsi %bitcast3A_2467, %shift_right_arithmetic3A_2469 : vector<16xi32>
    %sub3A_2471 = arith.constant 127 : i32
    %sub3A_2472 = vector.broadcast %sub3A_2471 : i32 to vector<16xi32>
    %sub3A_2473 = arith.subi %shift_right_arithmetic3A_2470, %sub3A_2472 : vector<16xi32>
    %and3A_2474 = arith.constant 8388607 : i32
    %and3A_2475 = vector.broadcast %and3A_2474 : i32 to vector<16xi32>
    %and3A_2476 = arith.andi %bitcast3A_2467, %and3A_2475 : vector<16xi32>
    %or3A_2477 = arith.constant 1065353216 : i32
    %or3A_2478 = vector.broadcast %or3A_2477 : i32 to vector<16xi32>
    %or3A_2479 = arith.ori %and3A_2476, %or3A_2478 : vector<16xi32>
    %bitcast3A_2480 = vector.bitcast %or3A_2479 : vector<16xi32> to vector<16xf32>
    %gt3A_2481 = arith.constant 1.41421354 : f32
    %gt3A_2482 = vector.broadcast %gt3A_2481 : f32 to vector<16xf32>
    %gt3A_2483 = arith.cmpf ogt, %bitcast3A_2480, %gt3A_2482 : vector<16xf32>
    %mul3A_2484 = arith.constant 5.000000e-01 : f32
    %mul3A_2485 = vector.broadcast %mul3A_2484 : f32 to vector<16xf32>
    %mul3A_2486 = arith.mulf %bitcast3A_2480, %mul3A_2485 : vector<16xf32>
    %select_n3A_2487 = arith.select %gt3A_2483, %mul3A_2486, %bitcast3A_2480 : vector<16xi1>, vector<16xf32>
    %add3A_2488 = arith.constant 1 : i32
    %add3A_2489 = vector.broadcast %add3A_2488 : i32 to vector<16xi32>
    %add3A_2490 = arith.addi %sub3A_2473, %add3A_2489 : vector<16xi32>
    %select_n3A_2491 = arith.select %gt3A_2483, %add3A_2490, %sub3A_2473 : vector<16xi1>, vector<16xi32>
    %sub3A_2492 = arith.constant 1.000000e+00 : f32
    %sub3A_2493 = vector.broadcast %sub3A_2492 : f32 to vector<16xf32>
    %sub3A_2494 = arith.subf %select_n3A_2487, %sub3A_2493 : vector<16xf32>
    %mul3A_2495 = arith.constant 0.166666672 : f32
    %mul3A_2496 = vector.broadcast %mul3A_2495 : f32 to vector<16xf32>
    %mul3A_2497 = arith.mulf %sub3A_2494, %mul3A_2496 : vector<16xf32>
    %sub3A_2498 = arith.constant 2.000000e-01 : f32
    %sub3A_2499 = vector.broadcast %sub3A_2498 : f32 to vector<16xf32>
    %sub3A_2500 = arith.subf %sub3A_2499, %mul3A_2497 : vector<16xf32>
    %mul3A_2501 = arith.mulf %sub3A_2494, %sub3A_2500 : vector<16xf32>
    %sub3A_2502 = arith.constant 2.500000e-01 : f32
    %sub3A_2503 = vector.broadcast %sub3A_2502 : f32 to vector<16xf32>
    %sub3A_2504 = arith.subf %sub3A_2503, %mul3A_2501 : vector<16xf32>
    %mul3A_2505 = arith.mulf %sub3A_2494, %sub3A_2504 : vector<16xf32>
    %sub3A_2506 = arith.constant 0.333333343 : f32
    %sub3A_2507 = vector.broadcast %sub3A_2506 : f32 to vector<16xf32>
    %sub3A_2508 = arith.subf %sub3A_2507, %mul3A_2505 : vector<16xf32>
    %mul3A_2509 = arith.mulf %sub3A_2494, %sub3A_2508 : vector<16xf32>
    %sub3A_2510 = arith.constant 5.000000e-01 : f32
    %sub3A_2511 = vector.broadcast %sub3A_2510 : f32 to vector<16xf32>
    %sub3A_2512 = arith.subf %sub3A_2511, %mul3A_2509 : vector<16xf32>
    %mul3A_2513 = arith.mulf %sub3A_2494, %sub3A_2512 : vector<16xf32>
    %sub3A_2514 = arith.constant 1.000000e+00 : f32
    %sub3A_2515 = vector.broadcast %sub3A_2514 : f32 to vector<16xf32>
    %sub3A_2516 = arith.subf %sub3A_2515, %mul3A_2513 : vector<16xf32>
    %mul3A_2517 = arith.mulf %sub3A_2494, %sub3A_2516 : vector<16xf32>
    %convert_element_type3A_2518 = arith.sitofp %select_n3A_2491 : vector<16xi32> to vector<16xf32>
    %mul3A_2519 = arith.constant 0.693147182 : f32
    %mul3A_2520 = vector.broadcast %mul3A_2519 : f32 to vector<16xf32>
    %mul3A_2521 = arith.mulf %convert_element_type3A_2518, %mul3A_2520 : vector<16xf32>
    %add3A_2522 = arith.addf %mul3A_2521, %mul3A_2517 : vector<16xf32>
    %get3A_2523 = arith.constant 416 : index
    %get3A_2524 = tpu.vector_load %arg8[%get3A_2523] {strides = array<i32>} : memref<512xi32, #tpu.memory_space<vmem>>, vector<16xi32>,
    %broadcast_in_dim3A_2525 = arith.constant 0.000000e+00 : f32
    %broadcast_in_dim3A_2526 = vector.broadcast %broadcast_in_dim3A_2525 : f32 to vector<16xf32>
    %eq3A_2527 = arith.constant 1 : i32
    %eq3A_2528 = vector.broadcast %eq3A_2527 : i32 to vector<16xi32>
    %eq3A_2529 = arith.cmpi eq, %get3A_2524, %eq3A_2528 : vector<16xi32>
    %neg3A_2530 = arith.constant 0.000000e+00 : f32
    %neg3A_2531 = vector.broadcast %neg3A_2530 : f32 to vector<16xf32>
    %neg3A_2532 = arith.subf %neg3A_2531, %sub3A_2459 : vector<16xf32>
    %select_n3A_2533 = arith.select %eq3A_2529, %broadcast_in_dim3A_2526, %neg3A_2532 : vector<16xi1>, vector<16xf32>
    %sub3A_2534 = arith.subf %select_n3A_2533, %add3A_2522 : vector<16xf32>
    %sub3A_2535 = arith.constant 0.105360515 : f32
    %sub3A_2536 = vector.broadcast %sub3A_2535 : f32 to vector<16xf32>
    %sub3A_2537 = arith.subf %sub3A_2534, %sub3A_2536 : vector<16xf32>
    %broadcast_in_dim3A_2538 = arith.constant -2.30258512 : f32
    %broadcast_in_dim3A_2539 = vector.broadcast %broadcast_in_dim3A_2538 : f32 to vector<16xf32>
    %eq3A_2540 = arith.constant 0 : i32
    %eq3A_2541 = vector.broadcast %eq3A_2540 : i32 to vector<16xi32>
    %eq3A_2542 = arith.cmpi eq, %get3A_2524, %eq3A_2541 : vector<16xi32>
    %select_n3A_2543 = arith.select %eq3A_2542, %broadcast_in_dim3A_2539, %sub3A_2537 : vector<16xi1>, vector<16xf32>
    %swap3A_2544 = arith.constant 416 : index
    %swap3A_2545 = tpu.vector_load %arg9[%swap3A_2544] {strides = array<i32>} : memref<512xf32, #tpu.memory_space<vmem>>, vector<16xf32>,
    tpu.vector_store %arg9[%swap3A_2544], %select_n3A_2543 {strides = array<i32>} : memref<512xf32, #tpu.memory_space<vmem>>, vector<16xf32>,
    %get3A_2546 = arith.constant 816 : index
    %get3A_2547 = tpu.vector_load %arg7[%get3A_2546] {strides = array<i32>} : memref<1024xf32, #tpu.memory_space<vmem>>, vector<16xf32>,
    %get3A_2548 = arith.constant 944 : index
    %get3A_2549 = tpu.vector_load %arg7[%get3A_2548] {strides = array<i32>} : memref<1024xf32, #tpu.memory_space<vmem>>, vector<16xf32>,
    %sub3A_2550 = arith.subf %get3A_2547, %get3A_2549 : vector<16xf32>
    %neg3A_2551 = arith.constant 0.000000e+00 : f32
    %neg3A_2552 = vector.broadcast %neg3A_2551 : f32 to vector<16xf32>
    %neg3A_2553 = arith.subf %neg3A_2552, %sub3A_2550 : vector<16xf32>
    %exp3A_2554 = math.exp %neg3A_2553 : vector<16xf32>
    %add3A_2555 = arith.constant 1.000000e+00 : f32
    %add3A_2556 = vector.broadcast %add3A_2555 : f32 to vector<16xf32>
    %add3A_2557 = arith.addf %add3A_2556, %exp3A_2554 : vector<16xf32>
    %bitcast3A_2558 = vector.bitcast %add3A_2557 : vector<16xf32> to vector<16xi32>
    %shift_right_arithmetic3A_2559 = arith.constant 23 : i32
    %shift_right_arithmetic3A_2560 = vector.broadcast %shift_right_arithmetic3A_2559 : i32 to vector<16xi32>
    %shift_right_arithmetic3A_2561 = arith.shrsi %bitcast3A_2558, %shift_right_arithmetic3A_2560 : vector<16xi32>
    %sub3A_2562 = arith.constant 127 : i32
    %sub3A_2563 = vector.broadcast %sub3A_2562 : i32 to vector<16xi32>
    %sub3A_2564 = arith.subi %shift_right_arithmetic3A_2561, %sub3A_2563 : vector<16xi32>
    %and3A_2565 = arith.constant 8388607 : i32
    %and3A_2566 = vector.broadcast %and3A_2565 : i32 to vector<16xi32>
    %and3A_2567 = arith.andi %bitcast3A_2558, %and3A_2566 : vector<16xi32>
    %or3A_2568 = arith.constant 1065353216 : i32
    %or3A_2569 = vector.broadcast %or3A_2568 : i32 to vector<16xi32>
    %or3A_2570 = arith.ori %and3A_2567, %or3A_2569 : vector<16xi32>
    %bitcast3A_2571 = vector.bitcast %or3A_2570 : vector<16xi32> to vector<16xf32>
    %gt3A_2572 = arith.constant 1.41421354 : f32
    %gt3A_2573 = vector.broadcast %gt3A_2572 : f32 to vector<16xf32>
    %gt3A_2574 = arith.cmpf ogt, %bitcast3A_2571, %gt3A_2573 : vector<16xf32>
    %mul3A_2575 = arith.constant 5.000000e-01 : f32
    %mul3A_2576 = vector.broadcast %mul3A_2575 : f32 to vector<16xf32>
    %mul3A_2577 = arith.mulf %bitcast3A_2571, %mul3A_2576 : vector<16xf32>
    %select_n3A_2578 = arith.select %gt3A_2574, %mul3A_2577, %bitcast3A_2571 : vector<16xi1>, vector<16xf32>
    %add3A_2579 = arith.constant 1 : i32
    %add3A_2580 = vector.broadcast %add3A_2579 : i32 to vector<16xi32>
    %add3A_2581 = arith.addi %sub3A_2564, %add3A_2580 : vector<16xi32>
    %select_n3A_2582 = arith.select %gt3A_2574, %add3A_2581, %sub3A_2564 : vector<16xi1>, vector<16xi32>
    %sub3A_2583 = arith.constant 1.000000e+00 : f32
    %sub3A_2584 = vector.broadcast %sub3A_2583 : f32 to vector<16xf32>
    %sub3A_2585 = arith.subf %select_n3A_2578, %sub3A_2584 : vector<16xf32>
    %mul3A_2586 = arith.constant 0.166666672 : f32
    %mul3A_2587 = vector.broadcast %mul3A_2586 : f32 to vector<16xf32>
    %mul3A_2588 = arith.mulf %sub3A_2585, %mul3A_2587 : vector<16xf32>
    %sub3A_2589 = arith.constant 2.000000e-01 : f32
    %sub3A_2590 = vector.broadcast %sub3A_2589 : f32 to vector<16xf32>
    %sub3A_2591 = arith.subf %sub3A_2590, %mul3A_2588 : vector<16xf32>
    %mul3A_2592 = arith.mulf %sub3A_2585, %sub3A_2591 : vector<16xf32>
    %sub3A_2593 = arith.constant 2.500000e-01 : f32
    %sub3A_2594 = vector.broadcast %sub3A_2593 : f32 to vector<16xf32>
    %sub3A_2595 = arith.subf %sub3A_2594, %mul3A_2592 : vector<16xf32>
    %mul3A_2596 = arith.mulf %sub3A_2585, %sub3A_2595 : vector<16xf32>
    %sub3A_2597 = arith.constant 0.333333343 : f32
    %sub3A_2598 = vector.broadcast %sub3A_2597 : f32 to vector<16xf32>
    %sub3A_2599 = arith.subf %sub3A_2598, %mul3A_2596 : vector<16xf32>
    %mul3A_2600 = arith.mulf %sub3A_2585, %sub3A_2599 : vector<16xf32>
    %sub3A_2601 = arith.constant 5.000000e-01 : f32
    %sub3A_2602 = vector.broadcast %sub3A_2601 : f32 to vector<16xf32>
    %sub3A_2603 = arith.subf %sub3A_2602, %mul3A_2600 : vector<16xf32>
    %mul3A_2604 = arith.mulf %sub3A_2585, %sub3A_2603 : vector<16xf32>
    %sub3A_2605 = arith.constant 1.000000e+00 : f32
    %sub3A_2606 = vector.broadcast %sub3A_2605 : f32 to vector<16xf32>
    %sub3A_2607 = arith.subf %sub3A_2606, %mul3A_2604 : vector<16xf32>
    %mul3A_2608 = arith.mulf %sub3A_2585, %sub3A_2607 : vector<16xf32>
    %convert_element_type3A_2609 = arith.sitofp %select_n3A_2582 : vector<16xi32> to vector<16xf32>
    %mul3A_2610 = arith.constant 0.693147182 : f32
    %mul3A_2611 = vector.broadcast %mul3A_2610 : f32 to vector<16xf32>
    %mul3A_2612 = arith.mulf %convert_element_type3A_2609, %mul3A_2611 : vector<16xf32>
    %add3A_2613 = arith.addf %mul3A_2612, %mul3A_2608 : vector<16xf32>
    %get3A_2614 = arith.constant 432 : index
    %get3A_2615 = tpu.vector_load %arg8[%get3A_2614] {strides = array<i32>} : memref<512xi32, #tpu.memory_space<vmem>>, vector<16xi32>,
    %broadcast_in_dim3A_2616 = arith.constant 0.000000e+00 : f32
    %broadcast_in_dim3A_2617 = vector.broadcast %broadcast_in_dim3A_2616 : f32 to vector<16xf32>
    %eq3A_2618 = arith.constant 1 : i32
    %eq3A_2619 = vector.broadcast %eq3A_2618 : i32 to vector<16xi32>
    %eq3A_2620 = arith.cmpi eq, %get3A_2615, %eq3A_2619 : vector<16xi32>
    %neg3A_2621 = arith.constant 0.000000e+00 : f32
    %neg3A_2622 = vector.broadcast %neg3A_2621 : f32 to vector<16xf32>
    %neg3A_2623 = arith.subf %neg3A_2622, %sub3A_2550 : vector<16xf32>
    %select_n3A_2624 = arith.select %eq3A_2620, %broadcast_in_dim3A_2617, %neg3A_2623 : vector<16xi1>, vector<16xf32>
    %sub3A_2625 = arith.subf %select_n3A_2624, %add3A_2613 : vector<16xf32>
    %sub3A_2626 = arith.constant 0.105360515 : f32
    %sub3A_2627 = vector.broadcast %sub3A_2626 : f32 to vector<16xf32>
    %sub3A_2628 = arith.subf %sub3A_2625, %sub3A_2627 : vector<16xf32>
    %broadcast_in_dim3A_2629 = arith.constant -2.30258512 : f32
    %broadcast_in_dim3A_2630 = vector.broadcast %broadcast_in_dim3A_2629 : f32 to vector<16xf32>
    %eq3A_2631 = arith.constant 0 : i32
    %eq3A_2632 = vector.broadcast %eq3A_2631 : i32 to vector<16xi32>
    %eq3A_2633 = arith.cmpi eq, %get3A_2615, %eq3A_2632 : vector<16xi32>
    %select_n3A_2634 = arith.select %eq3A_2633, %broadcast_in_dim3A_2630, %sub3A_2628 : vector<16xi1>, vector<16xf32>
    %swap3A_2635 = arith.constant 432 : index
    %swap3A_2636 = tpu.vector_load %arg9[%swap3A_2635] {strides = array<i32>} : memref<512xf32, #tpu.memory_space<vmem>>, vector<16xf32>,
    tpu.vector_store %arg9[%swap3A_2635], %select_n3A_2634 {strides = array<i32>} : memref<512xf32, #tpu.memory_space<vmem>>, vector<16xf32>,
    %get3A_2637 = arith.constant 832 : index
    %get3A_2638 = tpu.vector_load %arg7[%get3A_2637] {strides = array<i32>} : memref<1024xf32, #tpu.memory_space<vmem>>, vector<16xf32>,
    %get3A_2639 = arith.constant 960 : index
    %get3A_2640 = tpu.vector_load %arg7[%get3A_2639] {strides = array<i32>} : memref<1024xf32, #tpu.memory_space<vmem>>, vector<16xf32>,
    %sub3A_2641 = arith.subf %get3A_2638, %get3A_2640 : vector<16xf32>
    %neg3A_2642 = arith.constant 0.000000e+00 : f32
    %neg3A_2643 = vector.broadcast %neg3A_2642 : f32 to vector<16xf32>
    %neg3A_2644 = arith.subf %neg3A_2643, %sub3A_2641 : vector<16xf32>
    %exp3A_2645 = math.exp %neg3A_2644 : vector<16xf32>
    %add3A_2646 = arith.constant 1.000000e+00 : f32
    %add3A_2647 = vector.broadcast %add3A_2646 : f32 to vector<16xf32>
    %add3A_2648 = arith.addf %add3A_2647, %exp3A_2645 : vector<16xf32>
    %bitcast3A_2649 = vector.bitcast %add3A_2648 : vector<16xf32> to vector<16xi32>
    %shift_right_arithmetic3A_2650 = arith.constant 23 : i32
    %shift_right_arithmetic3A_2651 = vector.broadcast %shift_right_arithmetic3A_2650 : i32 to vector<16xi32>
    %shift_right_arithmetic3A_2652 = arith.shrsi %bitcast3A_2649, %shift_right_arithmetic3A_2651 : vector<16xi32>
    %sub3A_2653 = arith.constant 127 : i32
    %sub3A_2654 = vector.broadcast %sub3A_2653 : i32 to vector<16xi32>
    %sub3A_2655 = arith.subi %shift_right_arithmetic3A_2652, %sub3A_2654 : vector<16xi32>
    %and3A_2656 = arith.constant 8388607 : i32
    %and3A_2657 = vector.broadcast %and3A_2656 : i32 to vector<16xi32>
    %and3A_2658 = arith.andi %bitcast3A_2649, %and3A_2657 : vector<16xi32>
    %or3A_2659 = arith.constant 1065353216 : i32
    %or3A_2660 = vector.broadcast %or3A_2659 : i32 to vector<16xi32>
    %or3A_2661 = arith.ori %and3A_2658, %or3A_2660 : vector<16xi32>
    %bitcast3A_2662 = vector.bitcast %or3A_2661 : vector<16xi32> to vector<16xf32>
    %gt3A_2663 = arith.constant 1.41421354 : f32
    %gt3A_2664 = vector.broadcast %gt3A_2663 : f32 to vector<16xf32>
    %gt3A_2665 = arith.cmpf ogt, %bitcast3A_2662, %gt3A_2664 : vector<16xf32>
    %mul3A_2666 = arith.constant 5.000000e-01 : f32
    %mul3A_2667 = vector.broadcast %mul3A_2666 : f32 to vector<16xf32>
    %mul3A_2668 = arith.mulf %bitcast3A_2662, %mul3A_2667 : vector<16xf32>
    %select_n3A_2669 = arith.select %gt3A_2665, %mul3A_2668, %bitcast3A_2662 : vector<16xi1>, vector<16xf32>
    %add3A_2670 = arith.constant 1 : i32
    %add3A_2671 = vector.broadcast %add3A_2670 : i32 to vector<16xi32>
    %add3A_2672 = arith.addi %sub3A_2655, %add3A_2671 : vector<16xi32>
    %select_n3A_2673 = arith.select %gt3A_2665, %add3A_2672, %sub3A_2655 : vector<16xi1>, vector<16xi32>
    %sub3A_2674 = arith.constant 1.000000e+00 : f32
    %sub3A_2675 = vector.broadcast %sub3A_2674 : f32 to vector<16xf32>
    %sub3A_2676 = arith.subf %select_n3A_2669, %sub3A_2675 : vector<16xf32>
    %mul3A_2677 = arith.constant 0.166666672 : f32
    %mul3A_2678 = vector.broadcast %mul3A_2677 : f32 to vector<16xf32>
    %mul3A_2679 = arith.mulf %sub3A_2676, %mul3A_2678 : vector<16xf32>
    %sub3A_2680 = arith.constant 2.000000e-01 : f32
    %sub3A_2681 = vector.broadcast %sub3A_2680 : f32 to vector<16xf32>
    %sub3A_2682 = arith.subf %sub3A_2681, %mul3A_2679 : vector<16xf32>
    %mul3A_2683 = arith.mulf %sub3A_2676, %sub3A_2682 : vector<16xf32>
    %sub3A_2684 = arith.constant 2.500000e-01 : f32
    %sub3A_2685 = vector.broadcast %sub3A_2684 : f32 to vector<16xf32>
    %sub3A_2686 = arith.subf %sub3A_2685, %mul3A_2683 : vector<16xf32>
    %mul3A_2687 = arith.mulf %sub3A_2676, %sub3A_2686 : vector<16xf32>
    %sub3A_2688 = arith.constant 0.333333343 : f32
    %sub3A_2689 = vector.broadcast %sub3A_2688 : f32 to vector<16xf32>
    %sub3A_2690 = arith.subf %sub3A_2689, %mul3A_2687 : vector<16xf32>
    %mul3A_2691 = arith.mulf %sub3A_2676, %sub3A_2690 : vector<16xf32>
    %sub3A_2692 = arith.constant 5.000000e-01 : f32
    %sub3A_2693 = vector.broadcast %sub3A_2692 : f32 to vector<16xf32>
    %sub3A_2694 = arith.subf %sub3A_2693, %mul3A_2691 : vector<16xf32>
    %mul3A_2695 = arith.mulf %sub3A_2676, %sub3A_2694 : vector<16xf32>
    %sub3A_2696 = arith.constant 1.000000e+00 : f32
    %sub3A_2697 = vector.broadcast %sub3A_2696 : f32 to vector<16xf32>
    %sub3A_2698 = arith.subf %sub3A_2697, %mul3A_2695 : vector<16xf32>
    %mul3A_2699 = arith.mulf %sub3A_2676, %sub3A_2698 : vector<16xf32>
    %convert_element_type3A_2700 = arith.sitofp %select_n3A_2673 : vector<16xi32> to vector<16xf32>
    %mul3A_2701 = arith.constant 0.693147182 : f32
    %mul3A_2702 = vector.broadcast %mul3A_2701 : f32 to vector<16xf32>
    %mul3A_2703 = arith.mulf %convert_element_type3A_2700, %mul3A_2702 : vector<16xf32>
    %add3A_2704 = arith.addf %mul3A_2703, %mul3A_2699 : vector<16xf32>
    %get3A_2705 = arith.constant 448 : index
    %get3A_2706 = tpu.vector_load %arg8[%get3A_2705] {strides = array<i32>} : memref<512xi32, #tpu.memory_space<vmem>>, vector<16xi32>,
    %broadcast_in_dim3A_2707 = arith.constant 0.000000e+00 : f32
    %broadcast_in_dim3A_2708 = vector.broadcast %broadcast_in_dim3A_2707 : f32 to vector<16xf32>
    %eq3A_2709 = arith.constant 1 : i32
    %eq3A_2710 = vector.broadcast %eq3A_2709 : i32 to vector<16xi32>
    %eq3A_2711 = arith.cmpi eq, %get3A_2706, %eq3A_2710 : vector<16xi32>
    %neg3A_2712 = arith.constant 0.000000e+00 : f32
    %neg3A_2713 = vector.broadcast %neg3A_2712 : f32 to vector<16xf32>
    %neg3A_2714 = arith.subf %neg3A_2713, %sub3A_2641 : vector<16xf32>
    %select_n3A_2715 = arith.select %eq3A_2711, %broadcast_in_dim3A_2708, %neg3A_2714 : vector<16xi1>, vector<16xf32>
    %sub3A_2716 = arith.subf %select_n3A_2715, %add3A_2704 : vector<16xf32>
    %sub3A_2717 = arith.constant 0.105360515 : f32
    %sub3A_2718 = vector.broadcast %sub3A_2717 : f32 to vector<16xf32>
    %sub3A_2719 = arith.subf %sub3A_2716, %sub3A_2718 : vector<16xf32>
    %broadcast_in_dim3A_2720 = arith.constant -2.30258512 : f32
    %broadcast_in_dim3A_2721 = vector.broadcast %broadcast_in_dim3A_2720 : f32 to vector<16xf32>
    %eq3A_2722 = arith.constant 0 : i32
    %eq3A_2723 = vector.broadcast %eq3A_2722 : i32 to vector<16xi32>
    %eq3A_2724 = arith.cmpi eq, %get3A_2706, %eq3A_2723 : vector<16xi32>
    %select_n3A_2725 = arith.select %eq3A_2724, %broadcast_in_dim3A_2721, %sub3A_2719 : vector<16xi1>, vector<16xf32>
    %swap3A_2726 = arith.constant 448 : index
    %swap3A_2727 = tpu.vector_load %arg9[%swap3A_2726] {strides = array<i32>} : memref<512xf32, #tpu.memory_space<vmem>>, vector<16xf32>,
    tpu.vector_store %arg9[%swap3A_2726], %select_n3A_2725 {strides = array<i32>} : memref<512xf32, #tpu.memory_space<vmem>>, vector<16xf32>,
    %get3A_2728 = arith.constant 848 : index
    %get3A_2729 = tpu.vector_load %arg7[%get3A_2728] {strides = array<i32>} : memref<1024xf32, #tpu.memory_space<vmem>>, vector<16xf32>,
    %get3A_2730 = arith.constant 976 : index
    %get3A_2731 = tpu.vector_load %arg7[%get3A_2730] {strides = array<i32>} : memref<1024xf32, #tpu.memory_space<vmem>>, vector<16xf32>,
    %sub3A_2732 = arith.subf %get3A_2729, %get3A_2731 : vector<16xf32>
    %neg3A_2733 = arith.constant 0.000000e+00 : f32
    %neg3A_2734 = vector.broadcast %neg3A_2733 : f32 to vector<16xf32>
    %neg3A_2735 = arith.subf %neg3A_2734, %sub3A_2732 : vector<16xf32>
    %exp3A_2736 = math.exp %neg3A_2735 : vector<16xf32>
    %add3A_2737 = arith.constant 1.000000e+00 : f32
    %add3A_2738 = vector.broadcast %add3A_2737 : f32 to vector<16xf32>
    %add3A_2739 = arith.addf %add3A_2738, %exp3A_2736 : vector<16xf32>
    %bitcast3A_2740 = vector.bitcast %add3A_2739 : vector<16xf32> to vector<16xi32>
    %shift_right_arithmetic3A_2741 = arith.constant 23 : i32
    %shift_right_arithmetic3A_2742 = vector.broadcast %shift_right_arithmetic3A_2741 : i32 to vector<16xi32>
    %shift_right_arithmetic3A_2743 = arith.shrsi %bitcast3A_2740, %shift_right_arithmetic3A_2742 : vector<16xi32>
    %sub3A_2744 = arith.constant 127 : i32
    %sub3A_2745 = vector.broadcast %sub3A_2744 : i32 to vector<16xi32>
    %sub3A_2746 = arith.subi %shift_right_arithmetic3A_2743, %sub3A_2745 : vector<16xi32>
    %and3A_2747 = arith.constant 8388607 : i32
    %and3A_2748 = vector.broadcast %and3A_2747 : i32 to vector<16xi32>
    %and3A_2749 = arith.andi %bitcast3A_2740, %and3A_2748 : vector<16xi32>
    %or3A_2750 = arith.constant 1065353216 : i32
    %or3A_2751 = vector.broadcast %or3A_2750 : i32 to vector<16xi32>
    %or3A_2752 = arith.ori %and3A_2749, %or3A_2751 : vector<16xi32>
    %bitcast3A_2753 = vector.bitcast %or3A_2752 : vector<16xi32> to vector<16xf32>
    %gt3A_2754 = arith.constant 1.41421354 : f32
    %gt3A_2755 = vector.broadcast %gt3A_2754 : f32 to vector<16xf32>
    %gt3A_2756 = arith.cmpf ogt, %bitcast3A_2753, %gt3A_2755 : vector<16xf32>
    %mul3A_2757 = arith.constant 5.000000e-01 : f32
    %mul3A_2758 = vector.broadcast %mul3A_2757 : f32 to vector<16xf32>
    %mul3A_2759 = arith.mulf %bitcast3A_2753, %mul3A_2758 : vector<16xf32>
    %select_n3A_2760 = arith.select %gt3A_2756, %mul3A_2759, %bitcast3A_2753 : vector<16xi1>, vector<16xf32>
    %add3A_2761 = arith.constant 1 : i32
    %add3A_2762 = vector.broadcast %add3A_2761 : i32 to vector<16xi32>
    %add3A_2763 = arith.addi %sub3A_2746, %add3A_2762 : vector<16xi32>
    %select_n3A_2764 = arith.select %gt3A_2756, %add3A_2763, %sub3A_2746 : vector<16xi1>, vector<16xi32>
    %sub3A_2765 = arith.constant 1.000000e+00 : f32
    %sub3A_2766 = vector.broadcast %sub3A_2765 : f32 to vector<16xf32>
    %sub3A_2767 = arith.subf %select_n3A_2760, %sub3A_2766 : vector<16xf32>
    %mul3A_2768 = arith.constant 0.166666672 : f32
    %mul3A_2769 = vector.broadcast %mul3A_2768 : f32 to vector<16xf32>
    %mul3A_2770 = arith.mulf %sub3A_2767, %mul3A_2769 : vector<16xf32>
    %sub3A_2771 = arith.constant 2.000000e-01 : f32
    %sub3A_2772 = vector.broadcast %sub3A_2771 : f32 to vector<16xf32>
    %sub3A_2773 = arith.subf %sub3A_2772, %mul3A_2770 : vector<16xf32>
    %mul3A_2774 = arith.mulf %sub3A_2767, %sub3A_2773 : vector<16xf32>
    %sub3A_2775 = arith.constant 2.500000e-01 : f32
    %sub3A_2776 = vector.broadcast %sub3A_2775 : f32 to vector<16xf32>
    %sub3A_2777 = arith.subf %sub3A_2776, %mul3A_2774 : vector<16xf32>
    %mul3A_2778 = arith.mulf %sub3A_2767, %sub3A_2777 : vector<16xf32>
    %sub3A_2779 = arith.constant 0.333333343 : f32
    %sub3A_2780 = vector.broadcast %sub3A_2779 : f32 to vector<16xf32>
    %sub3A_2781 = arith.subf %sub3A_2780, %mul3A_2778 : vector<16xf32>
    %mul3A_2782 = arith.mulf %sub3A_2767, %sub3A_2781 : vector<16xf32>
    %sub3A_2783 = arith.constant 5.000000e-01 : f32
    %sub3A_2784 = vector.broadcast %sub3A_2783 : f32 to vector<16xf32>
    %sub3A_2785 = arith.subf %sub3A_2784, %mul3A_2782 : vector<16xf32>
    %mul3A_2786 = arith.mulf %sub3A_2767, %sub3A_2785 : vector<16xf32>
    %sub3A_2787 = arith.constant 1.000000e+00 : f32
    %sub3A_2788 = vector.broadcast %sub3A_2787 : f32 to vector<16xf32>
    %sub3A_2789 = arith.subf %sub3A_2788, %mul3A_2786 : vector<16xf32>
    %mul3A_2790 = arith.mulf %sub3A_2767, %sub3A_2789 : vector<16xf32>
    %convert_element_type3A_2791 = arith.sitofp %select_n3A_2764 : vector<16xi32> to vector<16xf32>
    %mul3A_2792 = arith.constant 0.693147182 : f32
    %mul3A_2793 = vector.broadcast %mul3A_2792 : f32 to vector<16xf32>
    %mul3A_2794 = arith.mulf %convert_element_type3A_2791, %mul3A_2793 : vector<16xf32>
    %add3A_2795 = arith.addf %mul3A_2794, %mul3A_2790 : vector<16xf32>
    %get3A_2796 = arith.constant 464 : index
    %get3A_2797 = tpu.vector_load %arg8[%get3A_2796] {strides = array<i32>} : memref<512xi32, #tpu.memory_space<vmem>>, vector<16xi32>,
    %broadcast_in_dim3A_2798 = arith.constant 0.000000e+00 : f32
    %broadcast_in_dim3A_2799 = vector.broadcast %broadcast_in_dim3A_2798 : f32 to vector<16xf32>
    %eq3A_2800 = arith.constant 1 : i32
    %eq3A_2801 = vector.broadcast %eq3A_2800 : i32 to vector<16xi32>
    %eq3A_2802 = arith.cmpi eq, %get3A_2797, %eq3A_2801 : vector<16xi32>
    %neg3A_2803 = arith.constant 0.000000e+00 : f32
    %neg3A_2804 = vector.broadcast %neg3A_2803 : f32 to vector<16xf32>
    %neg3A_2805 = arith.subf %neg3A_2804, %sub3A_2732 : vector<16xf32>
    %select_n3A_2806 = arith.select %eq3A_2802, %broadcast_in_dim3A_2799, %neg3A_2805 : vector<16xi1>, vector<16xf32>
    %sub3A_2807 = arith.subf %select_n3A_2806, %add3A_2795 : vector<16xf32>
    %sub3A_2808 = arith.constant 0.105360515 : f32
    %sub3A_2809 = vector.broadcast %sub3A_2808 : f32 to vector<16xf32>
    %sub3A_2810 = arith.subf %sub3A_2807, %sub3A_2809 : vector<16xf32>
    %broadcast_in_dim3A_2811 = arith.constant -2.30258512 : f32
    %broadcast_in_dim3A_2812 = vector.broadcast %broadcast_in_dim3A_2811 : f32 to vector<16xf32>
    %eq3A_2813 = arith.constant 0 : i32
    %eq3A_2814 = vector.broadcast %eq3A_2813 : i32 to vector<16xi32>
    %eq3A_2815 = arith.cmpi eq, %get3A_2797, %eq3A_2814 : vector<16xi32>
    %select_n3A_2816 = arith.select %eq3A_2815, %broadcast_in_dim3A_2812, %sub3A_2810 : vector<16xi1>, vector<16xf32>
    %swap3A_2817 = arith.constant 464 : index
    %swap3A_2818 = tpu.vector_load %arg9[%swap3A_2817] {strides = array<i32>} : memref<512xf32, #tpu.memory_space<vmem>>, vector<16xf32>,
    tpu.vector_store %arg9[%swap3A_2817], %select_n3A_2816 {strides = array<i32>} : memref<512xf32, #tpu.memory_space<vmem>>, vector<16xf32>,
    %get3A_2819 = arith.constant 864 : index
    %get3A_2820 = tpu.vector_load %arg7[%get3A_2819] {strides = array<i32>} : memref<1024xf32, #tpu.memory_space<vmem>>, vector<16xf32>,
    %get3A_2821 = arith.constant 992 : index
    %get3A_2822 = tpu.vector_load %arg7[%get3A_2821] {strides = array<i32>} : memref<1024xf32, #tpu.memory_space<vmem>>, vector<16xf32>,
    %sub3A_2823 = arith.subf %get3A_2820, %get3A_2822 : vector<16xf32>
    %neg3A_2824 = arith.constant 0.000000e+00 : f32
    %neg3A_2825 = vector.broadcast %neg3A_2824 : f32 to vector<16xf32>
    %neg3A_2826 = arith.subf %neg3A_2825, %sub3A_2823 : vector<16xf32>
    %exp3A_2827 = math.exp %neg3A_2826 : vector<16xf32>
    %add3A_2828 = arith.constant 1.000000e+00 : f32
    %add3A_2829 = vector.broadcast %add3A_2828 : f32 to vector<16xf32>
    %add3A_2830 = arith.addf %add3A_2829, %exp3A_2827 : vector<16xf32>
    %bitcast3A_2831 = vector.bitcast %add3A_2830 : vector<16xf32> to vector<16xi32>
    %shift_right_arithmetic3A_2832 = arith.constant 23 : i32
    %shift_right_arithmetic3A_2833 = vector.broadcast %shift_right_arithmetic3A_2832 : i32 to vector<16xi32>
    %shift_right_arithmetic3A_2834 = arith.shrsi %bitcast3A_2831, %shift_right_arithmetic3A_2833 : vector<16xi32>
    %sub3A_2835 = arith.constant 127 : i32
    %sub3A_2836 = vector.broadcast %sub3A_2835 : i32 to vector<16xi32>
    %sub3A_2837 = arith.subi %shift_right_arithmetic3A_2834, %sub3A_2836 : vector<16xi32>
    %and3A_2838 = arith.constant 8388607 : i32
    %and3A_2839 = vector.broadcast %and3A_2838 : i32 to vector<16xi32>
    %and3A_2840 = arith.andi %bitcast3A_2831, %and3A_2839 : vector<16xi32>
    %or3A_2841 = arith.constant 1065353216 : i32
    %or3A_2842 = vector.broadcast %or3A_2841 : i32 to vector<16xi32>
    %or3A_2843 = arith.ori %and3A_2840, %or3A_2842 : vector<16xi32>
    %bitcast3A_2844 = vector.bitcast %or3A_2843 : vector<16xi32> to vector<16xf32>
    %gt3A_2845 = arith.constant 1.41421354 : f32
    %gt3A_2846 = vector.broadcast %gt3A_2845 : f32 to vector<16xf32>
    %gt3A_2847 = arith.cmpf ogt, %bitcast3A_2844, %gt3A_2846 : vector<16xf32>
    %mul3A_2848 = arith.constant 5.000000e-01 : f32
    %mul3A_2849 = vector.broadcast %mul3A_2848 : f32 to vector<16xf32>
    %mul3A_2850 = arith.mulf %bitcast3A_2844, %mul3A_2849 : vector<16xf32>
    %select_n3A_2851 = arith.select %gt3A_2847, %mul3A_2850, %bitcast3A_2844 : vector<16xi1>, vector<16xf32>
    %add3A_2852 = arith.constant 1 : i32
    %add3A_2853 = vector.broadcast %add3A_2852 : i32 to vector<16xi32>
    %add3A_2854 = arith.addi %sub3A_2837, %add3A_2853 : vector<16xi32>
    %select_n3A_2855 = arith.select %gt3A_2847, %add3A_2854, %sub3A_2837 : vector<16xi1>, vector<16xi32>
    %sub3A_2856 = arith.constant 1.000000e+00 : f32
    %sub3A_2857 = vector.broadcast %sub3A_2856 : f32 to vector<16xf32>
    %sub3A_2858 = arith.subf %select_n3A_2851, %sub3A_2857 : vector<16xf32>
    %mul3A_2859 = arith.constant 0.166666672 : f32
    %mul3A_2860 = vector.broadcast %mul3A_2859 : f32 to vector<16xf32>
    %mul3A_2861 = arith.mulf %sub3A_2858, %mul3A_2860 : vector<16xf32>
    %sub3A_2862 = arith.constant 2.000000e-01 : f32
    %sub3A_2863 = vector.broadcast %sub3A_2862 : f32 to vector<16xf32>
    %sub3A_2864 = arith.subf %sub3A_2863, %mul3A_2861 : vector<16xf32>
    %mul3A_2865 = arith.mulf %sub3A_2858, %sub3A_2864 : vector<16xf32>
    %sub3A_2866 = arith.constant 2.500000e-01 : f32
    %sub3A_2867 = vector.broadcast %sub3A_2866 : f32 to vector<16xf32>
    %sub3A_2868 = arith.subf %sub3A_2867, %mul3A_2865 : vector<16xf32>
    %mul3A_2869 = arith.mulf %sub3A_2858, %sub3A_2868 : vector<16xf32>
    %sub3A_2870 = arith.constant 0.333333343 : f32
    %sub3A_2871 = vector.broadcast %sub3A_2870 : f32 to vector<16xf32>
    %sub3A_2872 = arith.subf %sub3A_2871, %mul3A_2869 : vector<16xf32>
    %mul3A_2873 = arith.mulf %sub3A_2858, %sub3A_2872 : vector<16xf32>
    %sub3A_2874 = arith.constant 5.000000e-01 : f32
    %sub3A_2875 = vector.broadcast %sub3A_2874 : f32 to vector<16xf32>
    %sub3A_2876 = arith.subf %sub3A_2875, %mul3A_2873 : vector<16xf32>
    %mul3A_2877 = arith.mulf %sub3A_2858, %sub3A_2876 : vector<16xf32>
    %sub3A_2878 = arith.constant 1.000000e+00 : f32
    %sub3A_2879 = vector.broadcast %sub3A_2878 : f32 to vector<16xf32>
    %sub3A_2880 = arith.subf %sub3A_2879, %mul3A_2877 : vector<16xf32>
    %mul3A_2881 = arith.mulf %sub3A_2858, %sub3A_2880 : vector<16xf32>
    %convert_element_type3A_2882 = arith.sitofp %select_n3A_2855 : vector<16xi32> to vector<16xf32>
    %mul3A_2883 = arith.constant 0.693147182 : f32
    %mul3A_2884 = vector.broadcast %mul3A_2883 : f32 to vector<16xf32>
    %mul3A_2885 = arith.mulf %convert_element_type3A_2882, %mul3A_2884 : vector<16xf32>
    %add3A_2886 = arith.addf %mul3A_2885, %mul3A_2881 : vector<16xf32>
    %get3A_2887 = arith.constant 480 : index
    %get3A_2888 = tpu.vector_load %arg8[%get3A_2887] {strides = array<i32>} : memref<512xi32, #tpu.memory_space<vmem>>, vector<16xi32>,
    %broadcast_in_dim3A_2889 = arith.constant 0.000000e+00 : f32
    %broadcast_in_dim3A_2890 = vector.broadcast %broadcast_in_dim3A_2889 : f32 to vector<16xf32>
    %eq3A_2891 = arith.constant 1 : i32
    %eq3A_2892 = vector.broadcast %eq3A_2891 : i32 to vector<16xi32>
    %eq3A_2893 = arith.cmpi eq, %get3A_2888, %eq3A_2892 : vector<16xi32>
    %neg3A_2894 = arith.constant 0.000000e+00 : f32
    %neg3A_2895 = vector.broadcast %neg3A_2894 : f32 to vector<16xf32>
    %neg3A_2896 = arith.subf %neg3A_2895, %sub3A_2823 : vector<16xf32>
    %select_n3A_2897 = arith.select %eq3A_2893, %broadcast_in_dim3A_2890, %neg3A_2896 : vector<16xi1>, vector<16xf32>
    %sub3A_2898 = arith.subf %select_n3A_2897, %add3A_2886 : vector<16xf32>
    %sub3A_2899 = arith.constant 0.105360515 : f32
    %sub3A_2900 = vector.broadcast %sub3A_2899 : f32 to vector<16xf32>
    %sub3A_2901 = arith.subf %sub3A_2898, %sub3A_2900 : vector<16xf32>
    %broadcast_in_dim3A_2902 = arith.constant -2.30258512 : f32
    %broadcast_in_dim3A_2903 = vector.broadcast %broadcast_in_dim3A_2902 : f32 to vector<16xf32>
    %eq3A_2904 = arith.constant 0 : i32
    %eq3A_2905 = vector.broadcast %eq3A_2904 : i32 to vector<16xi32>
    %eq3A_2906 = arith.cmpi eq, %get3A_2888, %eq3A_2905 : vector<16xi32>
    %select_n3A_2907 = arith.select %eq3A_2906, %broadcast_in_dim3A_2903, %sub3A_2901 : vector<16xi1>, vector<16xf32>
    %swap3A_2908 = arith.constant 480 : index
    %swap3A_2909 = tpu.vector_load %arg9[%swap3A_2908] {strides = array<i32>} : memref<512xf32, #tpu.memory_space<vmem>>, vector<16xf32>,
    tpu.vector_store %arg9[%swap3A_2908], %select_n3A_2907 {strides = array<i32>} : memref<512xf32, #tpu.memory_space<vmem>>, vector<16xf32>,
    %get3A_2910 = arith.constant 880 : index
    %get3A_2911 = tpu.vector_load %arg7[%get3A_2910] {strides = array<i32>} : memref<1024xf32, #tpu.memory_space<vmem>>, vector<16xf32>,
    %get3A_2912 = arith.constant 1008 : index
    %get3A_2913 = tpu.vector_load %arg7[%get3A_2912] {strides = array<i32>} : memref<1024xf32, #tpu.memory_space<vmem>>, vector<16xf32>,
    %sub3A_2914 = arith.subf %get3A_2911, %get3A_2913 : vector<16xf32>
    %neg3A_2915 = arith.constant 0.000000e+00 : f32
    %neg3A_2916 = vector.broadcast %neg3A_2915 : f32 to vector<16xf32>
    %neg3A_2917 = arith.subf %neg3A_2916, %sub3A_2914 : vector<16xf32>
    %exp3A_2918 = math.exp %neg3A_2917 : vector<16xf32>
    %add3A_2919 = arith.constant 1.000000e+00 : f32
    %add3A_2920 = vector.broadcast %add3A_2919 : f32 to vector<16xf32>
    %add3A_2921 = arith.addf %add3A_2920, %exp3A_2918 : vector<16xf32>
    %bitcast3A_2922 = vector.bitcast %add3A_2921 : vector<16xf32> to vector<16xi32>
    %shift_right_arithmetic3A_2923 = arith.constant 23 : i32
    %shift_right_arithmetic3A_2924 = vector.broadcast %shift_right_arithmetic3A_2923 : i32 to vector<16xi32>
    %shift_right_arithmetic3A_2925 = arith.shrsi %bitcast3A_2922, %shift_right_arithmetic3A_2924 : vector<16xi32>
    %sub3A_2926 = arith.constant 127 : i32
    %sub3A_2927 = vector.broadcast %sub3A_2926 : i32 to vector<16xi32>
    %sub3A_2928 = arith.subi %shift_right_arithmetic3A_2925, %sub3A_2927 : vector<16xi32>
    %and3A_2929 = arith.constant 8388607 : i32
    %and3A_2930 = vector.broadcast %and3A_2929 : i32 to vector<16xi32>
    %and3A_2931 = arith.andi %bitcast3A_2922, %and3A_2930 : vector<16xi32>
    %or3A_2932 = arith.constant 1065353216 : i32
    %or3A_2933 = vector.broadcast %or3A_2932 : i32 to vector<16xi32>
    %or3A_2934 = arith.ori %and3A_2931, %or3A_2933 : vector<16xi32>
    %bitcast3A_2935 = vector.bitcast %or3A_2934 : vector<16xi32> to vector<16xf32>
    %gt3A_2936 = arith.constant 1.41421354 : f32
    %gt3A_2937 = vector.broadcast %gt3A_2936 : f32 to vector<16xf32>
    %gt3A_2938 = arith.cmpf ogt, %bitcast3A_2935, %gt3A_2937 : vector<16xf32>
    %mul3A_2939 = arith.constant 5.000000e-01 : f32
    %mul3A_2940 = vector.broadcast %mul3A_2939 : f32 to vector<16xf32>
    %mul3A_2941 = arith.mulf %bitcast3A_2935, %mul3A_2940 : vector<16xf32>
    %select_n3A_2942 = arith.select %gt3A_2938, %mul3A_2941, %bitcast3A_2935 : vector<16xi1>, vector<16xf32>
    %add3A_2943 = arith.constant 1 : i32
    %add3A_2944 = vector.broadcast %add3A_2943 : i32 to vector<16xi32>
    %add3A_2945 = arith.addi %sub3A_2928, %add3A_2944 : vector<16xi32>
    %select_n3A_2946 = arith.select %gt3A_2938, %add3A_2945, %sub3A_2928 : vector<16xi1>, vector<16xi32>
    %sub3A_2947 = arith.constant 1.000000e+00 : f32
    %sub3A_2948 = vector.broadcast %sub3A_2947 : f32 to vector<16xf32>
    %sub3A_2949 = arith.subf %select_n3A_2942, %sub3A_2948 : vector<16xf32>
    %mul3A_2950 = arith.constant 0.166666672 : f32
    %mul3A_2951 = vector.broadcast %mul3A_2950 : f32 to vector<16xf32>
    %mul3A_2952 = arith.mulf %sub3A_2949, %mul3A_2951 : vector<16xf32>
    %sub3A_2953 = arith.constant 2.000000e-01 : f32
    %sub3A_2954 = vector.broadcast %sub3A_2953 : f32 to vector<16xf32>
    %sub3A_2955 = arith.subf %sub3A_2954, %mul3A_2952 : vector<16xf32>
    %mul3A_2956 = arith.mulf %sub3A_2949, %sub3A_2955 : vector<16xf32>
    %sub3A_2957 = arith.constant 2.500000e-01 : f32
    %sub3A_2958 = vector.broadcast %sub3A_2957 : f32 to vector<16xf32>
    %sub3A_2959 = arith.subf %sub3A_2958, %mul3A_2956 : vector<16xf32>
    %mul3A_2960 = arith.mulf %sub3A_2949, %sub3A_2959 : vector<16xf32>
    %sub3A_2961 = arith.constant 0.333333343 : f32
    %sub3A_2962 = vector.broadcast %sub3A_2961 : f32 to vector<16xf32>
    %sub3A_2963 = arith.subf %sub3A_2962, %mul3A_2960 : vector<16xf32>
    %mul3A_2964 = arith.mulf %sub3A_2949, %sub3A_2963 : vector<16xf32>
    %sub3A_2965 = arith.constant 5.000000e-01 : f32
    %sub3A_2966 = vector.broadcast %sub3A_2965 : f32 to vector<16xf32>
    %sub3A_2967 = arith.subf %sub3A_2966, %mul3A_2964 : vector<16xf32>
    %mul3A_2968 = arith.mulf %sub3A_2949, %sub3A_2967 : vector<16xf32>
    %sub3A_2969 = arith.constant 1.000000e+00 : f32
    %sub3A_2970 = vector.broadcast %sub3A_2969 : f32 to vector<16xf32>
    %sub3A_2971 = arith.subf %sub3A_2970, %mul3A_2968 : vector<16xf32>
    %mul3A_2972 = arith.mulf %sub3A_2949, %sub3A_2971 : vector<16xf32>
    %convert_element_type3A_2973 = arith.sitofp %select_n3A_2946 : vector<16xi32> to vector<16xf32>
    %mul3A_2974 = arith.constant 0.693147182 : f32
    %mul3A_2975 = vector.broadcast %mul3A_2974 : f32 to vector<16xf32>
    %mul3A_2976 = arith.mulf %convert_element_type3A_2973, %mul3A_2975 : vector<16xf32>
    %add3A_2977 = arith.addf %mul3A_2976, %mul3A_2972 : vector<16xf32>
    %get3A_2978 = arith.constant 496 : index
    %get3A_2979 = tpu.vector_load %arg8[%get3A_2978] {strides = array<i32>} : memref<512xi32, #tpu.memory_space<vmem>>, vector<16xi32>,
    %broadcast_in_dim3A_2980 = arith.constant 0.000000e+00 : f32
    %broadcast_in_dim3A_2981 = vector.broadcast %broadcast_in_dim3A_2980 : f32 to vector<16xf32>
    %eq3A_2982 = arith.constant 1 : i32
    %eq3A_2983 = vector.broadcast %eq3A_2982 : i32 to vector<16xi32>
    %eq3A_2984 = arith.cmpi eq, %get3A_2979, %eq3A_2983 : vector<16xi32>
    %neg3A_2985 = arith.constant 0.000000e+00 : f32
    %neg3A_2986 = vector.broadcast %neg3A_2985 : f32 to vector<16xf32>
    %neg3A_2987 = arith.subf %neg3A_2986, %sub3A_2914 : vector<16xf32>
    %select_n3A_2988 = arith.select %eq3A_2984, %broadcast_in_dim3A_2981, %neg3A_2987 : vector<16xi1>, vector<16xf32>
    %sub3A_2989 = arith.subf %select_n3A_2988, %add3A_2977 : vector<16xf32>
    %sub3A_2990 = arith.constant 0.105360515 : f32
    %sub3A_2991 = vector.broadcast %sub3A_2990 : f32 to vector<16xf32>
    %sub3A_2992 = arith.subf %sub3A_2989, %sub3A_2991 : vector<16xf32>
    %broadcast_in_dim3A_2993 = arith.constant -2.30258512 : f32
    %broadcast_in_dim3A_2994 = vector.broadcast %broadcast_in_dim3A_2993 : f32 to vector<16xf32>
    %eq3A_2995 = arith.constant 0 : i32
    %eq3A_2996 = vector.broadcast %eq3A_2995 : i32 to vector<16xi32>
    %eq3A_2997 = arith.cmpi eq, %get3A_2979, %eq3A_2996 : vector<16xi32>
    %select_n3A_2998 = arith.select %eq3A_2997, %broadcast_in_dim3A_2994, %sub3A_2992 : vector<16xi1>, vector<16xf32>
    %swap3A_2999 = arith.constant 496 : index
    %swap3A_3000 = tpu.vector_load %arg9[%swap3A_2999] {strides = array<i32>} : memref<512xf32, #tpu.memory_space<vmem>>, vector<16xf32>,
    tpu.vector_store %arg9[%swap3A_2999], %select_n3A_2998 {strides = array<i32>} : memref<512xf32, #tpu.memory_space<vmem>>, vector<16xf32>,
    "tpu.region"() ({
      %run_scoped3A = tpu.sem_alloc : memref<!tpu.dma_semaphore, #tpu.memory_space<semaphore_mem>>
      %dma_start3A_3001 = tpu.memref_slice %arg5[%mul3A_2] : memref<16384xf32, #tpu.memory_space<hbm>> -> memref<512xf32, #tpu.memory_space<hbm>>
      %dma_start3A_3002 = tpu.memref_slice %arg5[%mul3A_2] : memref<16384xf32, #tpu.memory_space<hbm>> -> memref<512xf32, #tpu.memory_space<hbm>>
      tpu.enqueue_dma source(%arg9 : memref<512xf32, #tpu.memory_space<vmem>>) target(%dma_start3A_3002 : memref<512xf32, #tpu.memory_space<hbm>>) target_semaphore(%run_scoped3A : memref<!tpu.dma_semaphore, #tpu.memory_space<semaphore_mem>>)
      %dma_wait3A_3003 = tpu.memref_slice %arg5[%mul3A_2] : memref<16384xf32, #tpu.memory_space<hbm>> -> memref<512xf32, #tpu.memory_space<hbm>>
      %dma_wait3A_3004 = tpu.memref_slice %arg5[%mul3A_2] : memref<16384xf32, #tpu.memory_space<hbm>> -> memref<512xf32, #tpu.memory_space<hbm>>
      tpu.wait_dma2 semaphore(%run_scoped3A : memref<!tpu.dma_semaphore, #tpu.memory_space<semaphore_mem>>) src(%arg9 : memref<512xf32, #tpu.memory_space<vmem>>) dst(%dma_wait3A_3004 : memref<512xf32, #tpu.memory_space<hbm>>)
      tpu.yield
    }) : () -> ()
    return
  }
}

</mosaic_0001>

<sc_bundles>
// kernel: kernel.3.cloned.1.call-start
scs
__scs_entry_jumppad:
0x0: {  	(pc) =	sbr.rel $0x88, $3  }
0x1: {  	(tag) =	ssettag $0x0;
	lr =	simm.s32 $0x1  }
0x2: {  	[smem:$0x3F9E] =	sst lr;
	_ =	strace $0xD0000000  }
0x3: {  	_ = 	snop  }
0x4: {  	_ = 	snop  }
0x5: {  	_ = 	snop  }
0x6: {  	_ = 	snop  }
0x7: {  	_ = 	snop  }
__scs_overlays_trampoline_lowered:
0x8: {  	[smem:$0x3FAD] =	sst s0  }
0x9: {  	[smem:$0x3FAE] =	sst s1  }
0xa: {  	[smem:$0x3FAF] =	sst s2  }
0xb: {  	[smem:$0x3FB0] =	sst s3  }
0xc: {  	[smem:$0x3FB1] =	sst s4  }
0xd: {  	[smem:$0x3FB2] =	sst s5  }
0xe: {  	[smem:$0x3FB3] =	sst s6  }
0xf: {  	[smem:$0x3FB4] =	sst s7  }
0x10: {  	[smem:$0x3FB5] =	sst s8  }
0x11: {  	[smem:$0x3FB6] =	sst s9;
	s0 =	simm.s32 @!p0 $0x0  }
0x12: {  	s1 =	sld [smem:$0x3F9C];
	s0 =	simm.s32 @p0 $0x1  }
0x13: {  	[smem:$0x3FB7] =	sst s0;
	s0 =	simm.s32 @!p1 $0x0  }
0x14: {  	s2 =	sld [smem:$0x3F9B];
	s0 =	simm.s32 @p1 $0x1  }
0x15: {  	[smem:$0x3FB8] =	sst s0;
	s0 =	simm.s32 @!p2 $0x0  }
0x16: {  	s3 =	sld [smem:$0x3FDB];
	s0 =	simm.s32 @p2 $0x1  }
0x17: {  	s4 =	simm.s32 $0x1BF5;
	[smem:$0x3FBA] =	sst s0  }
0x18: {  	s0 =	sld [smem:$0x3F9D];
	_ =	swait.ge [sflag:s4], $0x0  }
0x19: {  	s7 =	sld [smem:$0x3F9E]  }
0x1a: {  	s8 =	sadd.s32 $0xFFFFE003, lr  }
0x1b: {  	s9 =	sadd.s32 $0xFFFFFEF7, lr;
	s5 =	simm.s32 $0xFFFFFFFF;
	p2 =	slt.u32 s8, $0xFFFFF086  }
0x1c: {  	p1 =	slt.u32 s9, $0xF7A;
	s5 =	simm.s32 @!p2 $0x0  }
0x1d: {  	s5 =	simm.s32 @p1 $0x1;
	p0 =	seq.s32 s7, s2  }
0x1e: {  	s7 =	smul.u32 @!p0 $0xF7A, s2;
	p2 =	seq.s32 @!p0 s5, $0x0  }
0x1f: {  	s9 =	smul.u32 $0xF7A, s1;
	s8 =	simm.s32 @!p0 $0x1BF5;
	p2 =	por !p2, p0  }
0x20: {  	[sflag:s8] =	ssyncset.s32 @!p0 $0xFFFFF086;
	s6 =	sadd.s32 @!p0 s3, s7;
	s7 =	simm.s32 @!p0 $0x108  }
0x21: {  	s3 =	sadd.s32 s3, s9;
	s6 =	sadd.s32 @!p0 $0x88, s6;
	s7 =	simm.s32 @p2 $0x1082  }
0x22: {  	[simem:s7], [sflag:s8] =	dma.local @!p0 [hbm:s6], $0xF7A  }
0x23: {  	s9 =	sor.u32 $0xD0000000, s2;
	s6 =	simm.s32 $0x108;
	_ =	swait.ge @!p0 [sflag:s8], $0x0  }
0x24: {  	s3 =	sadd.s32 $0x88, s3;
	s6 =	simm.s32 @!p1 $0x1082;
	[sflag:s4] =	ssyncset.s32 $0xFFFFF086  }
0x25: {  	[simem:s6], [sflag:s4] =	dma.local [hbm:s3], $0xF7A  }
0x26: {  	[smem:$0x3F9E] =	sst s1;
	(tag) =	ssettag s2;
	_ =	strace s9  }
0x27: {  	s1 =	sld [smem:$0x3FAE]  }
0x28: {  	s2 =	sld [smem:$0x3FAF]  }
0x29: {  	s4 =	sld [smem:$0x3FB1]  }
0x2a: {  	p0 =	seq.s32 s5, $0x0;
	s5 =	sld [smem:$0x3FB2]  }
0x2b: {  	s6 =	sld [smem:$0x3FB3]  }
0x2c: {  	s7 =	sld [smem:$0x3FB4]  }
0x2d: {  	s3 =	simm.s32 $0x108;
	s8 =	sld [smem:$0x3FB5]  }
0x2e: {  	s3 =	simm.s32 @!p0 $0x1082;
	s9 =	sld [smem:$0x3FB6]  }
0x2f: {  	lr =	sadd.s32 s0, s3;
	s0 =	sld [smem:$0x3FAD]  }
0x30: {  	s3 =	sld [smem:$0x3FB0]  }
0x31: {  	[smem:$0x3FB9] =	sst s10  }
0x32: {  	s10 =	sld [smem:$0x3FB7];
	_ =	sdelay $0x3  }
0x33: {  	p0 =	seq.s32 s10, $0x1;
	s10 =	sld [smem:$0x3FB9];
	_ =	sdelay $0x3  }
0x34: {  	[smem:$0x3FB9] =	sst s10  }
0x35: {  	s10 =	sld [smem:$0x3FB8];
	_ =	sdelay $0x3  }
0x36: {  	p1 =	seq.s32 s10, $0x1;
	s10 =	sld [smem:$0x3FB9];
	_ =	sdelay $0x3  }
0x37: {  	[smem:$0x3FB9] =	sst s10  }
0x38: {  	s10 =	sld [smem:$0x3FBA]  }
0x39: {  	_ = 	snop;
	(pc) =	sbr.ind lr, $3  }
0x3a: {  	_ = 	snop  }
0x3b: {  	_ = 	snop  }
0x3c: {  	p2 =	seq.s32 s10, $0x1;
	s10 =	sld [smem:$0x3FB9]  }
0x3d: {  	_ =	shalt  }
0x3e: {  	_ =	shalt  }
0x3f: {  	_ =	shalt  }
0x40: {  	_ =	shalt  }
0x41: {  	_ =	shalt  }
0x42: {  	_ =	shalt  }
0x43: {  	_ =	shalt  }
0x44: {  	_ =	shalt  }
0x45: {  	_ =	shalt  }
0x46: {  	_ =	shalt  }
0x47: {  	_ =	shalt  }
0x48: {  	_ =	shalt  }
0x49: {  	_ =	shalt  }
0x4a: {  	_ =	shalt  }
0x4b: {  	_ =	shalt  }
0x4c: {  	_ =	shalt  }
0x4d: {  	_ =	shalt  }
0x4e: {  	_ =	shalt  }
0x4f: {  	_ =	shalt  }
0x50: {  	_ =	shalt  }
0x51: {  	_ =	shalt  }
0x52: {  	_ =	shalt  }
0x53: {  	_ =	shalt  }
0x54: {  	_ =	shalt  }
0x55: {  	_ =	shalt  }
0x56: {  	_ =	shalt  }
0x57: {  	_ =	shalt  }
0x58: {  	_ =	shalt  }
0x59: {  	_ =	shalt  }
0x5a: {  	_ =	shalt  }
0x5b: {  	_ =	shalt  }
0x5c: {  	_ =	shalt  }
0x5d: {  	_ =	shalt  }
0x5e: {  	_ =	shalt  }
0x5f: {  	_ =	shalt  }
0x60: {  	_ =	shalt  }
0x61: {  	_ =	shalt  }
0x62: {  	_ =	shalt  }
0x63: {  	_ =	shalt  }
0x64: {  	_ =	shalt  }
0x65: {  	_ =	shalt  }
0x66: {  	_ =	shalt  }
0x67: {  	_ =	shalt  }
0x68: {  	_ =	shalt  }
0x69: {  	_ =	shalt  }
0x6a: {  	_ =	shalt  }
0x6b: {  	_ =	shalt  }
0x6c: {  	_ =	shalt  }
0x6d: {  	_ =	shalt  }
0x6e: {  	_ =	shalt  }
0x6f: {  	_ =	shalt  }
0x70: {  	_ =	shalt  }
0x71: {  	_ =	shalt  }
0x72: {  	_ =	shalt  }
0x73: {  	_ =	shalt  }
0x74: {  	_ =	shalt  }
0x75: {  	_ =	shalt  }
0x76: {  	_ =	shalt  }
0x77: {  	_ =	shalt  }
0x78: {  	_ =	shalt  }
0x79: {  	_ =	shalt  }
0x7a: {  	_ =	shalt  }
0x7b: {  	_ =	shalt  }
0x7c: {  	_ =	shalt  }
0x7d: {  	_ =	shalt  }
0x7e: {  	_ =	shalt  }
0x7f: {  	_ =	shalt  }
0x80: {  	_ =	shalt  }
0x81: {  	_ =	shalt  }
0x82: {  	_ =	shalt  }
0x83: {  	_ =	shalt  }
0x84: {  	_ =	shalt  }
0x85: {  	_ =	shalt  }
0x86: {  	_ =	shalt  }
0x87: {  	_ =	shalt  }
.Lfunc_end0:
.L_simem_size_0:
called_computation_lowered:
.L_overlay_start_0:
0x88: {  	s2 =	sld [smem:$0x3FD9]  }
0x89: {  	s3 =	sld [smem:$0x3FFE];
	_ =	sdelay $0x1  }
0x8a: {  	s1 =	srdreg.scid  }
0x8b: {  	s0 =	sand.u32 $0x1, s1  }
0x8c: {  	s17 =	sshll.u32 s0, $0xA;
	s2 =	sadd.s32 s3, s2  }
0x8d: {  	s2 =	sadd.s32 s2, s17  }
0x8e: {  	[smem:$0x3FC5] =	sst s2  }
0x8f: {  	_ = 	snop  }
0x90: {  	s2 =	sld [smem:$0x3FC9]  }
0x91: {  	s18 =	sld [smem:$0x3FC8]  }
0x92: {  	s4 =	sld [smem:$0x3FD0];
	(tm) =	ssettm $0x1  }
0x93: {  	s5 =	sld [smem:$0x3FFB];
	_ =	sdelay $0x3  }
0x94: {  	_ =	strace s5  }
0x95: {  	s5 =	sld [smem:$0x3FFC];
	_ =	sdelay $0x3  }
0x96: {  	_ =	strace s5  }
0x97: {  	s5 =	sld [smem:$0x3FFD];
	_ =	sdelay $0x3  }
0x98: {  	_ =	strace s5  }
0x99: {  	_ =	strace $0x8FFFFFFF  }
0x9a: {  	s19 =	sld [smem:$0x3FDB];
	_ =	sdelay $0x1  }
0x9b: {  	s6 =	simm.s32 $_scs_section_size  }
0x9c: {  	s7 =	simm.s32 $_size__tile_overlayer_lowered;
	s8 =	simm.s32 $_tile_overlayer_lowered  }
0x9d: {  	s22 =	simm.s32 $0x1BFF;
	s21 =	sshll.u32 s8, $0x1;
	s5 =	sadd.s32 s6, s19  }
0x9e: {  	s9 =	simm.s32 $0x0;
	s20 =	sshll.u32 s7, $0x1;
	s7 =	sadd.s32 s21, s5  }
0x9f: {  	[timem:s9], [sflag:s22] =	dma.local [hbm:s7], s20  }
0xa0: {  	_ =	swait.ge [sflag:s22], s20  }
0xa1: {  	s6 =	ssub.s32 $0x0, s20;
	[sflag:s22] =	ssyncset.done $0x0  }
0xa2: {  	[sflag:s22] =	ssyncadd.s32 s6;
	_ =	sdelay $0x1  }
0xa3: {  	s23 =	simm.s32 $0x1B8B  }
0xa4: {  	_ =	swait.ge [sflag:s23], $0x1  }
0xa5: {  	[sflag:s23] =	ssyncset.done $0x0  }
0xa6: {  	s25 =	simm.s32 $0x1B8E;
	s24 =	sld [smem:$0x3FFE];
	[sflag:s23] =	ssyncadd.s32 $0xFFFFFFFF  }
0xa7: {  	s26 =	simm.s32 $execute0_lowered;
	[smem:$0x3FD2] =	sst s25  }
0xa8: {  	s7 =	sshll.u32 s26, $0x1;
	_ =	strace $0x80000046;
	[dreg:$0x1] =	wrdreg $0xFFFFFFFF  }
0xa9: {  	s28 =	simm.s32 $_size_execute0_lowered;
	s5 =	sadd.s32 s5, s7;
	[dreg:$0x0] =	wrdreg $0x0  }
0xaa: {  	s7 =	sshll.u32 s28, $0x1;
	[dreg:$0x2] =	wrdreg s5  }
0xab: {  	[dreg:$0x3] =	wrdreg s7  }
0xac: {  	[dreg:$0x4] =	wrdreg $0xC0  }
0xad: {  	_ =	task [dreg:s9], $0x5FFFF  }
0xae: {  	[dreg:$0x1] =	wrdreg $0xFFFFFFFF  }
0xaf: {  	[dreg:$0x0] =	wrdreg $0x60  }
0xb0: {  	[dreg:$0x2] =	wrdreg s24  }
0xb1: {  	[dreg:$0x3] =	wrdreg s2  }
0xb2: {  	[dreg:$0x4] =	wrdreg s18  }
0xb3: {  	[dreg:$0x5] =	wrdreg s4  }
0xb4: {  	[dreg:$0x6] =	wrdreg $0x9  }
0xb5: {  	_ =	task.clear_ibuf [dreg:s9], $0x7FFFF;
	_ =	strace $0x90000046  }
0xb6: {  	s29 =	simm.s32 $0x9;
	_ =	strace $0x80000048  }
0xb7: {  	_ =	swait.ge [sflag:s29], $0x1  }
0xb8: {  	[sflag:s29] =	ssyncadd.s32 $0xFFFFFFFF  }
0xb9: {  	_ =	strace $0x90000048  }
0xba: {  	_ =	sfence  }
0xbb: {  	s30 =	sld [smem:$0x0];
	_ =	sdelay $0x2  }
0xbc: {  	s31 =	sshll.u32 s1, $0xD;
	s1 =	sshrl.u32 s1, $0x2  }
0xbd: {  	s3 =	sand.u32 $0x4000, s31;
	s1 =	sadd.s32 s1, s30  }
0xbe: {  	s0 =	sor.u32 s3, s0;
	s1 =	sshll.u32 s1, $0x11  }
0xbf: {  	s0 =	sor.u32 s1, s0  }
0xc0: {  	s0 =	sadd.s32 $0x8F2B, s0  }
0xc1: {  	[sflag:s0] =	ssyncadd.remote.s32 $0x1  }
0xc2: {  	_ =	sfence.sel $0xFFFF  }
0xc3: {  	[dreg:$0x0] =	wrdreg $0xFFFFFFFF;
	(pc) =	sbr.abs _section_cstart, $3  }
0xc4: {  	[dreg:$0x1] =	wrdreg $0xFFFFFFFF  }
0xc5: {  	_ =	task.clear_ibuf [dreg:s9], $0x2FFFF;
	_ =	strace $0x9FFFFFFF  }
0xc6: {  	(tm) =	ssettm $0x7FFFFFFF  }
0xc7: {  	_ =	shalt  }
tec
execute0_lowered:
.L_overlay_start_1:
0x0: {  	(tag) =	ssettag $0x1  }
0x1: {  	s3 =	rddreg [dreg:$0x0]  }
0x2: {  	s5 =	rddreg [dreg:$0x1]  }
0x3: {  	s4 =	rddreg [dreg:$0x2]  }
0x4: {  	s6 =	rddreg [dreg:$0x3]  }
0x5: {  	s0 =	rddreg [dreg:$0x4];
	s2 =	simm.s32 $0x0;
	s7 =	srdreg.scid  }
0x6: {  	s1 =	stileid.u32;
	s11 =	simm.s32 $0x400;
	s12 =	simm.s32 $0x480  }
0x7: {  	s13 =	simm.s32 $0x100;
	s14 =	simm.s32 $0x500;
	s15 =	simm.s32 $0x180  }
0x8: {  	s16 =	simm.s32 $0x580;
	s17 =	simm.s32 $0x200;
	s18 =	simm.s32 $0x600  }
0x9: {  	s19 =	simm.s32 $0x280;
	s20 =	simm.s32 $0x680;
	s21 =	simm.s32 $0x300  }
0xa: {  	s22 =	simm.s32 $0x700;
	s23 =	simm.s32 $0x380;
	s24 =	simm.s32 $0x780  }
0xb: {  	s25 =	simm.s32 $0x2;
	s26 =	simm.s32 $0x1;
	s28 =	simm.s32 $0xA00  }
0xc: {  	[smem:$0x7FF] =	sst s2;
	s7 =	sand.u32 $0x1, s7;
	s9 =	sshll.u32 s1, $0x1  }
0xd: {  	s3 =	sadd.s32 $0x400, s3;
	s8 =	ssub.s32 $0x2, s7;
	s7 =	sor.u32 s7, s9  }
0xe: {  	_ =	strace $0x80000047;
	s10 =	sshrl.u32 s8, $0x1;
	s9 =	sshll.u32 s7, $0x6  }
0xf: {  	s7 =	sshll.u32 s7, $0x7;
	s8 =	ssub.s32 s8, s10;
	s4 =	sadd.s32 s4, s9  }
0x10: {  	s5 =	sadd.s32 s5, s7;
	s6 =	sadd.s32 s6, s9;
	s9 =	simm.s32 $0x3  }
0x11: {  	v0 =	vimm.s32 $0xFFFFFF81;
	s10 =	simm.s32 $0x80;
	s7 =	smax.u32 s8, $0x1;
	s8 =	simm.s32 $0x800  }
.LBB2_1:
0x12: {  	[tilespmem:s8], [sflag:$0x2] =	stream.linear.gather [hbm4b:s4+s2], $0x200, $0x38;
	[tilespmem:$0xC00] =	vst v63  }
0x13: {  	_ = 	snop  }
0x14: {  	[tilespmem:s2], [sflag:$0x3] =	stream.linear.gather [hbm4b:s5+s2], $0x400, $0x38;
	[tilespmem:$0xC00] =	vst v63  }
0x15: {  	_ =	swait.ge [sflag:s9], $0x400  }
0x16: {  	[sflag:s9] =	ssyncset.done $0x0  }
0x17: {  	[sflag:s9] =	ssyncadd.s32 $0xFFFFFC00  }
0x18: {  	[tilespmem:s11], [sflag:$0x1] =	stream.indirect.gather [hbm4b:s3+s10], $0x1, s2, s10, $0xb8;
	[tilespmem:$0xC00] =	vst v63  }
0x19: {  	_ = 	snop  }
0x1a: {  	[tilespmem:s12], [sflag:$0x1] =	stream.indirect.gather [hbm4b:s3+s10], $0x1, s10, s10, $0xb8;
	[tilespmem:$0xC00] =	vst v63  }
0x1b: {  	_ = 	snop  }
0x1c: {  	[tilespmem:s14], [sflag:$0x1] =	stream.indirect.gather [hbm4b:s3+s10], $0x1, s13, s10, $0xb8;
	[tilespmem:$0xC00] =	vst v63  }
0x1d: {  	_ = 	snop  }
0x1e: {  	[tilespmem:s16], [sflag:$0x1] =	stream.indirect.gather [hbm4b:s3+s10], $0x1, s15, s10, $0xb8;
	[tilespmem:$0xC00] =	vst v63  }
0x1f: {  	_ = 	snop  }
0x20: {  	[tilespmem:s18], [sflag:$0x1] =	stream.indirect.gather [hbm4b:s3+s10], $0x1, s17, s10, $0xb8;
	[tilespmem:$0xC00] =	vst v63  }
0x21: {  	_ = 	snop  }
0x22: {  	[tilespmem:s20], [sflag:$0x1] =	stream.indirect.gather [hbm4b:s3+s10], $0x1, s19, s10, $0xb8;
	[tilespmem:$0xC00] =	vst v63  }
0x23: {  	_ = 	snop  }
0x24: {  	[tilespmem:s22], [sflag:$0x1] =	stream.indirect.gather [hbm4b:s3+s10], $0x1, s21, s10, $0xb8;
	[tilespmem:$0xC00] =	vst v63  }
0x25: {  	_ = 	snop  }
0x26: {  	[tilespmem:s24], [sflag:$0x1] =	stream.indirect.gather [hbm4b:s3+s10], $0x1, s23, s10, $0xb8;
	[tilespmem:$0xC00] =	vst v63  }
0x27: {  	_ =	swait.ge [sflag:s25], $0x200  }
0x28: {  	[sflag:s25] =	ssyncset.done $0x0  }
0x29: {  	[sflag:s25] =	ssyncadd.s32 $0xFFFFFE00  }
0x2a: {  	_ =	swait.ge [sflag:s26], $0x80  }
0x2b: {  	[sflag:s26] =	ssyncset.done $0x0  }
0x2c: {  	[sflag:s26] =	ssyncadd.s32 $0xFFFFFF80  }
0x2d: {  	_ =	swait.ge [sflag:s26], $0x80  }
0x2e: {  	[sflag:s26] =	ssyncset.done $0x0  }
0x2f: {  	[sflag:s26] =	ssyncadd.s32 $0xFFFFFF80  }
0x30: {  	v1 =	vld [tilespmem:$0x400]  }
0x31: {  	v2 =	vld [tilespmem:$0x480];
	_ =	sdelay $0x4  }
0x32: {  	v1 =	vsub.f32 v2, v1;
	_ =	sdelay $0x1  }
0x33: {  	v2 =	vadd.f32 $0.0e+00, v1  }
0x34: {  	v3 =	vld [tilespmem:$0x410]  }
0x35: {  	v4 =	vld [tilespmem:$0x490];
	v1 =	vmul.f32 $1.442695020e+00, v2;
	_ =	sdelay $0x1  }
0x36: {  	(erf) = vpow2.f32 v1;
	_ =	sdelay $0x2  }
0x37: {  	v1 =	vsub.f32 v4, v3  }
0x38: {  	v3 =	vld [tilespmem:$0x420]  }
0x39: {  	v4 =	vadd.f32 $0.0e+00, v1;
	v1 =	vld [tilespmem:$0x4A0];
	_ =	sdelay $0x1  }
0x3a: {  	v5 =	vmul.f32 $1.442695020e+00, v4;
	_ =	sdelay $0x1  }
0x3b: {  	(erf) = vpow2.f32 v5;
	v6 =	vpop (erf)  }
0x3c: {  	v1 =	vsub.f32 v1, v3;
	v6 =	vadd.f32 $1.000000000e+00, v6;
	_ =	sdelay $0x1  }
0x3d: {  	v7 =	vadd.f32 $0.0e+00, v1;
	v3 =	vand.u32 $0x7FFFFF, v6  }
0x3e: {  	v3 =	vor.u32 $0x3F800000, v3  }
0x3f: {  	v35 =	vmul.f32 $1.442695020e+00, v7;
	v1 =	vmul.f32 $5.000000000e-01, v3  }
0x40: {  	vm2 =	vgt.f32 v3, $1.414213540e+00  }
0x41: {  	(erf) = vpow2.f32 v35;
	v1 =	vsel vm2, v1, v3  }
0x42: {  	v3 =	vadd.f32 $-1.000000000e+00, v1  }
0x43: {  	v36 =	vpop (erf)  }
0x44: {  	v8 =	vld [tilespmem:$0x430];
	v5 =	vadd.f32 $1.000000000e+00, v36;
	v1 =	vmul.f32 $1.666666720e-01, v3  }
0x45: {  	v9 =	vld [tilespmem:$0x4B0]  }
0x46: {  	v10 =	vand.u32 $0x7FFFFF, v5;
	v1 =	vsub.f32 $2.000000030e-01, v1  }
0x47: {  	v10 =	vor.u32 $0x3F800000, v10  }
0x48: {  	v11 =	vmul.f32 $5.000000000e-01, v10;
	v1 =	vmul.f32 v1, v3  }
0x49: {  	vm0 =	vgt.f32 v10, $1.414213540e+00  }
0x4a: {  	v8 =	vsub.f32 v9, v8;
	v10 =	vsel vm0, v11, v10;
	v37 =	vpop (erf);
	v1 =	vsub.f32 $2.500000000e-01, v1  }
0x4b: {  	v10 =	vadd.f32 $-1.000000000e+00, v10;
	v11 =	vadd.f32 $1.000000000e+00, v37  }
0x4c: {  	v38 =	vmul.f32 v1, v3;
	v1 =	vadd.f32 $0.0e+00, v8  }
0x4d: {  	v40 =	vmul.f32 $1.666666720e-01, v10;
	v12 =	vand.u32 $0x7FFFFF, v11  }
0x4e: {  	v42 =	vld [tilespmem:$0x800];
	v12 =	vor.u32 $0x3F800000, v12;
	v39 =	vsub.f32 $3.333333430e-01, v38;
	v13 =	vmul.f32 $1.442695020e+00, v1  }
0x4f: {  	v14 =	vmul.f32 $5.000000000e-01, v12  }
0x50: {  	v19 =	vld [tilespmem:$0x810];
	v9 =	vsub.f32 $2.000000030e-01, v40;
	v8 =	vmul.f32 v39, v3;
	(erf) = vpow2.f32 v13  }
0x51: {  	v20 =	vld [tilespmem:$0x470];
	vm1 =	vgt.f32 v12, $1.414213540e+00  }
0x52: {  	v61 =	vld [tilespmem:$0x4F0];
	v9 =	vmul.f32 v9, v10;
	v12 =	vsel vm1, v14, v12;
	v8 =	vsub.f32 $5.000000000e-01, v8  }
0x53: {  	vm4 =	veq.s32 v42, $0x1;
	v6 =	vshra.s32 v6, $0x17;
	v12 =	vadd.f32 $-1.000000000e+00, v12  }
0x54: {  	v21 =	vld [tilespmem:$0x820];
	v41 =	vsel vm2, $0xFFFFFF82, v0;
	v9 =	vsub.f32 $2.500000000e-01, v9;
	v8 =	vmul.f32 v8, v3  }
0x55: {  	v15 =	vld [tilespmem:$0x440];
	vm6 =	veq.s32 v19, $0x1;
	v6 =	vadd.s32 v6, v41;
	v43 =	vmul.f32 $1.666666720e-01, v12  }
0x56: {  	v45 =	vld [tilespmem:$0x4C0];
	v6 =	vcvt.s32.f32 v6;
	v9 =	vmul.f32 v9, v10;
	v8 =	vsub.f32 $1.000000000e+00, v8  }
0x57: {  	vm7 =	veq.s32 v42, $0x0;
	v23 =	vsub.f32 v61, v20;
	v14 =	vsub.f32 $2.000000030e-01, v43  }
0x58: {  	v6 =	vmul.f32 $6.931471820e-01, v6;
	v44 =	vsub.f32 $3.333333430e-01, v9;
	v3 =	vmul.f32 v8, v3  }
0x59: {  	vm8 =	veq.s32 v21, $0x1;
	v2 =	vsel vm4, $0x0, v2;
	v14 =	vmul.f32 v14, v12;
	v47 =	vpop (erf)  }
0x5a: {  	v46 =	vmul.f32 v44, v10;
	v3 =	vadd.f32 v3, v6;
	v8 =	vadd.f32 $1.000000000e+00, v47  }
0x5b: {  	v5 =	vshra.s32 v5, $0x17;
	v9 =	vsub.f32 v45, v15;
	v14 =	vsub.f32 $2.500000000e-01, v14  }
0x5c: {  	v2 =	vsub.f32 v2, v3;
	v3 =	vsub.f32 $5.000000000e-01, v46;
	v49 =	vand.u32 $0x7FFFFF, v8  }
0x5d: {  	v17 =	vld [tilespmem:$0x450];
	v50 =	vsel vm0, $0xFFFFFF82, v0;
	v48 =	vmul.f32 v14, v12;
	v14 =	vor.u32 $0x3F800000, v49  }
0x5e: {  	v51 =	vld [tilespmem:$0x4D0];
	v16 =	vmul.f32 v3, v10;
	v18 =	vmul.f32 $5.000000000e-01, v14;
	v3 =	vadd.f32 $0.0e+00, v9  }
0x5f: {  	vm9 =	veq.s32 v19, $0x0;
	v5 =	vadd.s32 v5, v50;
	vm5 =	vgt.f32 v14, $1.414213540e+00  }
0x60: {  	v6 =	vsub.f32 $3.333333430e-01, v48;
	v14 =	vsel vm5, v18, v14;
	v53 =	vmul.f32 $1.442695020e+00, v3  }
0x61: {  	v54 =	vadd.f32 $-1.053605150e-01, v2;
	v2 =	vcvt.s32.f32 v5;
	v14 =	vadd.f32 $-1.000000000e+00, v14  }
0x62: {  	v56 =	vld [tilespmem:$0x460];
	vm11 =	veq.s32 v21, $0x0;
	v6 =	vmul.f32 v6, v12;
	(erf) = vpow2.f32 v53  }
0x63: {  	v58 =	vld [tilespmem:$0x4E0];
	v9 =	vsub.f32 v51, v17;
	v57 =	vmul.f32 $6.931471820e-01, v2;
	v2 =	vmul.f32 $1.666666720e-01, v14  }
0x64: {  	v4 =	vsel vm6, $0x0, v4;
	v6 =	vsub.f32 $5.000000000e-01, v6;
	v52 =	vsub.f32 $1.000000000e+00, v16  }
0x65: {  	v7 =	vsel vm8, $0x0, v7;
	v60 =	vsub.f32 $2.000000030e-01, v2;
	v2 =	vadd.f32 $0.0e+00, v9  }
0x66: {  	v11 =	vshra.s32 v11, $0x17;
	v59 =	vsel vm1, $0xFFFFFF82, v0;
	v6 =	vmul.f32 v6, v12  }
0x67: {  	v11 =	vadd.s32 v11, v59;
	v55 =	vmul.f32 v52, v10;
	v63 =	vmul.f32 $1.442695020e+00, v2  }
0x68: {  	v11 =	vcvt.s32.f32 v11;
	v44 =	vld [tilespmem:$0x830];
	v10 =	vsub.f32 v58, v56;
	v62 =	vmul.f32 v60, v14  }
0x69: {  	v6 =	vsub.f32 $1.000000000e+00, v6;
	v5 =	vadd.f32 v55, v57;
	(erf) = vpow2.f32 v63  }
0x6a: {  	v11 =	vmul.f32 $6.931471820e-01, v11;
	v27 =	vadd.f32 $0.0e+00, v10;
	v15 =	vsub.f32 $2.500000000e-01, v62  }
0x6b: {  	v6 =	vmul.f32 v6, v12;
	v22 =	vsub.f32 v4, v5;
	v4 =	vadd.f32 $0.0e+00, v23;
	v26 =	vpop (erf)  }
0x6c: {  	v30 =	vmul.f32 $1.442695020e+00, v27;
	v25 =	vmul.f32 v15, v14;
	v29 =	vadd.f32 $1.000000000e+00, v26  }
0x6d: {  	vm4 =	veq.s32 v44, $0x1;
	v24 =	vadd.f32 v6, v11;
	v32 =	vmul.f32 $1.442695020e+00, v4  }
0x6e: {  	(erf) = vpow2.f32 v30;
	v11 =	vsub.f32 $3.333333430e-01, v25;
	v31 =	vand.u32 $0x7FFFFF, v29  }
0x6f: {  	v61 =	vld [tilespmem:$0x850];
	vm14 =	veq.s32 v44, $0x0;
	(erf) = vpow2.f32 v32;
	v16 =	vor.u32 $0x3F800000, v31  }
0x70: {  	v8 =	vshra.s32 v8, $0x17;
	v11 =	vmul.f32 v11, v14;
	v33 =	vmul.f32 $5.000000000e-01, v16  }
0x71: {  	v1 =	vsel vm4, $0x0, v1;
	v51 =	vld [tilespmem:$0x840];
	v35 =	vsel vm5, $0xFFFFFF82, v0;
	vm10 =	vgt.f32 v16, $1.414213540e+00  }
0x72: {  	v8 =	vadd.s32 v8, v35;
	v11 =	vsub.f32 $5.000000000e-01, v11;
	v9 =	vsel vm10, v33, v16;
	v34 =	vpop (erf)  }
0x73: {  	v8 =	vcvt.s32.f32 v8;
	v9 =	vadd.f32 $-1.000000000e+00, v9;
	v15 =	vadd.f32 $1.000000000e+00, v34  }
0x74: {  	vm4 =	veq.s32 v61, $0x1;
	v28 =	vsel vm7, $0xC0135D8E, v54;
	v11 =	vmul.f32 v11, v14  }
0x75: {  	v8 =	vmul.f32 $6.931471820e-01, v8;
	v36 =	vmul.f32 $1.666666720e-01, v9;
	v37 =	vand.u32 $0x7FFFFF, v15  }
0x76: {  	vm15 =	veq.s32 v51, $0x1;
	v11 =	vsub.f32 $1.000000000e+00, v11;
	v17 =	vor.u32 $0x3F800000, v37  }
0x77: {  	vm7 =	veq.s32 v51, $0x0;
	v40 =	vpop (erf);
	v38 =	vsub.f32 $2.000000030e-01, v36;
	v39 =	vmul.f32 $5.000000000e-01, v17  }
0x78: {  	v41 =	vpop (erf);
	v11 =	vmul.f32 v11, v14;
	vm12 =	vgt.f32 v17, $1.414213540e+00;
	v14 =	vadd.f32 $1.000000000e+00, v40  }
0x79: {  	v12 =	vmul.f32 v38, v9;
	v16 =	vsel vm12, v39, v17;
	v17 =	vadd.f32 $1.000000000e+00, v41  }
0x7a: {  	v3 =	vsel vm15, $0x0, v3;
	v13 =	vadd.f32 $-1.053605150e-01, v22;
	v43 =	vand.u32 $0x7FFFFF, v14  }
0x7b: {  	v42 =	vsub.f32 $2.500000000e-01, v12;
	v12 =	vor.u32 $0x3F800000, v43;
	v46 =	vand.u32 $0x7FFFFF, v17  }
0x7c: {  	v8 =	vadd.f32 v11, v8;
	v21 =	vmul.f32 $5.000000000e-01, v12;
	v20 =	vor.u32 $0x3F800000, v46  }
0x7d: {  	v16 =	vadd.f32 $-1.000000000e+00, v16;
	vm3 =	vgt.f32 v12, $1.414213540e+00;
	v22 =	vmul.f32 $5.000000000e-01, v20  }
0x7e: {  	v23 =	vld [tilespmem:$0x870];
	v11 =	vmul.f32 v42, v9;
	vm13 =	vgt.f32 v20, $1.414213540e+00;
	v12 =	vsel vm3, v21, v12  }
0x7f: {  	v2 =	vsel vm4, $0x0, v2;
	v12 =	vadd.f32 $-1.000000000e+00, v12;
	v20 =	vsel vm13, v22, v20  }
0x80: {  	v45 =	vmul.f32 $1.666666720e-01, v16;
	v11 =	vsub.f32 $3.333333430e-01, v11;
	v20 =	vadd.f32 $-1.000000000e+00, v20  }
0x81: {  	v7 =	vsub.f32 v7, v24;
	v13 =	vsel vm9, $0xC0135D8E, v13;
	v47 =	vmul.f32 $1.666666720e-01, v12  }
0x82: {  	v19 =	vsub.f32 $2.000000030e-01, v45;
	v11 =	vmul.f32 v11, v9;
	v49 =	vmul.f32 $1.666666720e-01, v20  }
0x83: {  	v7 =	vadd.f32 $-1.053605150e-01, v7;
	vm6 =	veq.s32 v23, $0x1;
	v21 =	vsub.f32 $2.000000030e-01, v47  }
0x84: {  	v19 =	vmul.f32 v19, v16;
	v48 =	vsub.f32 $5.000000000e-01, v11;
	v11 =	vsub.f32 $2.000000030e-01, v49  }
0x85: {  	v10 =	vshra.s32 v29, $0x17;
	v50 =	vsel vm10, $0xFFFFFF82, v0;
	v21 =	vmul.f32 v21, v12  }
0x86: {  	v10 =	vadd.s32 v10, v50;
	v19 =	vsub.f32 $2.500000000e-01, v19;
	v11 =	vmul.f32 v11, v20  }
0x87: {  	v10 =	vcvt.s32.f32 v10;
	v1 =	vsub.f32 v1, v8;
	v21 =	vsub.f32 $2.500000000e-01, v21  }
0x88: {  	v19 =	vmul.f32 v19, v16;
	v8 =	vmul.f32 v48, v9;
	v53 =	vsub.f32 $2.500000000e-01, v11  }
0x89: {  	v15 =	vshra.s32 v15, $0x17;
	v59 =	vsel vm12, $0xFFFFFF82, v0;
	v55 =	vmul.f32 v21, v12  }
0x8a: {  	v19 =	vsub.f32 $3.333333430e-01, v19;
	v8 =	vsub.f32 $1.000000000e+00, v8;
	v56 =	vmul.f32 v53, v20  }
0x8b: {  	v52 =	vmul.f32 $6.931471820e-01, v10;
	v60 =	vadd.s32 v15, v59;
	v58 =	vsub.f32 $3.333333430e-01, v55  }
0x8c: {  	v19 =	vmul.f32 v19, v16;
	v8 =	vmul.f32 v8, v9;
	v9 =	vsub.f32 $3.333333430e-01, v56  }
0x8d: {  	v14 =	vshra.s32 v14, $0x17;
	v17 =	vshra.s32 v17, $0x17;
	v11 =	vmul.f32 v58, v12  }
0x8e: {  	v62 =	vsel vm3, $0xFFFFFF82, v0;
	v54 =	vsub.f32 $5.000000000e-01, v19;
	v9 =	vmul.f32 v9, v20  }
0x8f: {  	v14 =	vadd.s32 v14, v62;
	v8 =	vadd.f32 v8, v52;
	v11 =	vsub.f32 $5.000000000e-01, v11  }
0x90: {  	v21 =	vsel vm13, $0xFFFFFF82, v0;
	v57 =	vmul.f32 v54, v16;
	v9 =	vsub.f32 $5.000000000e-01, v9  }
0x91: {  	v17 =	vadd.s32 v17, v21;
	v3 =	vsub.f32 v3, v8;
	v11 =	vmul.f32 v11, v12  }
0x92: {  	v63 =	vld [tilespmem:$0x860];
	v8 =	vcvt.s32.f32 v60;
	v10 =	vsub.f32 $1.000000000e+00, v57;
	v9 =	vmul.f32 v9, v20  }
0x93: {  	v14 =	vcvt.s32.f32 v14;
	v24 =	vcvt.s32.f32 v17;
	v11 =	vsub.f32 $1.000000000e+00, v11  }
0x94: {  	v8 =	vmul.f32 $6.931471820e-01, v8;
	v10 =	vmul.f32 v10, v16;
	v9 =	vsub.f32 $1.000000000e+00, v9  }
0x95: {  	v4 =	vsel vm6, $0x0, v4;
	v25 =	vmul.f32 $6.931471820e-01, v14;
	v11 =	vmul.f32 v11, v12  }
0x96: {  	v8 =	vadd.f32 v10, v8;
	v10 =	vmul.f32 $6.931471820e-01, v24;
	v9 =	vmul.f32 v9, v20  }
0x97: {  	vm5 =	veq.s32 v63, $0x1;
	v1 =	vadd.f32 $-1.053605150e-01, v1;
	v26 =	vadd.f32 v11, v25  }
0x98: {  	[tilespmem:$0xA00] =	vst v28;
	v5 =	vsel vm5, $0x0, v27;
	v2 =	vsub.f32 v2, v8;
	v27 =	vadd.f32 v9, v10  }
0x99: {  	[tilespmem:$0xA10] =	vst v13;
	v7 =	vsel vm11, $0xC0135D8E, v7;
	v3 =	vadd.f32 $-1.053605150e-01, v3;
	v5 =	vsub.f32 v5, v26  }
0x9a: {  	[tilespmem:$0xA20] =	vst v7;
	v1 =	vsel vm14, $0xC0135D8E, v1;
	v2 =	vadd.f32 $-1.053605150e-01, v2;
	v4 =	vsub.f32 v4, v27  }
0x9b: {  	vm8 =	veq.s32 v61, $0x0;
	[tilespmem:$0xA30] =	vst v1;
	v1 =	vsel vm7, $0xC0135D8E, v3;
	v3 =	vadd.f32 $-1.053605150e-01, v5  }
0x9c: {  	vm9 =	veq.s32 v63, $0x0;
	[tilespmem:$0xA40] =	vst v1;
	v1 =	vsel vm8, $0xC0135D8E, v2;
	v2 =	vadd.f32 $-1.053605150e-01, v4  }
0x9d: {  	vm10 =	veq.s32 v23, $0x0;
	[tilespmem:$0xA50] =	vst v1;
	v1 =	vsel vm9, $0xC0135D8E, v3  }
0x9e: {  	[tilespmem:$0xA60] =	vst v1;
	v1 =	vsel vm10, $0xC0135D8E, v2  }
0x9f: {  	[tilespmem:$0xA70] =	vst v1  }
0xa0: {  	_ =	swait.ge [sflag:s26], $0x80  }
0xa1: {  	[sflag:s26] =	ssyncset.done $0x0  }
0xa2: {  	[sflag:s26] =	ssyncadd.s32 $0xFFFFFF80  }
0xa3: {  	_ =	swait.ge [sflag:s26], $0x80  }
0xa4: {  	[sflag:s26] =	ssyncset.done $0x0  }
0xa5: {  	[sflag:s26] =	ssyncadd.s32 $0xFFFFFF80  }
0xa6: {  	v1 =	vld [tilespmem:$0x500]  }
0xa7: {  	v2 =	vld [tilespmem:$0x580];
	_ =	sdelay $0x4  }
0xa8: {  	v1 =	vsub.f32 v2, v1;
	_ =	sdelay $0x1  }
0xa9: {  	v2 =	vadd.f32 $0.0e+00, v1  }
0xaa: {  	v3 =	vld [tilespmem:$0x510]  }
0xab: {  	v28 =	vld [tilespmem:$0x590];
	v1 =	vmul.f32 $1.442695020e+00, v2;
	_ =	sdelay $0x1  }
0xac: {  	(erf) = vpow2.f32 v1;
	_ =	sdelay $0x2  }
0xad: {  	v1 =	vsub.f32 v28, v3  }
0xae: {  	v3 =	vld [tilespmem:$0x520]  }
0xaf: {  	v4 =	vadd.f32 $0.0e+00, v1;
	v1 =	vld [tilespmem:$0x5A0];
	_ =	sdelay $0x1  }
0xb0: {  	v29 =	vmul.f32 $1.442695020e+00, v4;
	_ =	sdelay $0x1  }
0xb1: {  	(erf) = vpow2.f32 v29;
	v30 =	vpop (erf)  }
0xb2: {  	v1 =	vsub.f32 v1, v3;
	v6 =	vadd.f32 $1.000000000e+00, v30;
	_ =	sdelay $0x1  }
0xb3: {  	v7 =	vadd.f32 $0.0e+00, v1;
	v3 =	vand.u32 $0x7FFFFF, v6  }
0xb4: {  	v3 =	vor.u32 $0x3F800000, v3  }
0xb5: {  	v31 =	vmul.f32 $1.442695020e+00, v7;
	v1 =	vmul.f32 $5.000000000e-01, v3  }
0xb6: {  	vm11 =	vgt.f32 v3, $1.414213540e+00  }
0xb7: {  	(erf) = vpow2.f32 v31;
	v1 =	vsel vm11, v1, v3  }
0xb8: {  	v3 =	vadd.f32 $-1.000000000e+00, v1  }
0xb9: {  	v32 =	vpop (erf)  }
0xba: {  	v33 =	vld [tilespmem:$0x530];
	v5 =	vadd.f32 $1.000000000e+00, v32;
	v1 =	vmul.f32 $1.666666720e-01, v3  }
0xbb: {  	v34 =	vld [tilespmem:$0x5B0]  }
0xbc: {  	v35 =	vand.u32 $0x7FFFFF, v5;
	v1 =	vsub.f32 $2.000000030e-01, v1  }
0xbd: {  	v10 =	vor.u32 $0x3F800000, v35  }
0xbe: {  	v36 =	vmul.f32 $5.000000000e-01, v10;
	v1 =	vmul.f32 v1, v3  }
0xbf: {  	vm12 =	vgt.f32 v10, $1.414213540e+00  }
0xc0: {  	v8 =	vsub.f32 v34, v33;
	v10 =	vsel vm12, v36, v10;
	v37 =	vpop (erf);
	v1 =	vsub.f32 $2.500000000e-01, v1  }
0xc1: {  	v10 =	vadd.f32 $-1.000000000e+00, v10;
	v11 =	vadd.f32 $1.000000000e+00, v37  }
0xc2: {  	v38 =	vmul.f32 v1, v3;
	v1 =	vadd.f32 $0.0e+00, v8  }
0xc3: {  	v40 =	vmul.f32 $1.666666720e-01, v10;
	v41 =	vand.u32 $0x7FFFFF, v11  }
0xc4: {  	v45 =	vld [tilespmem:$0x880];
	v12 =	vor.u32 $0x3F800000, v41;
	v39 =	vsub.f32 $3.333333430e-01, v38;
	v42 =	vmul.f32 $1.442695020e+00, v1  }
0xc5: {  	v43 =	vmul.f32 $5.000000000e-01, v12  }
0xc6: {  	v62 =	vld [tilespmem:$0x890];
	v9 =	vsub.f32 $2.000000030e-01, v40;
	v8 =	vmul.f32 v39, v3;
	(erf) = vpow2.f32 v42  }
0xc7: {  	vm13 =	vgt.f32 v12, $1.414213540e+00  }
0xc8: {  	v9 =	vmul.f32 v9, v10;
	v12 =	vsel vm13, v43, v12;
	v8 =	vsub.f32 $5.000000000e-01, v8  }
0xc9: {  	vm14 =	veq.s32 v45, $0x1;
	v6 =	vshra.s32 v6, $0x17;
	v12 =	vadd.f32 $-1.000000000e+00, v12  }
0xca: {  	v33 =	vld [tilespmem:$0x8A0];
	v44 =	vsel vm11, $0xFFFFFF82, v0;
	v9 =	vsub.f32 $2.500000000e-01, v9;
	v8 =	vmul.f32 v8, v3  }
0xcb: {  	v47 =	vld [tilespmem:$0x540];
	vm4 =	veq.s32 v62, $0x1;
	v6 =	vadd.s32 v6, v44;
	v46 =	vmul.f32 $1.666666720e-01, v12  }
0xcc: {  	v49 =	vld [tilespmem:$0x5C0];
	v6 =	vcvt.s32.f32 v6;
	v9 =	vmul.f32 v9, v10;
	v8 =	vsub.f32 $1.000000000e+00, v8  }
0xcd: {  	vm5 =	veq.s32 v45, $0x0;
	vm7 =	veq.s32 v62, $0x0;
	v14 =	vsub.f32 $2.000000030e-01, v46  }
0xce: {  	v6 =	vmul.f32 $6.931471820e-01, v6;
	v48 =	vsub.f32 $3.333333430e-01, v9;
	v3 =	vmul.f32 v8, v3  }
0xcf: {  	v2 =	vsel vm14, $0x0, v2;
	vm6 =	veq.s32 v33, $0x1;
	v14 =	vmul.f32 v14, v12;
	v51 =	vpop (erf)  }
0xd0: {  	v50 =	vmul.f32 v48, v10;
	v3 =	vadd.f32 v3, v6;
	v8 =	vadd.f32 $1.000000000e+00, v51  }
0xd1: {  	v5 =	vshra.s32 v5, $0x17;
	v9 =	vsub.f32 v49, v47;
	v14 =	vsub.f32 $2.500000000e-01, v14  }
0xd2: {  	v56 =	vld [tilespmem:$0x550];
	v2 =	vsub.f32 v2, v3;
	v3 =	vsub.f32 $5.000000000e-01, v50;
	v53 =	vand.u32 $0x7FFFFF, v8  }
0xd3: {  	v58 =	vld [tilespmem:$0x5D0];
	v54 =	vsel vm12, $0xFFFFFF82, v0;
	v52 =	vmul.f32 v14, v12;
	v14 =	vor.u32 $0x3F800000, v53  }
0xd4: {  	v55 =	vmul.f32 v3, v10;
	v57 =	vmul.f32 $5.000000000e-01, v14;
	v3 =	vadd.f32 $0.0e+00, v9  }
0xd5: {  	vm9 =	veq.s32 v33, $0x0;
	v5 =	vadd.s32 v5, v54;
	vm15 =	vgt.f32 v14, $1.414213540e+00  }
0xd6: {  	v28 =	vld [tilespmem:$0x570];
	v6 =	vsub.f32 $3.333333430e-01, v52;
	v14 =	vsel vm15, v57, v14;
	v60 =	vmul.f32 $1.442695020e+00, v3  }
0xd7: {  	v30 =	vld [tilespmem:$0x5F0];
	v61 =	vadd.f32 $-1.053605150e-01, v2;
	v2 =	vcvt.s32.f32 v5;
	v14 =	vadd.f32 $-1.000000000e+00, v14  }
0xd8: {  	v24 =	vld [tilespmem:$0x560];
	v6 =	vmul.f32 v6, v12;
	v9 =	vsub.f32 v58, v56;
	(erf) = vpow2.f32 v60  }
0xd9: {  	v26 =	vld [tilespmem:$0x5E0];
	v59 =	vsub.f32 $1.000000000e+00, v55;
	v25 =	vmul.f32 $6.931471820e-01, v2;
	v2 =	vmul.f32 $1.666666720e-01, v14  }
0xda: {  	v11 =	vshra.s32 v11, $0x17;
	v27 =	vsel vm13, $0xFFFFFF82, v0;
	v6 =	vsub.f32 $5.000000000e-01, v6  }
0xdb: {  	v33 =	vld [tilespmem:$0x8D0];
	v63 =	vmul.f32 v59, v10;
	v29 =	vsub.f32 $2.000000030e-01, v2;
	v2 =	vadd.f32 $0.0e+00, v9  }
0xdc: {  	v4 =	vsel vm4, $0x0, v4;
	v35 =	vsub.f32 v30, v28;
	v11 =	vadd.s32 v11, v27  }
0xdd: {  	v6 =	vmul.f32 v6, v12;
	v5 =	vadd.f32 v63, v25;
	v32 =	vmul.f32 $1.442695020e+00, v2  }
0xde: {  	v11 =	vcvt.s32.f32 v11;
	v10 =	vsub.f32 v26, v24;
	v31 =	vmul.f32 v29, v14  }
0xdf: {  	v6 =	vsub.f32 $1.000000000e+00, v6;
	v34 =	vsub.f32 v4, v5;
	(erf) = vpow2.f32 v32  }
0xe0: {  	vm4 =	veq.s32 v33, $0x1;
	v5 =	vadd.f32 $0.0e+00, v10;
	v15 =	vsub.f32 $2.500000000e-01, v31  }
0xe1: {  	v11 =	vmul.f32 $6.931471820e-01, v11;
	v6 =	vmul.f32 v6, v12;
	v4 =	vadd.f32 $0.0e+00, v35;
	v38 =	vpop (erf)  }
0xe2: {  	v54 =	vld [tilespmem:$0x8B0];
	v40 =	vmul.f32 $1.442695020e+00, v5;
	v37 =	vmul.f32 v15, v14;
	v39 =	vadd.f32 $1.000000000e+00, v38  }
0xe3: {  	v7 =	vsel vm6, $0x0, v7;
	v36 =	vadd.f32 v6, v11;
	v42 =	vmul.f32 $1.442695020e+00, v4  }
0xe4: {  	(erf) = vpow2.f32 v40;
	v11 =	vsub.f32 $3.333333430e-01, v37;
	v41 =	vand.u32 $0x7FFFFF, v39  }
0xe5: {  	v8 =	vshra.s32 v8, $0x17;
	(erf) = vpow2.f32 v42;
	v16 =	vor.u32 $0x3F800000, v41  }
0xe6: {  	v45 =	vsel vm15, $0xFFFFFF82, v0;
	v11 =	vmul.f32 v11, v14;
	v43 =	vmul.f32 $5.000000000e-01, v16  }
0xe7: {  	vm14 =	veq.s32 v54, $0x0;
	v8 =	vadd.s32 v8, v45;
	vm8 =	vgt.f32 v16, $1.414213540e+00  }
0xe8: {  	v8 =	vcvt.s32.f32 v8;
	v11 =	vsub.f32 $5.000000000e-01, v11;
	v9 =	vsel vm8, v43, v16;
	v44 =	vpop (erf)  }
0xe9: {  	vm13 =	veq.s32 v54, $0x1;
	v9 =	vadd.f32 $-1.000000000e+00, v9;
	v15 =	vadd.f32 $1.000000000e+00, v44  }
0xea: {  	v1 =	vsel vm13, $0x0, v1;
	v8 =	vmul.f32 $6.931471820e-01, v8;
	v63 =	vld [tilespmem:$0x8C0];
	v11 =	vmul.f32 v11, v14  }
0xeb: {  	v6 =	vsel vm5, $0xC0135D8E, v61;
	v46 =	vmul.f32 $1.666666720e-01, v9;
	v47 =	vand.u32 $0x7FFFFF, v15  }
0xec: {  	v2 =	vsel vm4, $0x0, v2;
	v11 =	vsub.f32 $1.000000000e+00, v11;
	v17 =	vor.u32 $0x3F800000, v47  }
0xed: {  	v13 =	vadd.f32 $-1.053605150e-01, v34;
	v50 =	vpop (erf);
	v48 =	vsub.f32 $2.000000030e-01, v46;
	v49 =	vmul.f32 $5.000000000e-01, v17  }
0xee: {  	v51 =	vpop (erf);
	v11 =	vmul.f32 v11, v14;
	vm10 =	vgt.f32 v17, $1.414213540e+00;
	v14 =	vadd.f32 $1.000000000e+00, v50  }
0xef: {  	v12 =	vmul.f32 v48, v9;
	v16 =	vsel vm10, v49, v17;
	v17 =	vadd.f32 $1.000000000e+00, v51  }
0xf0: {  	v7 =	vsub.f32 v7, v36;
	vm15 =	veq.s32 v63, $0x1;
	v53 =	vand.u32 $0x7FFFFF, v14  }
0xf1: {  	v52 =	vsub.f32 $2.500000000e-01, v12;
	v12 =	vor.u32 $0x3F800000, v53;
	v56 =	vand.u32 $0x7FFFFF, v17  }
0xf2: {  	v8 =	vadd.f32 v11, v8;
	v57 =	vmul.f32 $5.000000000e-01, v12;
	v20 =	vor.u32 $0x3F800000, v56  }
0xf3: {  	v16 =	vadd.f32 $-1.000000000e+00, v16;
	vm11 =	vgt.f32 v12, $1.414213540e+00;
	v58 =	vmul.f32 $5.000000000e-01, v20  }
0xf4: {  	v35 =	vld [tilespmem:$0x8E0];
	v11 =	vmul.f32 v52, v9;
	vm12 =	vgt.f32 v20, $1.414213540e+00;
	v12 =	vsel vm11, v57, v12  }
0xf5: {  	v13 =	vsel vm7, $0xC0135D8E, v13;
	v12 =	vadd.f32 $-1.000000000e+00, v12;
	v20 =	vsel vm12, v58, v20  }
0xf6: {  	v55 =	vmul.f32 $1.666666720e-01, v16;
	v11 =	vsub.f32 $3.333333430e-01, v11;
	v20 =	vadd.f32 $-1.000000000e+00, v20  }
0xf7: {  	v3 =	vsel vm15, $0x0, v3;
	vm7 =	veq.s32 v63, $0x0;
	v59 =	vmul.f32 $1.666666720e-01, v12  }
0xf8: {  	v19 =	vsub.f32 $2.000000030e-01, v55;
	v11 =	vmul.f32 v11, v9;
	v61 =	vmul.f32 $1.666666720e-01, v20  }
0xf9: {  	v7 =	vadd.f32 $-1.053605150e-01, v7;
	vm5 =	veq.s32 v35, $0x1;
	v21 =	vsub.f32 $2.000000030e-01, v59  }
0xfa: {  	v19 =	vmul.f32 v19, v16;
	v60 =	vsub.f32 $5.000000000e-01, v11;
	v11 =	vsub.f32 $2.000000030e-01, v61  }
0xfb: {  	v10 =	vshra.s32 v39, $0x17;
	v62 =	vsel vm8, $0xFFFFFF82, v0;
	v21 =	vmul.f32 v21, v12  }
0xfc: {  	v10 =	vadd.s32 v10, v62;
	v19 =	vsub.f32 $2.500000000e-01, v19;
	v11 =	vmul.f32 v11, v20  }
0xfd: {  	v10 =	vcvt.s32.f32 v10;
	v1 =	vsub.f32 v1, v8;
	v21 =	vsub.f32 $2.500000000e-01, v21  }
0xfe: {  	v19 =	vmul.f32 v19, v16;
	v8 =	vmul.f32 v60, v9;
	v25 =	vsub.f32 $2.500000000e-01, v11  }
0xff: {  	v15 =	vshra.s32 v15, $0x17;
	v31 =	vsel vm10, $0xFFFFFF82, v0;
	v27 =	vmul.f32 v21, v12  }
0x100: {  	v19 =	vsub.f32 $3.333333430e-01, v19;
	v8 =	vsub.f32 $1.000000000e+00, v8;
	v28 =	vmul.f32 v25, v20  }
0x101: {  	v24 =	vmul.f32 $6.931471820e-01, v10;
	v32 =	vadd.s32 v15, v31;
	v30 =	vsub.f32 $3.333333430e-01, v27  }
0x102: {  	v19 =	vmul.f32 v19, v16;
	v8 =	vmul.f32 v8, v9;
	v9 =	vsub.f32 $3.333333430e-01, v28  }
0x103: {  	v14 =	vshra.s32 v14, $0x17;
	v17 =	vshra.s32 v17, $0x17;
	v11 =	vmul.f32 v30, v12  }
0x104: {  	v34 =	vsel vm11, $0xFFFFFF82, v0;
	v26 =	vsub.f32 $5.000000000e-01, v19;
	v9 =	vmul.f32 v9, v20  }
0x105: {  	v14 =	vadd.s32 v14, v34;
	v8 =	vadd.f32 v8, v24;
	v11 =	vsub.f32 $5.000000000e-01, v11  }
0x106: {  	v36 =	vsel vm12, $0xFFFFFF82, v0;
	v29 =	vmul.f32 v26, v16;
	v9 =	vsub.f32 $5.000000000e-01, v9  }
0x107: {  	v17 =	vadd.s32 v17, v36;
	v3 =	vsub.f32 v3, v8;
	v11 =	vmul.f32 v11, v12  }
0x108: {  	v8 =	vcvt.s32.f32 v32;
	v10 =	vsub.f32 $1.000000000e+00, v29;
	v9 =	vmul.f32 v9, v20  }
0x109: {  	v37 =	vld [tilespmem:$0x8F0];
	v14 =	vcvt.s32.f32 v14;
	v38 =	vcvt.s32.f32 v17;
	v11 =	vsub.f32 $1.000000000e+00, v11  }
0x10a: {  	v8 =	vmul.f32 $6.931471820e-01, v8;
	v10 =	vmul.f32 v10, v16;
	v9 =	vsub.f32 $1.000000000e+00, v9  }
0x10b: {  	v5 =	vsel vm5, $0x0, v5;
	v39 =	vmul.f32 $6.931471820e-01, v14;
	v11 =	vmul.f32 v11, v12  }
0x10c: {  	v8 =	vadd.f32 v10, v8;
	v10 =	vmul.f32 $6.931471820e-01, v38;
	v9 =	vmul.f32 v9, v20  }
0x10d: {  	v7 =	vsel vm9, $0xC0135D8E, v7;
	v1 =	vadd.f32 $-1.053605150e-01, v1;
	v40 =	vadd.f32 v11, v39  }
0x10e: {  	[tilespmem:$0xA80] =	vst v6;
	vm6 =	veq.s32 v37, $0x1;
	v2 =	vsub.f32 v2, v8;
	v41 =	vadd.f32 v9, v10  }
0x10f: {  	[tilespmem:$0xA90] =	vst v13;
	v4 =	vsel vm6, $0x0, v4;
	v3 =	vadd.f32 $-1.053605150e-01, v3;
	v5 =	vsub.f32 v5, v40  }
0x110: {  	[tilespmem:$0xAA0] =	vst v7;
	v1 =	vsel vm14, $0xC0135D8E, v1;
	v2 =	vadd.f32 $-1.053605150e-01, v2;
	v4 =	vsub.f32 v4, v41  }
0x111: {  	vm8 =	veq.s32 v33, $0x0;
	[tilespmem:$0xAB0] =	vst v1;
	v1 =	vsel vm7, $0xC0135D8E, v3;
	v3 =	vadd.f32 $-1.053605150e-01, v5  }
0x112: {  	vm9 =	veq.s32 v35, $0x0;
	[tilespmem:$0xAC0] =	vst v1;
	v1 =	vsel vm8, $0xC0135D8E, v2;
	v2 =	vadd.f32 $-1.053605150e-01, v4  }
0x113: {  	vm10 =	veq.s32 v37, $0x0;
	[tilespmem:$0xAD0] =	vst v1;
	v1 =	vsel vm9, $0xC0135D8E, v3  }
0x114: {  	[tilespmem:$0xAE0] =	vst v1;
	v1 =	vsel vm10, $0xC0135D8E, v2  }
0x115: {  	[tilespmem:$0xAF0] =	vst v1  }
0x116: {  	_ =	swait.ge [sflag:s26], $0x80  }
0x117: {  	[sflag:s26] =	ssyncset.done $0x0  }
0x118: {  	[sflag:s26] =	ssyncadd.s32 $0xFFFFFF80  }
0x119: {  	_ =	swait.ge [sflag:s26], $0x80  }
0x11a: {  	[sflag:s26] =	ssyncset.done $0x0  }
0x11b: {  	[sflag:s26] =	ssyncadd.s32 $0xFFFFFF80  }
0x11c: {  	v1 =	vld [tilespmem:$0x600]  }
0x11d: {  	v2 =	vld [tilespmem:$0x680];
	_ =	sdelay $0x4  }
0x11e: {  	v1 =	vsub.f32 v2, v1;
	_ =	sdelay $0x1  }
0x11f: {  	v1 =	vadd.f32 $0.0e+00, v1;
	_ =	sdelay $0x1  }
0x120: {  	v2 =	vmul.f32 $1.442695020e+00, v1;
	_ =	sdelay $0x1  }
0x121: {  	(erf) = vpow2.f32 v2  }
0x122: {  	v3 =	vld [tilespmem:$0x610]  }
0x123: {  	v2 =	vld [tilespmem:$0x690];
	_ =	sdelay $0x4  }
0x124: {  	v2 =	vsub.f32 v2, v3;
	_ =	sdelay $0x1  }
0x125: {  	v2 =	vadd.f32 $0.0e+00, v2;
	v3 =	vpop (erf)  }
0x126: {  	v43 =	vadd.f32 $1.000000000e+00, v3  }
0x127: {  	v42 =	vmul.f32 $1.442695020e+00, v2  }
0x128: {  	v44 =	vld [tilespmem:$0x620];
	v3 =	vand.u32 $0x7FFFFF, v43  }
0x129: {  	v45 =	vld [tilespmem:$0x6A0];
	(erf) = vpow2.f32 v42;
	v3 =	vor.u32 $0x3F800000, v3  }
0x12a: {  	v46 =	vmul.f32 $5.000000000e-01, v3  }
0x12b: {  	vm11 =	vgt.f32 v3, $1.414213540e+00  }
0x12c: {  	v3 =	vsel vm11, v46, v3  }
0x12d: {  	v47 =	vadd.f32 $-1.000000000e+00, v3  }
0x12e: {  	v3 =	vsub.f32 v45, v44  }
0x12f: {  	v48 =	vmul.f32 $1.666666720e-01, v47  }
0x130: {  	v7 =	vadd.f32 $0.0e+00, v3  }
0x131: {  	v51 =	vld [tilespmem:$0x630];
	v3 =	vsub.f32 $2.000000030e-01, v48  }
0x132: {  	v53 =	vld [tilespmem:$0x6B0];
	v49 =	vpop (erf);
	v52 =	vmul.f32 $1.442695020e+00, v7  }
0x133: {  	v50 =	vadd.f32 $1.000000000e+00, v49;
	v3 =	vmul.f32 v3, v47  }
0x134: {  	(erf) = vpow2.f32 v52  }
0x135: {  	v54 =	vand.u32 $0x7FFFFF, v50;
	v3 =	vsub.f32 $2.500000000e-01, v3  }
0x136: {  	v11 =	vor.u32 $0x3F800000, v54  }
0x137: {  	v6 =	vsub.f32 v53, v51;
	v55 =	vmul.f32 $5.000000000e-01, v11;
	v3 =	vmul.f32 v3, v47  }
0x138: {  	vm12 =	vgt.f32 v11, $1.414213540e+00  }
0x139: {  	v9 =	vsel vm12, v55, v11;
	v56 =	vsub.f32 $3.333333430e-01, v3;
	v3 =	vadd.f32 $0.0e+00, v6  }
0x13a: {  	v9 =	vadd.f32 $-1.000000000e+00, v9  }
0x13b: {  	v58 =	vmul.f32 $1.442695020e+00, v3  }
0x13c: {  	v57 =	vmul.f32 $1.666666720e-01, v9  }
0x13d: {  	v10 =	vmul.f32 v56, v47;
	v59 =	vpop (erf);
	(erf) = vpow2.f32 v58  }
0x13e: {  	v63 =	vld [tilespmem:$0x900];
	v6 =	vsub.f32 $2.000000030e-01, v57;
	v60 =	vadd.f32 $1.000000000e+00, v59  }
0x13f: {  	v29 =	vld [tilespmem:$0x910];
	v10 =	vsub.f32 $5.000000000e-01, v10  }
0x140: {  	v37 =	vld [tilespmem:$0x660];
	v5 =	vshra.s32 v43, $0x17;
	v6 =	vmul.f32 v6, v9;
	v62 =	vand.u32 $0x7FFFFF, v60  }
0x141: {  	v39 =	vld [tilespmem:$0x6E0];
	v61 =	vsel vm11, $0xFFFFFF82, v0;
	v10 =	vmul.f32 v10, v47;
	v12 =	vor.u32 $0x3F800000, v62  }
0x142: {  	v5 =	vadd.s32 v5, v61;
	v6 =	vsub.f32 $2.500000000e-01, v6;
	v19 =	vmul.f32 $5.000000000e-01, v12  }
0x143: {  	v5 =	vcvt.s32.f32 v5;
	v10 =	vsub.f32 $1.000000000e+00, v10;
	vm13 =	vgt.f32 v12, $1.414213540e+00  }
0x144: {  	vm14 =	veq.s32 v63, $0x1;
	v6 =	vmul.f32 v6, v9;
	v20 =	vsel vm13, v19, v12  }
0x145: {  	v5 =	vmul.f32 $6.931471820e-01, v5;
	v8 =	vmul.f32 v10, v47;
	v10 =	vadd.f32 $-1.000000000e+00, v20  }
0x146: {  	vm6 =	veq.s32 v29, $0x1;
	v14 =	vsub.f32 v39, v37;
	v6 =	vsub.f32 $3.333333430e-01, v6;
	v22 =	vpop (erf)  }
0x147: {  	v21 =	vld [tilespmem:$0x640];
	v5 =	vadd.f32 v8, v5;
	v24 =	vmul.f32 $1.666666720e-01, v10;
	v8 =	vadd.f32 $1.000000000e+00, v22  }
0x148: {  	v23 =	vld [tilespmem:$0x6C0];
	v4 =	vshra.s32 v50, $0x17;
	v26 =	vsel vm12, $0xFFFFFF82, v0;
	v6 =	vmul.f32 v6, v9  }
0x149: {  	v4 =	vadd.s32 v4, v26;
	v15 =	vsub.f32 $2.000000030e-01, v24;
	v27 =	vand.u32 $0x7FFFFF, v8  }
0x14a: {  	v4 =	vcvt.s32.f32 v4;
	v25 =	vsub.f32 $5.000000000e-01, v6;
	v28 =	vor.u32 $0x3F800000, v27  }
0x14b: {  	v1 =	vsel vm14, $0x0, v1;
	v15 =	vmul.f32 v15, v10;
	v30 =	vmul.f32 $5.000000000e-01, v28  }
0x14c: {  	v1 =	vsub.f32 v1, v5;
	v5 =	vmul.f32 v25, v9;
	vm15 =	vgt.f32 v28, $1.414213540e+00  }
0x14d: {  	v31 =	vld [tilespmem:$0x650];
	v12 =	vsub.f32 v23, v21;
	v15 =	vsub.f32 $2.500000000e-01, v15;
	v17 =	vsel vm15, v30, v28  }
0x14e: {  	v32 =	vld [tilespmem:$0x6D0];
	vm7 =	veq.s32 v63, $0x0;
	v5 =	vsub.f32 $1.000000000e+00, v5;
	v33 =	vadd.f32 $-1.000000000e+00, v17  }
0x14f: {  	v4 =	vmul.f32 $6.931471820e-01, v4;
	v6 =	vadd.f32 $0.0e+00, v12;
	v15 =	vmul.f32 v15, v10  }
0x150: {  	vm8 =	veq.s32 v29, $0x0;
	v5 =	vmul.f32 v5, v9;
	v35 =	vmul.f32 $1.666666720e-01, v33  }
0x151: {  	v2 =	vsel vm6, $0x0, v2;
	v49 =	vld [tilespmem:$0x920];
	v34 =	vmul.f32 $1.442695020e+00, v6;
	v36 =	vsub.f32 $3.333333430e-01, v15  }
0x152: {  	v40 =	vld [tilespmem:$0x670];
	v11 =	vshra.s32 v60, $0x17;
	v4 =	vadd.f32 v5, v4;
	v38 =	vsub.f32 $2.000000030e-01, v35  }
0x153: {  	v41 =	vld [tilespmem:$0x6F0];
	v12 =	vsub.f32 v32, v31;
	(erf) = vpow2.f32 v34;
	v5 =	vmul.f32 v36, v10  }
0x154: {  	v45 =	vsel vm13, $0xFFFFFF82, v0;
	v4 =	vsub.f32 v2, v4;
	v17 =	vmul.f32 v38, v33  }
0x155: {  	v59 =	vld [tilespmem:$0x930];
	v11 =	vadd.s32 v11, v45;
	v2 =	vadd.f32 $0.0e+00, v12;
	v5 =	vsub.f32 $5.000000000e-01, v5  }
0x156: {  	vm9 =	veq.s32 v49, $0x1;
	v11 =	vcvt.s32.f32 v11;
	v43 =	vsub.f32 $2.500000000e-01, v17  }
0x157: {  	v7 =	vsel vm9, $0x0, v7;
	v45 =	vld [tilespmem:$0x950];
	v44 =	vmul.f32 $1.442695020e+00, v2;
	v5 =	vmul.f32 v5, v10  }
0x158: {  	v12 =	vsub.f32 v41, v40;
	v42 =	vadd.f32 $-1.053605150e-01, v4;
	v4 =	vmul.f32 v43, v33  }
0x159: {  	(erf) = vpow2.f32 v44;
	v46 =	vsub.f32 $1.000000000e+00, v5;
	v5 =	vadd.f32 $0.0e+00, v14  }
0x15a: {  	vm12 =	veq.s32 v59, $0x1;
	v47 =	vsub.f32 $3.333333430e-01, v4;
	v4 =	vadd.f32 $0.0e+00, v12  }
0x15b: {  	v3 =	vsel vm12, $0x0, v3;
	v11 =	vmul.f32 $6.931471820e-01, v11;
	v51 =	vmul.f32 $1.442695020e+00, v5  }
0x15c: {  	vm9 =	veq.s32 v45, $0x1;
	v1 =	vadd.f32 $-1.053605150e-01, v1;
	v48 =	vpop (erf);
	v53 =	vmul.f32 $1.442695020e+00, v4  }
0x15d: {  	v50 =	vadd.f32 $1.000000000e+00, v48;
	v13 =	vmul.f32 v47, v33;
	(erf) = vpow2.f32 v51  }
0x15e: {  	v8 =	vshra.s32 v8, $0x17;
	v1 =	vsel vm7, $0xC0135D8E, v1;
	(erf) = vpow2.f32 v53  }
0x15f: {  	vm7 =	veq.s32 v59, $0x0;
	v52 =	vand.u32 $0x7FFFFF, v50;
	v55 =	vsub.f32 $5.000000000e-01, v13  }
0x160: {  	v57 =	vsel vm15, $0xFFFFFF82, v0;
	v34 =	vld [tilespmem:$0x940];
	v54 =	vor.u32 $0x3F800000, v52;
	v10 =	vmul.f32 v46, v10  }
0x161: {  	v8 =	vadd.s32 v8, v57;
	v56 =	vmul.f32 $5.000000000e-01, v54;
	v12 =	vmul.f32 v55, v33  }
0x162: {  	v8 =	vcvt.s32.f32 v8;
	vm10 =	vgt.f32 v54, $1.414213540e+00;
	v10 =	vadd.f32 v10, v11;
	v58 =	vpop (erf)  }
0x163: {  	v11 =	vsel vm10, v56, v54;
	v13 =	vadd.f32 $1.000000000e+00, v58;
	v12 =	vsub.f32 $1.000000000e+00, v12  }
0x164: {  	vm15 =	veq.s32 v49, $0x0;
	v8 =	vmul.f32 $6.931471820e-01, v8;
	v11 =	vadd.f32 $-1.000000000e+00, v11  }
0x165: {  	vm12 =	veq.s32 v34, $0x0;
	v61 =	vand.u32 $0x7FFFFF, v13;
	v9 =	vmul.f32 v12, v33  }
0x166: {  	v2 =	vsel vm9, $0x0, v2;
	v60 =	vmul.f32 $1.666666720e-01, v11;
	v62 =	vor.u32 $0x3F800000, v61;
	v23 =	vpop (erf)  }
0x167: {  	v22 =	vmul.f32 $5.000000000e-01, v62;
	v8 =	vadd.f32 v9, v8;
	v9 =	vadd.f32 $1.000000000e+00, v23;
	v24 =	vpop (erf)  }
0x168: {  	v63 =	vsel vm8, $0xC0135D8E, v42;
	vm11 =	vgt.f32 v62, $1.414213540e+00;
	v18 =	vadd.f32 $1.000000000e+00, v24  }
0x169: {  	v16 =	vsub.f32 $2.000000030e-01, v60;
	v12 =	vsel vm11, v22, v62;
	v25 =	vand.u32 $0x7FFFFF, v9  }
0x16a: {  	v12 =	vadd.f32 $-1.000000000e+00, v12;
	v19 =	vor.u32 $0x3F800000, v25;
	v27 =	vand.u32 $0x7FFFFF, v18  }
0x16b: {  	v16 =	vmul.f32 v16, v11;
	v28 =	vmul.f32 $5.000000000e-01, v19;
	v21 =	vor.u32 $0x3F800000, v27  }
0x16c: {  	v26 =	vmul.f32 $1.666666720e-01, v12;
	vm13 =	vgt.f32 v19, $1.414213540e+00;
	v23 =	vmul.f32 $5.000000000e-01, v21  }
0x16d: {  	v16 =	vsub.f32 $2.500000000e-01, v16;
	v19 =	vsel vm13, v28, v19;
	vm14 =	vgt.f32 v21, $1.414213540e+00  }
0x16e: {  	v20 =	vsub.f32 $2.000000030e-01, v26;
	v19 =	vadd.f32 $-1.000000000e+00, v19;
	v21 =	vsel vm14, v23, v21  }
0x16f: {  	v7 =	vsub.f32 v7, v10;
	v16 =	vmul.f32 v16, v11;
	v29 =	vadd.f32 $-1.000000000e+00, v21  }
0x170: {  	vm8 =	veq.s32 v34, $0x1;
	v20 =	vmul.f32 v20, v12;
	v32 =	vmul.f32 $1.666666720e-01, v19  }
0x171: {  	v7 =	vadd.f32 $-1.053605150e-01, v7;
	v16 =	vsub.f32 $3.333333430e-01, v16;
	v21 =	vmul.f32 $1.666666720e-01, v29  }
0x172: {  	v6 =	vsel vm8, $0x0, v6;
	v31 =	vsub.f32 $2.500000000e-01, v20;
	v20 =	vsub.f32 $2.000000030e-01, v32  }
0x173: {  	v15 =	vshra.s32 v50, $0x17;
	v47 =	vld [tilespmem:$0x960];
	v30 =	vmul.f32 v16, v11;
	v21 =	vsub.f32 $2.000000030e-01, v21  }
0x174: {  	v7 =	vsel vm15, $0xC0135D8E, v7;
	v16 =	vmul.f32 v31, v12;
	v20 =	vmul.f32 v20, v19  }
0x175: {  	v39 =	vshra.s32 v13, $0x17;
	v14 =	vsub.f32 $5.000000000e-01, v30;
	v36 =	vmul.f32 v21, v29  }
0x176: {  	v33 =	vsel vm10, $0xFFFFFF82, v0;
	v16 =	vsub.f32 $3.333333430e-01, v16;
	v20 =	vsub.f32 $2.500000000e-01, v20  }
0x177: {  	v35 =	vadd.s32 v15, v33;
	v14 =	vmul.f32 v14, v11;
	v15 =	vsub.f32 $2.500000000e-01, v36  }
0x178: {  	vm10 =	veq.s32 v47, $0x1;
	v16 =	vmul.f32 v16, v12;
	v38 =	vmul.f32 v20, v19  }
0x179: {  	v10 =	vcvt.s32.f32 v35;
	v14 =	vsub.f32 $1.000000000e+00, v14;
	v15 =	vmul.f32 v15, v29  }
0x17a: {  	v41 =	vsel vm11, $0xFFFFFF82, v0;
	v37 =	vsub.f32 $5.000000000e-01, v16;
	v16 =	vsub.f32 $3.333333430e-01, v38  }
0x17b: {  	v42 =	vadd.s32 v39, v41;
	v10 =	vmul.f32 $6.931471820e-01, v10;
	v40 =	vsub.f32 $3.333333430e-01, v15  }
0x17c: {  	v9 =	vshra.s32 v9, $0x17;
	v11 =	vmul.f32 v14, v11;
	v16 =	vmul.f32 v16, v19  }
0x17d: {  	v48 =	vshra.s32 v18, $0x17;
	v46 =	vsel vm13, $0xFFFFFF82, v0;
	v43 =	vmul.f32 v40, v29  }
0x17e: {  	v9 =	vadd.s32 v9, v46;
	v10 =	vadd.f32 v11, v10;
	v44 =	vsub.f32 $5.000000000e-01, v16  }
0x17f: {  	v49 =	vsel vm14, $0xFFFFFF82, v0;
	v14 =	vmul.f32 v37, v12;
	v11 =	vsub.f32 $5.000000000e-01, v43  }
0x180: {  	v6 =	vsub.f32 v6, v10;
	v10 =	vcvt.s32.f32 v42;
	v13 =	vmul.f32 v44, v19  }
0x181: {  	v9 =	vcvt.s32.f32 v9;
	v14 =	vsub.f32 $1.000000000e+00, v14;
	v11 =	vmul.f32 v11, v29  }
0x182: {  	v50 =	vld [tilespmem:$0x970];
	v10 =	vmul.f32 $6.931471820e-01, v10;
	v16 =	vadd.s32 v48, v49;
	v13 =	vsub.f32 $1.000000000e+00, v13  }
0x183: {  	v12 =	vmul.f32 v14, v12;
	v51 =	vcvt.s32.f32 v16;
	v11 =	vsub.f32 $1.000000000e+00, v11  }
0x184: {  	v3 =	vsub.f32 v3, v8;
	v9 =	vmul.f32 $6.931471820e-01, v9;
	v13 =	vmul.f32 v13, v19  }
0x185: {  	v10 =	vadd.f32 v12, v10;
	v52 =	vmul.f32 $6.931471820e-01, v51;
	v8 =	vmul.f32 v11, v29  }
0x186: {  	[tilespmem:$0xB00] =	vst v1;
	v1 =	vsel vm10, $0x0, v5;
	v3 =	vadd.f32 $-1.053605150e-01, v3;
	v9 =	vadd.f32 v13, v9  }
0x187: {  	vm11 =	veq.s32 v50, $0x1;
	v2 =	vsub.f32 v2, v10;
	v53 =	vadd.f32 v8, v52  }
0x188: {  	[tilespmem:$0xB10] =	vst v63;
	v4 =	vsel vm11, $0x0, v4;
	v6 =	vadd.f32 $-1.053605150e-01, v6;
	v1 =	vsub.f32 v1, v9  }
0x189: {  	[tilespmem:$0xB20] =	vst v7;
	v3 =	vsel vm7, $0xC0135D8E, v3;
	v2 =	vadd.f32 $-1.053605150e-01, v2;
	v4 =	vsub.f32 v4, v53  }
0x18a: {  	vm13 =	veq.s32 v45, $0x0;
	[tilespmem:$0xB30] =	vst v3;
	v3 =	vsel vm12, $0xC0135D8E, v6;
	v1 =	vadd.f32 $-1.053605150e-01, v1  }
0x18b: {  	vm14 =	veq.s32 v47, $0x0;
	[tilespmem:$0xB40] =	vst v3;
	v2 =	vsel vm13, $0xC0135D8E, v2;
	v3 =	vadd.f32 $-1.053605150e-01, v4  }
0x18c: {  	vm15 =	veq.s32 v50, $0x0;
	[tilespmem:$0xB50] =	vst v2;
	v1 =	vsel vm14, $0xC0135D8E, v1  }
0x18d: {  	[tilespmem:$0xB60] =	vst v1;
	v1 =	vsel vm15, $0xC0135D8E, v3  }
0x18e: {  	[tilespmem:$0xB70] =	vst v1  }
0x18f: {  	_ =	swait.ge [sflag:s26], $0x80  }
0x190: {  	[sflag:s26] =	ssyncset.done $0x0  }
0x191: {  	[sflag:s26] =	ssyncadd.s32 $0xFFFFFF80  }
0x192: {  	_ =	swait.ge [sflag:s26], $0x80  }
0x193: {  	[sflag:s26] =	ssyncset.done $0x0  }
0x194: {  	[sflag:s26] =	ssyncadd.s32 $0xFFFFFF80  }
0x195: {  	v1 =	vld [tilespmem:$0x700]  }
0x196: {  	v2 =	vld [tilespmem:$0x780];
	_ =	sdelay $0x4  }
0x197: {  	v1 =	vsub.f32 v2, v1;
	_ =	sdelay $0x1  }
0x198: {  	v1 =	vadd.f32 $0.0e+00, v1;
	_ =	sdelay $0x1  }
0x199: {  	v3 =	vmul.f32 $1.442695020e+00, v1  }
0x19a: {  	v54 =	vld [tilespmem:$0x790]  }
0x19b: {  	v2 =	vld [tilespmem:$0x710];
	(erf) = vpow2.f32 v3;
	_ =	sdelay $0x4  }
0x19c: {  	v55 =	vld [tilespmem:$0x7A0];
	v2 =	vsub.f32 v54, v2  }
0x19d: {  	v3 =	vld [tilespmem:$0x720]  }
0x19e: {  	v2 =	vadd.f32 $0.0e+00, v2;
	_ =	sdelay $0x1  }
0x19f: {  	v56 =	vmul.f32 $1.442695020e+00, v2;
	v57 =	vpop (erf)  }
0x1a0: {  	v58 =	vadd.f32 $1.000000000e+00, v57  }
0x1a1: {  	(erf) = vpow2.f32 v56;
	v3 =	vsub.f32 v55, v3  }
0x1a2: {  	v59 =	vand.u32 $0x7FFFFF, v58  }
0x1a3: {  	v4 =	vadd.f32 $0.0e+00, v3;
	v60 =	vor.u32 $0x3F800000, v59  }
0x1a4: {  	v3 =	vmul.f32 $5.000000000e-01, v60  }
0x1a5: {  	v61 =	vmul.f32 $1.442695020e+00, v4;
	vm4 =	vgt.f32 v60, $1.414213540e+00  }
0x1a6: {  	v3 =	vsel vm4, v3, v60  }
0x1a7: {  	(erf) = vpow2.f32 v61;
	v6 =	vadd.f32 $-1.000000000e+00, v3;
	_ =	sdelay $0x1  }
0x1a8: {  	v62 =	vmul.f32 $1.666666720e-01, v6  }
0x1a9: {  	v3 =	vpop (erf)  }
0x1aa: {  	v63 =	vadd.f32 $1.000000000e+00, v3;
	v3 =	vsub.f32 $2.000000030e-01, v62;
	_ =	sdelay $0x1  }
0x1ab: {  	v16 =	vand.u32 $0x7FFFFF, v63;
	v3 =	vmul.f32 v3, v6  }
0x1ac: {  	v7 =	vor.u32 $0x3F800000, v16  }
0x1ad: {  	v18 =	vmul.f32 $5.000000000e-01, v7;
	v3 =	vsub.f32 $2.500000000e-01, v3  }
0x1ae: {  	v20 =	vpop (erf);
	vm5 =	vgt.f32 v7, $1.414213540e+00  }
0x1af: {  	v10 =	vadd.f32 $1.000000000e+00, v20;
	v7 =	vsel vm5, v18, v7;
	v3 =	vmul.f32 v3, v6  }
0x1b0: {  	v7 =	vadd.f32 $-1.000000000e+00, v7  }
0x1b1: {  	v17 =	vld [tilespmem:$0x730];
	v22 =	vsub.f32 $3.333333430e-01, v3;
	v3 =	vand.u32 $0x7FFFFF, v10  }
0x1b2: {  	v19 =	vld [tilespmem:$0x7B0];
	v21 =	vmul.f32 $1.666666720e-01, v7;
	v23 =	vor.u32 $0x3F800000, v3  }
0x1b3: {  	v25 =	vmul.f32 $5.000000000e-01, v23  }
0x1b4: {  	v12 =	vsub.f32 $2.000000030e-01, v21;
	vm6 =	vgt.f32 v23, $1.414213540e+00  }
0x1b5: {  	v11 =	vsel vm6, v25, v23  }
0x1b6: {  	v12 =	vmul.f32 v12, v7;
	v11 =	vadd.f32 $-1.000000000e+00, v11  }
0x1b7: {  	v9 =	vsub.f32 v19, v17;
	v24 =	vmul.f32 v22, v6  }
0x1b8: {  	v12 =	vsub.f32 $2.500000000e-01, v12;
	v29 =	vmul.f32 $1.666666720e-01, v11  }
0x1b9: {  	v28 =	vld [tilespmem:$0x740];
	v3 =	vadd.f32 $0.0e+00, v9;
	v9 =	vsub.f32 $5.000000000e-01, v24  }
0x1ba: {  	v30 =	vld [tilespmem:$0x7C0];
	v5 =	vshra.s32 v58, $0x17;
	v12 =	vmul.f32 v12, v7;
	v13 =	vsub.f32 $2.000000030e-01, v29  }
0x1bb: {  	v31 =	vld [tilespmem:$0x980];
	v27 =	vsel vm4, $0xFFFFFF82, v0;
	v26 =	vmul.f32 $1.442695020e+00, v3;
	v9 =	vmul.f32 v9, v6  }
0x1bc: {  	v41 =	vld [tilespmem:$0x990];
	v5 =	vadd.s32 v5, v27;
	v12 =	vsub.f32 $3.333333430e-01, v12;
	v33 =	vmul.f32 v13, v11  }
0x1bd: {  	v5 =	vcvt.s32.f32 v5;
	(erf) = vpow2.f32 v26;
	v9 =	vsub.f32 $1.000000000e+00, v9  }
0x1be: {  	v54 =	vld [tilespmem:$0x9A0];
	v32 =	vmul.f32 v12, v7;
	v12 =	vsub.f32 $2.500000000e-01, v33  }
0x1bf: {  	v34 =	vsub.f32 v30, v28;
	v5 =	vmul.f32 $6.931471820e-01, v5;
	v6 =	vmul.f32 v9, v6  }
0x1c0: {  	vm7 =	veq.s32 v31, $0x1;
	vm9 =	veq.s32 v31, $0x0;
	v12 =	vmul.f32 v12, v11  }
0x1c1: {  	v49 =	vld [tilespmem:$0x770];
	vm10 =	veq.s32 v41, $0x1;
	v5 =	vadd.f32 v6, v5;
	v6 =	vadd.f32 $0.0e+00, v34  }
0x1c2: {  	v51 =	vld [tilespmem:$0x7F0];
	vm13 =	veq.s32 v41, $0x0;
	v1 =	vsel vm7, $0x0, v1;
	v12 =	vsub.f32 $3.333333430e-01, v12  }
0x1c3: {  	v52 =	vsel vm10, $0x0, v2;
	vm11 =	veq.s32 v54, $0x1;
	v37 =	vmul.f32 $1.442695020e+00, v6  }
0x1c4: {  	v39 =	vld [tilespmem:$0x750];
	vm14 =	veq.s32 v54, $0x0;
	v1 =	vsub.f32 v1, v5;
	v12 =	vmul.f32 v12, v11  }
0x1c5: {  	v40 =	vld [tilespmem:$0x7D0];
	v4 =	vsel vm11, $0x0, v4;
	v8 =	vshra.s32 v63, $0x17;
	(erf) = vpow2.f32 v37  }
0x1c6: {  	v63 =	vld [tilespmem:$0x9B0];
	v35 =	vsel vm5, $0xFFFFFF82, v0;
	v36 =	vpop (erf);
	v43 =	vadd.f32 $-1.053605150e-01, v1;
	v1 =	vsub.f32 $5.000000000e-01, v12  }
0x1c7: {  	v57 =	vsub.f32 v51, v49;
	v8 =	vadd.s32 v8, v35;
	v14 =	vadd.f32 $1.000000000e+00, v36  }
0x1c8: {  	v10 =	vshra.s32 v10, $0x17;
	v48 =	vsel vm6, $0xFFFFFF82, v0;
	v1 =	vmul.f32 v1, v11  }
0x1c9: {  	v45 =	vld [tilespmem:$0x760];
	v8 =	vcvt.s32.f32 v8;
	v10 =	vadd.s32 v10, v48;
	v38 =	vand.u32 $0x7FFFFF, v14  }
0x1ca: {  	v47 =	vld [tilespmem:$0x7E0];
	v13 =	vsub.f32 v40, v39;
	v15 =	vor.u32 $0x3F800000, v38;
	v1 =	vsub.f32 $1.000000000e+00, v1  }
0x1cb: {  	vm15 =	veq.s32 v63, $0x1;
	v2 =	vcvt.s32.f32 v10;
	v42 =	vmul.f32 $5.000000000e-01, v15  }
0x1cc: {  	v8 =	vmul.f32 $6.931471820e-01, v8;
	v13 =	vadd.f32 $0.0e+00, v13;
	vm8 =	vgt.f32 v15, $1.414213540e+00  }
0x1cd: {  	v2 =	vmul.f32 $6.931471820e-01, v2;
	v9 =	vsub.f32 $5.000000000e-01, v32;
	v44 =	vsel vm8, v42, v15  }
0x1ce: {  	v39 =	vld [tilespmem:$0x9D0];
	v55 =	vmul.f32 $1.442695020e+00, v13;
	v46 =	vadd.f32 $-1.000000000e+00, v44;
	v11 =	vmul.f32 v1, v11;
	v1 =	vpop (erf)  }
0x1cf: {  	v9 =	vmul.f32 v9, v7;
	v12 =	vsub.f32 v47, v45;
	v56 =	vadd.f32 $1.000000000e+00, v1  }
0x1d0: {  	v3 =	vsel vm15, $0x0, v3;
	(erf) = vpow2.f32 v55;
	v50 =	vmul.f32 $1.666666720e-01, v46  }
0x1d1: {  	v11 =	vadd.f32 v11, v2;
	v1 =	vadd.f32 $0.0e+00, v12;
	v2 =	vand.u32 $0x7FFFFF, v56  }
0x1d2: {  	v33 =	vld [tilespmem:$0x9C0];
	v53 =	vsub.f32 $2.000000030e-01, v50;
	v58 =	vor.u32 $0x3F800000, v2;
	v2 =	vadd.f32 $0.0e+00, v57  }
0x1d3: {  	vm7 =	veq.s32 v39, $0x1;
	v9 =	vsub.f32 $1.000000000e+00, v9;
	v59 =	vmul.f32 $1.442695020e+00, v1  }
0x1d4: {  	v14 =	vshra.s32 v14, $0x17;
	v10 =	vmul.f32 v53, v46;
	v61 =	vmul.f32 $1.442695020e+00, v2  }
0x1d5: {  	v13 =	vsel vm7, $0x0, v13;
	v7 =	vmul.f32 v9, v7;
	(erf) = vpow2.f32 v59  }
0x1d6: {  	v34 =	vsel vm8, $0xFFFFFF82, v0;
	v10 =	vsub.f32 $2.500000000e-01, v10;
	(erf) = vpow2.f32 v61  }
0x1d7: {  	vm4 =	veq.s32 v33, $0x1;
	v14 =	vadd.s32 v14, v34;
	v7 =	vadd.f32 v7, v8  }
0x1d8: {  	v6 =	vsel vm4, $0x0, v6;
	v14 =	vcvt.s32.f32 v14;
	v10 =	vmul.f32 v10, v46  }
0x1d9: {  	v9 =	vsel vm9, $0xC0135D8E, v43;
	vm9 =	veq.s32 v63, $0x0;
	v7 =	vsub.f32 v52, v7  }
0x1da: {  	v14 =	vmul.f32 $6.931471820e-01, v14;
	v60 =	vmul.f32 $5.000000000e-01, v58;
	v10 =	vsub.f32 $3.333333430e-01, v10  }
0x1db: {  	v7 =	vadd.f32 $-1.053605150e-01, v7;
	v31 =	vpop (erf);
	v4 =	vsub.f32 v4, v11;
	vm12 =	vgt.f32 v58, $1.414213540e+00  }
0x1dc: {  	v62 =	vsel vm12, v60, v58;
	v30 =	vmul.f32 v10, v46;
	v10 =	vadd.f32 $1.000000000e+00, v31  }
0x1dd: {  	v7 =	vsel vm13, $0xC0135D8E, v7;
	v15 =	vshra.s32 v56, $0x17;
	v11 =	vadd.f32 $-1.000000000e+00, v62  }
0x1de: {  	v4 =	vadd.f32 $-1.053605150e-01, v4;
	v5 =	vsub.f32 $5.000000000e-01, v30;
	v35 =	vand.u32 $0x7FFFFF, v10;
	v36 =	vpop (erf)  }
0x1df: {  	v32 =	vmul.f32 $1.666666720e-01, v11;
	v19 =	vor.u32 $0x3F800000, v35;
	v20 =	vadd.f32 $1.000000000e+00, v36;
	v24 =	vpop (erf)  }
0x1e0: {  	v5 =	vmul.f32 v5, v46;
	v38 =	vmul.f32 $5.000000000e-01, v19;
	v24 =	vadd.f32 $1.000000000e+00, v24  }
0x1e1: {  	vm5 =	vgt.f32 v19, $1.414213540e+00;
	v16 =	vsub.f32 $2.000000030e-01, v32;
	v40 =	vand.u32 $0x7FFFFF, v20  }
0x1e2: {  	v19 =	vsel vm5, v38, v19;
	v22 =	vor.u32 $0x3F800000, v40;
	v27 =	vand.u32 $0x7FFFFF, v24  }
0x1e3: {  	v19 =	vadd.f32 $-1.000000000e+00, v19;
	v26 =	vmul.f32 $5.000000000e-01, v22;
	v27 =	vor.u32 $0x3F800000, v27  }
0x1e4: {  	v16 =	vmul.f32 v16, v11;
	vm6 =	vgt.f32 v22, $1.414213540e+00;
	v41 =	vmul.f32 $5.000000000e-01, v27  }
0x1e5: {  	v28 =	vmul.f32 $1.666666720e-01, v19;
	v22 =	vsel vm6, v26, v22;
	vm8 =	vgt.f32 v27, $1.414213540e+00  }
0x1e6: {  	v16 =	vsub.f32 $2.500000000e-01, v16;
	v22 =	vadd.f32 $-1.000000000e+00, v22;
	v26 =	vsel vm8, v41, v27  }
0x1e7: {  	v37 =	vsel vm12, $0xFFFFFF82, v0;
	v28 =	vsub.f32 $2.000000030e-01, v28;
	v26 =	vadd.f32 $-1.000000000e+00, v26  }
0x1e8: {  	v5 =	vsub.f32 $1.000000000e+00, v5;
	v16 =	vmul.f32 v16, v11;
	v43 =	vmul.f32 $1.666666720e-01, v22  }
0x1e9: {  	v15 =	vadd.s32 v15, v37;
	v42 =	vmul.f32 v28, v19;
	v44 =	vmul.f32 $1.666666720e-01, v26  }
0x1ea: {  	v5 =	vmul.f32 v5, v46;
	v16 =	vsub.f32 $3.333333430e-01, v16;
	v46 =	vsub.f32 $2.000000030e-01, v43  }
0x1eb: {  	v15 =	vcvt.s32.f32 v15;
	v18 =	vsub.f32 $2.500000000e-01, v42;
	v47 =	vsub.f32 $2.000000030e-01, v44  }
0x1ec: {  	v4 =	vsel vm14, $0xC0135D8E, v4;
	v45 =	vmul.f32 v16, v11;
	v16 =	vmul.f32 v46, v22  }
0x1ed: {  	vm12 =	veq.s32 v33, $0x0;
	v18 =	vmul.f32 v18, v19;
	v50 =	vmul.f32 v47, v26  }
0x1ee: {  	v10 =	vshra.s32 v10, $0x17;
	v8 =	vsub.f32 $5.000000000e-01, v45;
	v16 =	vsub.f32 $2.500000000e-01, v16  }
0x1ef: {  	v25 =	vsel vm5, $0xFFFFFF82, v0;
	v49 =	vsub.f32 $3.333333430e-01, v18;
	v18 =	vsub.f32 $2.500000000e-01, v50  }
0x1f0: {  	v10 =	vadd.s32 v10, v25;
	v8 =	vmul.f32 v8, v11;
	v16 =	vmul.f32 v16, v22  }
0x1f1: {  	v5 =	vadd.f32 v5, v14;
	v14 =	vmul.f32 v49, v19;
	v52 =	vmul.f32 v18, v26  }
0x1f2: {  	v10 =	vcvt.s32.f32 v10;
	v8 =	vsub.f32 $1.000000000e+00, v8;
	v54 =	vsub.f32 $3.333333430e-01, v16  }
0x1f3: {  	v53 =	vmul.f32 $6.931471820e-01, v15;
	v51 =	vsub.f32 $5.000000000e-01, v14;
	v14 =	vsub.f32 $3.333333430e-01, v52  }
0x1f4: {  	v10 =	vmul.f32 $6.931471820e-01, v10;
	v58 =	vshra.s32 v20, $0x17;
	v55 =	vmul.f32 v54, v22  }
0x1f5: {  	v3 =	vsub.f32 v3, v5;
	v8 =	vmul.f32 v8, v11;
	v14 =	vmul.f32 v14, v26  }
0x1f6: {  	v48 =	vsel vm6, $0xFFFFFF82, v0;
	v60 =	vshra.s32 v24, $0x17;
	v11 =	vsub.f32 $5.000000000e-01, v55  }
0x1f7: {  	v59 =	vld [tilespmem:$0x9E0];
	v5 =	vmul.f32 v51, v19;
	v8 =	vadd.f32 v8, v53;
	v57 =	vsub.f32 $5.000000000e-01, v14  }
0x1f8: {  	v12 =	vadd.s32 v58, v48;
	v56 =	vsel vm8, $0xFFFFFF82, v0;
	v11 =	vmul.f32 v11, v22  }
0x1f9: {  	v5 =	vsub.f32 $1.000000000e+00, v5;
	v6 =	vsub.f32 v6, v8;
	v8 =	vmul.f32 v57, v26  }
0x1fa: {  	v61 =	vld [tilespmem:$0x9F0];
	v12 =	vcvt.s32.f32 v12;
	v15 =	vadd.s32 v60, v56;
	v11 =	vsub.f32 $1.000000000e+00, v11  }
0x1fb: {  	v62 =	vcvt.s32.f32 v15;
	v5 =	vmul.f32 v5, v19;
	v8 =	vsub.f32 $1.000000000e+00, v8  }
0x1fc: {  	vm10 =	veq.s32 v59, $0x1;
	v12 =	vmul.f32 $6.931471820e-01, v12;
	v11 =	vmul.f32 v11, v22  }
0x1fd: {  	v5 =	vadd.f32 v5, v10;
	v10 =	vmul.f32 $6.931471820e-01, v62;
	v8 =	vmul.f32 v8, v26  }
0x1fe: {  	v1 =	vsel vm10, $0x0, v1;
	v3 =	vadd.f32 $-1.053605150e-01, v3;
	v11 =	vadd.f32 v11, v12  }
0x1ff: {  	[tilespmem:$0xB80] =	vst v9;
	vm11 =	veq.s32 v61, $0x1;
	v5 =	vsub.f32 v13, v5;
	v8 =	vadd.f32 v8, v10  }
0x200: {  	[tilespmem:$0xB90] =	vst v7;
	v2 =	vsel vm11, $0x0, v2;
	v6 =	vadd.f32 $-1.053605150e-01, v6;
	v1 =	vsub.f32 v1, v11  }
0x201: {  	[tilespmem:$0xBA0] =	vst v4;
	v3 =	vsel vm9, $0xC0135D8E, v3;
	v63 =	vadd.f32 $-1.053605150e-01, v5;
	v2 =	vsub.f32 v2, v8  }
0x202: {  	vm13 =	veq.s32 v39, $0x0;
	[tilespmem:$0xBB0] =	vst v3;
	v3 =	vsel vm12, $0xC0135D8E, v6;
	v1 =	vadd.f32 $-1.053605150e-01, v1  }
0x203: {  	vm14 =	veq.s32 v59, $0x0;
	[tilespmem:$0xBC0] =	vst v3;
	v3 =	vsel vm13, $0xC0135D8E, v63;
	v2 =	vadd.f32 $-1.053605150e-01, v2  }
0x204: {  	vm15 =	veq.s32 v61, $0x0;
	[tilespmem:$0xBD0] =	vst v3;
	v1 =	vsel vm14, $0xC0135D8E, v1  }
0x205: {  	p0 =	sne.s32 s7, $0x1;
	[tilespmem:$0xBE0] =	vst v1;
	v1 =	vsel vm15, $0xC0135D8E, v2  }
.Ltmp0:
0x206: {  	[tilespmem:$0xBF0] =	vst v1;
	(pc) =	sbr.rel @p0 .LBB2_1-.Ltmp0, $4  }
0x207: {  	[hbm4b:s6+s2] =	stream.linear.scatter [tilespmem:s28], [sflag:$0x3], $0x200, $0x38;
	[tilespmem:$0xC00] =	vst v63  }
0x208: {  	_ =	swait.ge [sflag:s9], $0x200  }
0x209: {  	[sflag:s9] =	ssyncset.done $0x0  }
0x20a: {  	s7 =	sadd.s32 $0xFFFFFFFF, s7;
	[sflag:s9] =	ssyncadd.s32 $0xFFFFFE00  }
0x20b: {  	_ =	sfence.sel $0x180000  }
0x20c: {  	[bflag:$0x0] =	sbarrier.arrive $0xFFFF  }
0x20d: {  	p0 =	sne.s32 s1, $0x0;
	_ =	strace $0x90000047  }
0x20e: {  	s0 =	sadd.s32 @!p0 $0x100000, s0;
	[bflag:$0x2] =	sbarrier.arrive $0xFFFF  }
0x20f: {  	[sflag:s0] =	ssyncadd.tile.s32 @!p0 $0x1;
	_ =	shalt  }
.Lfunc_end2:
_tile_overlayer_lowered:
.L_overlay_start_2:
0x210: {  	(tag) =	ssettag $0x2  }
0x211: {  	s0 =	rddreg [dreg:$0x0];
	s2 =	stileid.u32  }
0x212: {  	s1 =	rddreg [dreg:$0x1];
	p0 =	sne.s32 s2, $0x0  }
0x213: {  	s3 =	rddreg [dreg:$0x2];
	[bflag:$0x3] =	sbarrier.arrive $0xFFFF;
	s2 =	simm.s32 @!p0 $0x1C03  }
0x214: {  	[timem:s3], [sflag:s2] =	dma.local @!p0 [hbm:s0], s1  }
0x215: {  	s0 =	simm.s32 @!p0 $0x3  }
0x216: {  	_ =	swait.ge @!p0 [sflag:s0], s1  }
0x217: {  	s1 =	ssub.s32 @!p0 $0x0, s1;
	[sflag:s0] =	ssyncset.done @!p0 $0x0  }
0x218: {  	[sflag:s0] =	ssyncadd.s32 @!p0 s1  }
0x219: {  	[bflag:$0x3] =	sbarrier.arrive $0xFFFF  }
0x21a: {  	_ =	shalt  }

</sc_bundles>
